<compile_context>
chip_gen: v7x
topology: tpu7x:2x2x1
jax: 0.10.2.dev20260603
libtpu: 0.0.44.dev20260713+nightly
codegen_flags: <defaults>
</compile_context>

<pallas_src>
import functools

import jax
import jax.numpy as jnp
from jax import lax
from jax.experimental import pallas as pl
from jax.experimental.pallas import tpu as pltpu
from jax.experimental.pallas import tpu_sc as plsc

N = 10000
NPAD = 10240
DIN, DH, DOUT = 128, 64, 128
NC, NS = 2, 16
NW = NC * NS
C = 128
E = 320000
K = -(-E // (NW * C))
EPAD = NW * K * C
RPT = NPAD // NS

_mesh = plsc.VectorSubcoreMesh(core_axis_name="c", subcore_axis_name="s")
_sc_params = pltpu.CompilerParams(use_tc_tiling_on_sc=False)


def _deg_pass(dst_r):

    @functools.partial(
        pl.kernel,
        out_type=jax.ShapeDtypeStruct((NC, NPAD), jnp.float32),
        mesh=_mesh,
        scratch_types=[
            pltpu.VMEM((K, C), jnp.int32),
            pltpu.VMEM((C,), jnp.float32),
            pltpu.VMEM((RPT,), jnp.float32),
            pltpu.VMEM_SHARED((NPAD,), jnp.float32),
        ],
        compiler_params=_sc_params,
    )
    def degk(dst_hbm, out_hbm, dst_v, ones_v, z_v, acc_sh):
        c = lax.axis_index("c")
        s = lax.axis_index("s")
        wid = c * NS + s
        pltpu.sync_copy(dst_hbm.at[wid], dst_v)
        one16 = jnp.ones((16,), jnp.float32)
        zero16 = jnp.zeros((16,), jnp.float32)
        for j in range(0, C, 16):
            ones_v[pl.ds(j, 16)] = one16

        def zr(i, carry):
            z_v[pl.ds(i * 16, 16)] = zero16
            return carry

        lax.fori_loop(0, RPT // 16, zr, 0)
        pltpu.sync_copy(z_v, acc_sh.at[pl.ds(s * RPT, RPT)])
        plsc.subcore_barrier()

        def body(kk, carry):
            pltpu.sync_copy(ones_v, acc_sh.at[dst_v.at[kk]], add=True)
            return carry

        lax.fori_loop(0, K, body, 0)
        plsc.subcore_barrier()
        pltpu.sync_copy(acc_sh.at[pl.ds(s * RPT, RPT)],
                        out_hbm.at[c, pl.ds(s * RPT, RPT)])

    return degk(dst_r)


def _edge_pass(feat, src_r, dst_r, d):

    @functools.partial(
        pl.kernel,
        out_type=jax.ShapeDtypeStruct((NC, NPAD, d), jnp.float32),
        mesh=_mesh,
        scratch_types=[
            pltpu.VMEM((K, C), jnp.int32),
            pltpu.VMEM((K, C), jnp.int32),
            pltpu.VMEM((2, C, d), jnp.float32),
            pltpu.VMEM_SHARED((NPAD, d), jnp.float32),
            pltpu.SemaphoreType.DMA,
            pltpu.SemaphoreType.DMA,
        ],
        compiler_params=_sc_params,
    )
    def edgek(feat_hbm, src_hbm, dst_hbm, out_hbm, src_v, dst_v, rows_v, acc_sh,
              sem0, sem1):
        c = lax.axis_index("c")
        s = lax.axis_index("s")
        wid = c * NS + s
        pltpu.sync_copy(src_hbm.at[wid], src_v)
        pltpu.sync_copy(dst_hbm.at[wid], dst_v)

        zero16 = jnp.zeros((16,), jnp.float32)

        def zrow(r, carry):
            for j in range(0, d, 16):
                rows_v[0, r, pl.ds(j, 16)] = zero16
            return carry

        lax.fori_loop(0, C, zrow, 0)
        for i in range(RPT // C):
            pltpu.sync_copy(rows_v.at[0],
                            acc_sh.at[pl.ds(s * RPT + i * C, C)])
        plsc.subcore_barrier()

        pltpu.async_copy(feat_hbm.at[src_v.at[0]], rows_v.at[0], sem0)

        def body(g, carry):
            k0 = 2 * g
            pltpu.make_async_copy(feat_hbm.at[src_v.at[k0]], rows_v.at[0], sem0).wait()
            pltpu.async_copy(feat_hbm.at[src_v.at[k0 + 1]], rows_v.at[1], sem1)
            pltpu.sync_copy(rows_v.at[0], acc_sh.at[dst_v.at[k0]], add=True)
            pltpu.make_async_copy(feat_hbm.at[src_v.at[k0 + 1]], rows_v.at[1], sem1).wait()
            pltpu.async_copy(feat_hbm.at[src_v.at[k0 + 2]], rows_v.at[0], sem0)
            pltpu.sync_copy(rows_v.at[1], acc_sh.at[dst_v.at[k0 + 1]], add=True)
            return carry

        lax.fori_loop(0, (K - 1) // 2, body, 0)
        pltpu.make_async_copy(feat_hbm.at[src_v.at[K - 1]], rows_v.at[0], sem0).wait()
        pltpu.sync_copy(rows_v.at[0], acc_sh.at[dst_v.at[K - 1]], add=True)
        plsc.subcore_barrier()
        pltpu.sync_copy(acc_sh.at[pl.ds(s * RPT, RPT)],
                        out_hbm.at[c, pl.ds(s * RPT, RPT)])

    return edgek(feat, src_r, dst_r)


_BR = 640


def _tc_a(xp, W1, degp_t):

    def body(x_ref, w_ref, dp_ref, g_ref, di_ref):
        dp = dp_ref[...]
        deg = dp[:, 0:1] + dp[:, 1:2] + 1.0
        dinv = lax.rsqrt(deg)
        h0 = jnp.dot(x_ref[...], w_ref[...], preferred_element_type=jnp.float32)
        g_ref[...] = h0 * dinv
        di_ref[...] = dinv

    grid = (NPAD // _BR,)
    return pl.pallas_call(
        body,
        grid=grid,
        in_specs=[
            pl.BlockSpec((_BR, DIN), lambda i: (i, 0)),
            pl.BlockSpec((DIN, DH), lambda i: (0, 0)),
            pl.BlockSpec((_BR, NC), lambda i: (i, 0)),
        ],
        out_specs=[
            pl.BlockSpec((_BR, DH), lambda i: (i, 0)),
            pl.BlockSpec((_BR, 1), lambda i: (i, 0)),
        ],
        out_shape=[
            jax.ShapeDtypeStruct((NPAD, DH), jnp.float32),
            jax.ShapeDtypeStruct((NPAD, 1), jnp.float32),
        ],
    )(xp, W1, degp_t)


def _tc_b(p0, p1, ghat, dinv, b1r, W2):

    def body(p0_ref, p1_ref, g_ref, di_ref, b_ref, w_ref, oa_ref, ob_ref):
        di = di_ref[...]
        h = di * (p0_ref[...] + p1_ref[...] + g_ref[...]) + b_ref[...]
        t = jnp.dot(h, w_ref[...], preferred_element_type=jnp.float32)
        hh = di * t
        oa_ref[...] = hh[:, :DOUT // 2]
        ob_ref[...] = hh[:, DOUT // 2:]

    grid = (NPAD // _BR,)
    return pl.pallas_call(
        body,
        grid=grid,
        in_specs=[
            pl.BlockSpec((_BR, DH), lambda i: (i, 0)),
            pl.BlockSpec((_BR, DH), lambda i: (i, 0)),
            pl.BlockSpec((_BR, DH), lambda i: (i, 0)),
            pl.BlockSpec((_BR, 1), lambda i: (i, 0)),
            pl.BlockSpec((1, DH), lambda i: (0, 0)),
            pl.BlockSpec((DH, DOUT), lambda i: (0, 0)),
        ],
        out_specs=[
            pl.BlockSpec((_BR, DOUT // 2), lambda i: (i, 0)),
            pl.BlockSpec((_BR, DOUT // 2), lambda i: (i, 0)),
        ],
        out_shape=[
            jax.ShapeDtypeStruct((NPAD, DOUT // 2), jnp.float32),
            jax.ShapeDtypeStruct((NPAD, DOUT // 2), jnp.float32),
        ],
    )(p0, p1, ghat, dinv, b1r, W2)


def _tc_c(qa, qb, ha, hb, dinv, b2r):

    def body(qa0_ref, qa1_ref, qb0_ref, qb1_ref, ha_ref, hb_ref, di_ref, b_ref, o_ref):
        di = di_ref[...]
        b = b_ref[...]
        left = di * (qa0_ref[...] + qa1_ref[...] + ha_ref[...]) + b[:, :DOUT // 2]
        right = di * (qb0_ref[...] + qb1_ref[...] + hb_ref[...]) + b[:, DOUT // 2:]
        o_ref[...] = jnp.concatenate([left, right], axis=-1)

    grid = (NPAD // _BR,)
    half = pl.BlockSpec((_BR, DOUT // 2), lambda i: (i, 0))
    return pl.pallas_call(
        body,
        grid=grid,
        in_specs=[half, half, half, half, half, half,
                  pl.BlockSpec((_BR, 1), lambda i: (i, 0)),
                  pl.BlockSpec((1, DOUT), lambda i: (0, 0))],
        out_specs=pl.BlockSpec((_BR, DOUT), lambda i: (i, 0)),
        out_shape=jax.ShapeDtypeStruct((NPAD, DOUT), jnp.float32),
    )(qa[0], qa[1], qb[0], qb[1], ha, hb, dinv, b2r)


def kernel(x, edge_index, y, edge_attr, W1, b1, W2, b2):
    src = edge_index[0]
    dst = edge_index[1]
    pad_e = EPAD - E
    pad_dst = N + (jnp.arange(pad_e, dtype=jnp.int32) % (NPAD - N))
    srcp = jnp.concatenate([src, jnp.zeros((pad_e,), jnp.int32)]).reshape(NW, K, C)
    dstp = jnp.concatenate([dst, pad_dst]).reshape(NW, K, C)
    xp = jnp.zeros((NPAD, DIN), jnp.float32).at[:N].set(x)

    degp = _deg_pass(dstp)
    ghat, dinv = _tc_a(xp, W1, degp.T)
    p = _edge_pass(ghat, srcp, dstp, DH)
    ha, hb = _tc_b(p[0], p[1], ghat, dinv, b1.reshape(1, DH), W2)
    qa = _edge_pass(ha, srcp, dstp, DOUT // 2)
    qb = _edge_pass(hb, srcp, dstp, DOUT // 2)
    outp = _tc_c(qa, qb, ha, hb, dinv, b2.reshape(1, DOUT))
    return outp[:N]

# --- scband reference (transcript-rebuilt; emitter-appended) ---
"""Pipeline reference for scband-gcndecoder-64974265254503 (READ-ONLY COPY).

The authoritative reference and input builder live on the scoring server;
editing this copy changes nothing except your own understanding.
"""

import jax, jax.numpy as jnp
import numpy as np

N = 10000
E = 320000
D_IN = 128
D_H = 64
D_OUT = 128


def setup_inputs(seed: int = 0) -> dict:
    key = jax.random.key(seed)
    ks = jax.random.split(key, 8)
    x = jax.random.normal(ks[0], (N, D_IN), dtype=jnp.float32)
    edge_index = jax.random.randint(ks[1], (2, E), 0, N, dtype=jnp.int32)
    y = jax.random.randint(ks[2], (N,), 0, 1, dtype=jnp.int32)
    edge_attr = jax.random.uniform(ks[3], (E,), dtype=jnp.float32)
    # GCNConv weights (glorot-style scaling)
    W1 = jax.random.normal(ks[4], (D_IN, D_H), dtype=jnp.float32) * (1.0 / np.sqrt(D_IN))
    b1 = jnp.zeros((D_H,), dtype=jnp.float32)
    W2 = jax.random.normal(ks[5], (D_H, D_OUT), dtype=jnp.float32) * (1.0 / np.sqrt(D_H))
    b2 = jnp.zeros((D_OUT,), dtype=jnp.float32)
    return {"x": x, "edge_index": edge_index, "y": y, "edge_attr": edge_attr,
            "W1": W1, "b1": b1, "W2": W2, "b2": b2}


def _gcn_conv(x, src, dst, norm, W, b, n_nodes):
    h = x @ W
    msg = h[src] * norm[:, None]
    out = jax.ops.segment_sum(msg, dst, num_segments=n_nodes)
    return out + b


def reference(x, edge_index, y, edge_attr, W1, b1, W2, b2):
    # GCNDecoder with used_edge_weight=False, used_DSBN=False:
    # x = GCNConv_1(x, edge_index); x_recon = GCNConv_recon(x, edge_index)
    # GCNConv: add self-loops, symmetric normalization D^-1/2 A_hat D^-1/2.
    n = x.shape[0]
    src = edge_index[0]
    dst = edge_index[1]
    loop = jnp.arange(n, dtype=src.dtype)
    src_full = jnp.concatenate([src, loop])
    dst_full = jnp.concatenate([dst, loop])
    deg = jax.ops.segment_sum(jnp.ones_like(dst_full, dtype=jnp.float32), dst_full, num_segments=n)
    dinv = jnp.where(deg > 0, 1.0 / jnp.sqrt(deg), 0.0)
    norm = dinv[src_full] * dinv[dst_full]
    h = _gcn_conv(x, src_full, dst_full, norm, W1, b1, n)
    x_recon = _gcn_conv(h, src_full, dst_full, norm, W2, b2, n)
    return x_recon

if __name__ == "__main__":
    import jax
    _d = setup_inputs()
    print(jax.jit(kernel)(*tuple(_d.values())))

</pallas_src>

<mosaic_0001>
#map = affine_map<(d0, d1) -> (0, 0)>
#map1 = affine_map<(d0, d1) -> (0, 0, 0)>
module attributes {stable_mosaic.version = 14 : i64} {
  func.func @edgek(%arg0: i32, %arg1: i32, %arg2: memref<10240x64xf32, #tpu.memory_space<hbm>>, %arg3: memref<32x79x128xi32, #tpu.memory_space<hbm>>, %arg4: memref<32x79x128xi32, #tpu.memory_space<hbm>>, %arg5: memref<2x10240x64xf32, #tpu.memory_space<hbm>>, %arg6: memref<79x128xi32, #tpu.memory_space<vmem>>, %arg7: memref<79x128xi32, #tpu.memory_space<vmem>>, %arg8: memref<2x128x64xf32, #tpu.memory_space<vmem>>, %arg9: memref<10240x64xf32, #tpu.memory_space<vmem_shared>>, %arg10: memref<!tpu.dma_semaphore, #tpu.memory_space<semaphore_mem>>, %arg11: memref<!tpu.dma_semaphore, #tpu.memory_space<semaphore_mem>>) attributes {dimension_semantics = [#tpu.dimension_semantics<core_parallel>, #tpu.dimension_semantics<subcore_parallel>], iteration_bounds = array<i64: 2, 16>, scalar_prefetch = 0 : i64, scratch_operands = 6 : i64, tpu.core_type = #tpu.core_type<sc_vector_subcore>, window_params = [{transform_indices = #map}, {transform_indices = #map1}, {transform_indices = #map1}, {transform_indices = #map1}]} {
    %mul3A = arith.constant 16 : i32
    %mul3A_0 = arith.muli %arg0, %mul3A : i32
    %add3A = arith.addi %mul3A_0, %arg1 : i32
    "tpu.region"() ({
      %run_scoped3A_66 = tpu.sem_alloc : memref<!tpu.dma_semaphore, #tpu.memory_space<semaphore_mem>>
      %dma_start3A_67 = arith.constant 0 : i32
      %dma_start3A_68 = arith.constant 0 : i32
      %dma_start3A_69 = tpu.memref_slice %arg3[%add3A, %dma_start3A_67, %dma_start3A_68] : memref<32x79x128xi32, #tpu.memory_space<hbm>> -> memref<1x79x128xi32, #tpu.memory_space<hbm>>
      %dma_start3A_70 = tpu.memref_squeeze %dma_start3A_69 : memref<1x79x128xi32, #tpu.memory_space<hbm>> -> memref<79x128xi32, #tpu.memory_space<hbm>>
      %dma_start3A_71 = arith.constant 0 : i32
      %dma_start3A_72 = arith.constant 0 : i32
      %dma_start3A_73 = tpu.memref_slice %arg3[%add3A, %dma_start3A_71, %dma_start3A_72] : memref<32x79x128xi32, #tpu.memory_space<hbm>> -> memref<1x79x128xi32, #tpu.memory_space<hbm>>
      %dma_start3A_74 = tpu.memref_squeeze %dma_start3A_73 : memref<1x79x128xi32, #tpu.memory_space<hbm>> -> memref<79x128xi32, #tpu.memory_space<hbm>>
      tpu.enqueue_dma source(%dma_start3A_74 : memref<79x128xi32, #tpu.memory_space<hbm>>) target(%arg6 : memref<79x128xi32, #tpu.memory_space<vmem>>) target_semaphore(%run_scoped3A_66 : memref<!tpu.dma_semaphore, #tpu.memory_space<semaphore_mem>>)
      %dma_wait3A_75 = arith.constant 0 : i32
      %dma_wait3A_76 = arith.constant 0 : i32
      %dma_wait3A_77 = tpu.memref_slice %arg3[%add3A, %dma_wait3A_75, %dma_wait3A_76] : memref<32x79x128xi32, #tpu.memory_space<hbm>> -> memref<1x79x128xi32, #tpu.memory_space<hbm>>
      %dma_wait3A_78 = tpu.memref_squeeze %dma_wait3A_77 : memref<1x79x128xi32, #tpu.memory_space<hbm>> -> memref<79x128xi32, #tpu.memory_space<hbm>>
      %dma_wait3A_79 = arith.constant 0 : i32
      %dma_wait3A_80 = arith.constant 0 : i32
      %dma_wait3A_81 = tpu.memref_slice %arg3[%add3A, %dma_wait3A_79, %dma_wait3A_80] : memref<32x79x128xi32, #tpu.memory_space<hbm>> -> memref<1x79x128xi32, #tpu.memory_space<hbm>>
      %dma_wait3A_82 = tpu.memref_squeeze %dma_wait3A_81 : memref<1x79x128xi32, #tpu.memory_space<hbm>> -> memref<79x128xi32, #tpu.memory_space<hbm>>
      tpu.wait_dma2 semaphore(%run_scoped3A_66 : memref<!tpu.dma_semaphore, #tpu.memory_space<semaphore_mem>>) src(%dma_wait3A_82 : memref<79x128xi32, #tpu.memory_space<hbm>>) dst(%arg6 : memref<79x128xi32, #tpu.memory_space<vmem>>)
      tpu.yield
    }) : () -> ()
    "tpu.region"() ({
      %run_scoped3A_66 = tpu.sem_alloc : memref<!tpu.dma_semaphore, #tpu.memory_space<semaphore_mem>>
      %dma_start3A_67 = arith.constant 0 : i32
      %dma_start3A_68 = arith.constant 0 : i32
      %dma_start3A_69 = tpu.memref_slice %arg4[%add3A, %dma_start3A_67, %dma_start3A_68] : memref<32x79x128xi32, #tpu.memory_space<hbm>> -> memref<1x79x128xi32, #tpu.memory_space<hbm>>
      %dma_start3A_70 = tpu.memref_squeeze %dma_start3A_69 : memref<1x79x128xi32, #tpu.memory_space<hbm>> -> memref<79x128xi32, #tpu.memory_space<hbm>>
      %dma_start3A_71 = arith.constant 0 : i32
      %dma_start3A_72 = arith.constant 0 : i32
      %dma_start3A_73 = tpu.memref_slice %arg4[%add3A, %dma_start3A_71, %dma_start3A_72] : memref<32x79x128xi32, #tpu.memory_space<hbm>> -> memref<1x79x128xi32, #tpu.memory_space<hbm>>
      %dma_start3A_74 = tpu.memref_squeeze %dma_start3A_73 : memref<1x79x128xi32, #tpu.memory_space<hbm>> -> memref<79x128xi32, #tpu.memory_space<hbm>>
      tpu.enqueue_dma source(%dma_start3A_74 : memref<79x128xi32, #tpu.memory_space<hbm>>) target(%arg7 : memref<79x128xi32, #tpu.memory_space<vmem>>) target_semaphore(%run_scoped3A_66 : memref<!tpu.dma_semaphore, #tpu.memory_space<semaphore_mem>>)
      %dma_wait3A_75 = arith.constant 0 : i32
      %dma_wait3A_76 = arith.constant 0 : i32
      %dma_wait3A_77 = tpu.memref_slice %arg4[%add3A, %dma_wait3A_75, %dma_wait3A_76] : memref<32x79x128xi32, #tpu.memory_space<hbm>> -> memref<1x79x128xi32, #tpu.memory_space<hbm>>
      %dma_wait3A_78 = tpu.memref_squeeze %dma_wait3A_77 : memref<1x79x128xi32, #tpu.memory_space<hbm>> -> memref<79x128xi32, #tpu.memory_space<hbm>>
      %dma_wait3A_79 = arith.constant 0 : i32
      %dma_wait3A_80 = arith.constant 0 : i32
      %dma_wait3A_81 = tpu.memref_slice %arg4[%add3A, %dma_wait3A_79, %dma_wait3A_80] : memref<32x79x128xi32, #tpu.memory_space<hbm>> -> memref<1x79x128xi32, #tpu.memory_space<hbm>>
      %dma_wait3A_82 = tpu.memref_squeeze %dma_wait3A_81 : memref<1x79x128xi32, #tpu.memory_space<hbm>> -> memref<79x128xi32, #tpu.memory_space<hbm>>
      tpu.wait_dma2 semaphore(%run_scoped3A_66 : memref<!tpu.dma_semaphore, #tpu.memory_space<semaphore_mem>>) src(%dma_wait3A_82 : memref<79x128xi32, #tpu.memory_space<hbm>>) dst(%arg7 : memref<79x128xi32, #tpu.memory_space<vmem>>)
      tpu.yield
    }) : () -> ()
    %broadcast_in_dim3A = arith.constant 0.000000e+00 : f32
    %broadcast_in_dim3A_1 = vector.broadcast %broadcast_in_dim3A : f32 to vector<16xf32>
    %scan3A = arith.constant 0 : i32
    %scan3A_2 = arith.constant 0 : i32
    %scan3A_3 = arith.constant 128 : i32
    %scan3A_4 = arith.addi %scan3A_2, %scan3A_3 : i32
    %scan3A_5 = arith.constant 1 : i32
    scf.for %scan3A_66 = %scan3A_2 to %scan3A_4 step %scan3A_5  : i32 {
      %swap3A = arith.constant 0 : i32
      %swap3A_67 = arith.index_cast %swap3A : i32 to index
      %swap3A_68 = arith.index_cast %scan3A_66 : i32 to index
      %swap3A_69 = arith.constant 0 : index
      %swap3A_70 = tpu.vector_load %arg8[%swap3A_67, %swap3A_68, %swap3A_69] {strides = array<i32>} : memref<2x128x64xf32, #tpu.memory_space<vmem>>, vector<1x1x16xf32>,
      %swap3A_71 = vector.shape_cast %swap3A_70 : vector<1x1x16xf32> to vector<16xf32>
      %swap3A_72 = vector.shape_cast %broadcast_in_dim3A_1 : vector<16xf32> to vector<1x1x16xf32>
      tpu.vector_store %arg8[%swap3A_67, %swap3A_68, %swap3A_69], %swap3A_72 {strides = array<i32>} : memref<2x128x64xf32, #tpu.memory_space<vmem>>, vector<1x1x16xf32>,
      %swap3A_73 = arith.constant 0 : i32
      %swap3A_74 = arith.index_cast %swap3A_73 : i32 to index
      %swap3A_75 = arith.index_cast %scan3A_66 : i32 to index
      %swap3A_76 = arith.constant 16 : index
      %swap3A_77 = tpu.vector_load %arg8[%swap3A_74, %swap3A_75, %swap3A_76] {strides = array<i32>} : memref<2x128x64xf32, #tpu.memory_space<vmem>>, vector<1x1x16xf32>,
      %swap3A_78 = vector.shape_cast %swap3A_77 : vector<1x1x16xf32> to vector<16xf32>
      %swap3A_79 = vector.shape_cast %broadcast_in_dim3A_1 : vector<16xf32> to vector<1x1x16xf32>
      tpu.vector_store %arg8[%swap3A_74, %swap3A_75, %swap3A_76], %swap3A_79 {strides = array<i32>} : memref<2x128x64xf32, #tpu.memory_space<vmem>>, vector<1x1x16xf32>,
      %swap3A_80 = arith.constant 0 : i32
      %swap3A_81 = arith.index_cast %swap3A_80 : i32 to index
      %swap3A_82 = arith.index_cast %scan3A_66 : i32 to index
      %swap3A_83 = arith.constant 32 : index
      %swap3A_84 = tpu.vector_load %arg8[%swap3A_81, %swap3A_82, %swap3A_83] {strides = array<i32>} : memref<2x128x64xf32, #tpu.memory_space<vmem>>, vector<1x1x16xf32>,
      %swap3A_85 = vector.shape_cast %swap3A_84 : vector<1x1x16xf32> to vector<16xf32>
      %swap3A_86 = vector.shape_cast %broadcast_in_dim3A_1 : vector<16xf32> to vector<1x1x16xf32>
      tpu.vector_store %arg8[%swap3A_81, %swap3A_82, %swap3A_83], %swap3A_86 {strides = array<i32>} : memref<2x128x64xf32, #tpu.memory_space<vmem>>, vector<1x1x16xf32>,
      %swap3A_87 = arith.constant 0 : i32
      %swap3A_88 = arith.index_cast %swap3A_87 : i32 to index
      %swap3A_89 = arith.index_cast %scan3A_66 : i32 to index
      %swap3A_90 = arith.constant 48 : index
      %swap3A_91 = tpu.vector_load %arg8[%swap3A_88, %swap3A_89, %swap3A_90] {strides = array<i32>} : memref<2x128x64xf32, #tpu.memory_space<vmem>>, vector<1x1x16xf32>,
      %swap3A_92 = vector.shape_cast %swap3A_91 : vector<1x1x16xf32> to vector<16xf32>
      %swap3A_93 = vector.shape_cast %broadcast_in_dim3A_1 : vector<16xf32> to vector<1x1x16xf32>
      tpu.vector_store %arg8[%swap3A_88, %swap3A_89, %swap3A_90], %swap3A_93 {strides = array<i32>} : memref<2x128x64xf32, #tpu.memory_space<vmem>>, vector<1x1x16xf32>,
    }
    %scan3A_6 = arith.constant 128 : i32
    %mul3A_7 = arith.constant 640 : i32
    %mul3A_8 = arith.muli %arg1, %mul3A_7 : i32
    %add3A_9 = arith.constant 0 : i32
    %add3A_10 = arith.addi %mul3A_8, %add3A_9 : i32
    %run_scoped3A = arith.constant 0 : i32
    "tpu.region"() ({
      %run_scoped3A_66 = tpu.sem_alloc : memref<!tpu.dma_semaphore, #tpu.memory_space<semaphore_mem>>
      %dma_start3A_67 = arith.constant 0 : i32
      %dma_start3A_68 = arith.constant 0 : i32
      %dma_start3A_69 = tpu.memref_slice %arg8[%run_scoped3A, %dma_start3A_67, %dma_start3A_68] : memref<2x128x64xf32, #tpu.memory_space<vmem>> -> memref<1x128x64xf32, #tpu.memory_space<vmem>>
      %dma_start3A_70 = tpu.memref_squeeze %dma_start3A_69 : memref<1x128x64xf32, #tpu.memory_space<vmem>> -> memref<128x64xf32, #tpu.memory_space<vmem>>
      %dma_start3A_71 = arith.constant 0 : i32
      %dma_start3A_72 = tpu.memref_slice %arg9[%add3A_10, %dma_start3A_71] : memref<10240x64xf32, #tpu.memory_space<vmem_shared>> -> memref<128x64xf32, #tpu.memory_space<vmem_shared>>
      %dma_start3A_73 = arith.constant 0 : i32
      %dma_start3A_74 = tpu.memref_slice %arg9[%add3A_10, %dma_start3A_73] : memref<10240x64xf32, #tpu.memory_space<vmem_shared>> -> memref<128x64xf32, #tpu.memory_space<vmem_shared>>
      %dma_start3A_75 = arith.constant 0 : i32
      %dma_start3A_76 = arith.constant 0 : i32
      %dma_start3A_77 = tpu.memref_slice %arg8[%run_scoped3A, %dma_start3A_75, %dma_start3A_76] : memref<2x128x64xf32, #tpu.memory_space<vmem>> -> memref<1x128x64xf32, #tpu.memory_space<vmem>>
      %dma_start3A_78 = tpu.memref_squeeze %dma_start3A_77 : memref<1x128x64xf32, #tpu.memory_space<vmem>> -> memref<128x64xf32, #tpu.memory_space<vmem>>
      tpu.enqueue_dma source(%dma_start3A_78 : memref<128x64xf32, #tpu.memory_space<vmem>>) target(%dma_start3A_74 : memref<128x64xf32, #tpu.memory_space<vmem_shared>>) target_semaphore(%run_scoped3A_66 : memref<!tpu.dma_semaphore, #tpu.memory_space<semaphore_mem>>)
      %dma_wait3A_79 = arith.constant 0 : i32
      %dma_wait3A_80 = arith.constant 0 : i32
      %dma_wait3A_81 = tpu.memref_slice %arg8[%run_scoped3A, %dma_wait3A_79, %dma_wait3A_80] : memref<2x128x64xf32, #tpu.memory_space<vmem>> -> memref<1x128x64xf32, #tpu.memory_space<vmem>>
      %dma_wait3A_82 = tpu.memref_squeeze %dma_wait3A_81 : memref<1x128x64xf32, #tpu.memory_space<vmem>> -> memref<128x64xf32, #tpu.memory_space<vmem>>
      %dma_wait3A_83 = arith.constant 0 : i32
      %dma_wait3A_84 = tpu.memref_slice %arg9[%add3A_10, %dma_wait3A_83] : memref<10240x64xf32, #tpu.memory_space<vmem_shared>> -> memref<128x64xf32, #tpu.memory_space<vmem_shared>>
      %dma_wait3A_85 = arith.constant 0 : i32
      %dma_wait3A_86 = tpu.memref_slice %arg9[%add3A_10, %dma_wait3A_85] : memref<10240x64xf32, #tpu.memory_space<vmem_shared>> -> memref<128x64xf32, #tpu.memory_space<vmem_shared>>
      %dma_wait3A_87 = arith.constant 0 : i32
      %dma_wait3A_88 = arith.constant 0 : i32
      %dma_wait3A_89 = tpu.memref_slice %arg8[%run_scoped3A, %dma_wait3A_87, %dma_wait3A_88] : memref<2x128x64xf32, #tpu.memory_space<vmem>> -> memref<1x128x64xf32, #tpu.memory_space<vmem>>
      %dma_wait3A_90 = tpu.memref_squeeze %dma_wait3A_89 : memref<1x128x64xf32, #tpu.memory_space<vmem>> -> memref<128x64xf32, #tpu.memory_space<vmem>>
      tpu.wait_dma2 semaphore(%run_scoped3A_66 : memref<!tpu.dma_semaphore, #tpu.memory_space<semaphore_mem>>) src(%dma_wait3A_90 : memref<128x64xf32, #tpu.memory_space<vmem>>) dst(%dma_wait3A_86 : memref<128x64xf32, #tpu.memory_space<vmem_shared>>)
      tpu.yield
    }) : () -> ()
    %mul3A_11 = arith.constant 640 : i32
    %mul3A_12 = arith.muli %arg1, %mul3A_11 : i32
    %add3A_13 = arith.constant 128 : i32
    %add3A_14 = arith.addi %mul3A_12, %add3A_13 : i32
    %run_scoped3A_15 = arith.constant 0 : i32
    "tpu.region"() ({
      %run_scoped3A_66 = tpu.sem_alloc : memref<!tpu.dma_semaphore, #tpu.memory_space<semaphore_mem>>
      %dma_start3A_67 = arith.constant 0 : i32
      %dma_start3A_68 = arith.constant 0 : i32
      %dma_start3A_69 = tpu.memref_slice %arg8[%run_scoped3A_15, %dma_start3A_67, %dma_start3A_68] : memref<2x128x64xf32, #tpu.memory_space<vmem>> -> memref<1x128x64xf32, #tpu.memory_space<vmem>>
      %dma_start3A_70 = tpu.memref_squeeze %dma_start3A_69 : memref<1x128x64xf32, #tpu.memory_space<vmem>> -> memref<128x64xf32, #tpu.memory_space<vmem>>
      %dma_start3A_71 = arith.constant 0 : i32
      %dma_start3A_72 = tpu.memref_slice %arg9[%add3A_14, %dma_start3A_71] : memref<10240x64xf32, #tpu.memory_space<vmem_shared>> -> memref<128x64xf32, #tpu.memory_space<vmem_shared>>
      %dma_start3A_73 = arith.constant 0 : i32
      %dma_start3A_74 = tpu.memref_slice %arg9[%add3A_14, %dma_start3A_73] : memref<10240x64xf32, #tpu.memory_space<vmem_shared>> -> memref<128x64xf32, #tpu.memory_space<vmem_shared>>
      %dma_start3A_75 = arith.constant 0 : i32
      %dma_start3A_76 = arith.constant 0 : i32
      %dma_start3A_77 = tpu.memref_slice %arg8[%run_scoped3A_15, %dma_start3A_75, %dma_start3A_76] : memref<2x128x64xf32, #tpu.memory_space<vmem>> -> memref<1x128x64xf32, #tpu.memory_space<vmem>>
      %dma_start3A_78 = tpu.memref_squeeze %dma_start3A_77 : memref<1x128x64xf32, #tpu.memory_space<vmem>> -> memref<128x64xf32, #tpu.memory_space<vmem>>
      tpu.enqueue_dma source(%dma_start3A_78 : memref<128x64xf32, #tpu.memory_space<vmem>>) target(%dma_start3A_74 : memref<128x64xf32, #tpu.memory_space<vmem_shared>>) target_semaphore(%run_scoped3A_66 : memref<!tpu.dma_semaphore, #tpu.memory_space<semaphore_mem>>)
      %dma_wait3A_79 = arith.constant 0 : i32
      %dma_wait3A_80 = arith.constant 0 : i32
      %dma_wait3A_81 = tpu.memref_slice %arg8[%run_scoped3A_15, %dma_wait3A_79, %dma_wait3A_80] : memref<2x128x64xf32, #tpu.memory_space<vmem>> -> memref<1x128x64xf32, #tpu.memory_space<vmem>>
      %dma_wait3A_82 = tpu.memref_squeeze %dma_wait3A_81 : memref<1x128x64xf32, #tpu.memory_space<vmem>> -> memref<128x64xf32, #tpu.memory_space<vmem>>
      %dma_wait3A_83 = arith.constant 0 : i32
      %dma_wait3A_84 = tpu.memref_slice %arg9[%add3A_14, %dma_wait3A_83] : memref<10240x64xf32, #tpu.memory_space<vmem_shared>> -> memref<128x64xf32, #tpu.memory_space<vmem_shared>>
      %dma_wait3A_85 = arith.constant 0 : i32
      %dma_wait3A_86 = tpu.memref_slice %arg9[%add3A_14, %dma_wait3A_85] : memref<10240x64xf32, #tpu.memory_space<vmem_shared>> -> memref<128x64xf32, #tpu.memory_space<vmem_shared>>
      %dma_wait3A_87 = arith.constant 0 : i32
      %dma_wait3A_88 = arith.constant 0 : i32
      %dma_wait3A_89 = tpu.memref_slice %arg8[%run_scoped3A_15, %dma_wait3A_87, %dma_wait3A_88] : memref<2x128x64xf32, #tpu.memory_space<vmem>> -> memref<1x128x64xf32, #tpu.memory_space<vmem>>
      %dma_wait3A_90 = tpu.memref_squeeze %dma_wait3A_89 : memref<1x128x64xf32, #tpu.memory_space<vmem>> -> memref<128x64xf32, #tpu.memory_space<vmem>>
      tpu.wait_dma2 semaphore(%run_scoped3A_66 : memref<!tpu.dma_semaphore, #tpu.memory_space<semaphore_mem>>) src(%dma_wait3A_90 : memref<128x64xf32, #tpu.memory_space<vmem>>) dst(%dma_wait3A_86 : memref<128x64xf32, #tpu.memory_space<vmem_shared>>)
      tpu.yield
    }) : () -> ()
    %mul3A_16 = arith.constant 640 : i32
    %mul3A_17 = arith.muli %arg1, %mul3A_16 : i32
    %add3A_18 = arith.constant 256 : i32
    %add3A_19 = arith.addi %mul3A_17, %add3A_18 : i32
    %run_scoped3A_20 = arith.constant 0 : i32
    "tpu.region"() ({
      %run_scoped3A_66 = tpu.sem_alloc : memref<!tpu.dma_semaphore, #tpu.memory_space<semaphore_mem>>
      %dma_start3A_67 = arith.constant 0 : i32
      %dma_start3A_68 = arith.constant 0 : i32
      %dma_start3A_69 = tpu.memref_slice %arg8[%run_scoped3A_20, %dma_start3A_67, %dma_start3A_68] : memref<2x128x64xf32, #tpu.memory_space<vmem>> -> memref<1x128x64xf32, #tpu.memory_space<vmem>>
      %dma_start3A_70 = tpu.memref_squeeze %dma_start3A_69 : memref<1x128x64xf32, #tpu.memory_space<vmem>> -> memref<128x64xf32, #tpu.memory_space<vmem>>
      %dma_start3A_71 = arith.constant 0 : i32
      %dma_start3A_72 = tpu.memref_slice %arg9[%add3A_19, %dma_start3A_71] : memref<10240x64xf32, #tpu.memory_space<vmem_shared>> -> memref<128x64xf32, #tpu.memory_space<vmem_shared>>
      %dma_start3A_73 = arith.constant 0 : i32
      %dma_start3A_74 = tpu.memref_slice %arg9[%add3A_19, %dma_start3A_73] : memref<10240x64xf32, #tpu.memory_space<vmem_shared>> -> memref<128x64xf32, #tpu.memory_space<vmem_shared>>
      %dma_start3A_75 = arith.constant 0 : i32
      %dma_start3A_76 = arith.constant 0 : i32
      %dma_start3A_77 = tpu.memref_slice %arg8[%run_scoped3A_20, %dma_start3A_75, %dma_start3A_76] : memref<2x128x64xf32, #tpu.memory_space<vmem>> -> memref<1x128x64xf32, #tpu.memory_space<vmem>>
      %dma_start3A_78 = tpu.memref_squeeze %dma_start3A_77 : memref<1x128x64xf32, #tpu.memory_space<vmem>> -> memref<128x64xf32, #tpu.memory_space<vmem>>
      tpu.enqueue_dma source(%dma_start3A_78 : memref<128x64xf32, #tpu.memory_space<vmem>>) target(%dma_start3A_74 : memref<128x64xf32, #tpu.memory_space<vmem_shared>>) target_semaphore(%run_scoped3A_66 : memref<!tpu.dma_semaphore, #tpu.memory_space<semaphore_mem>>)
      %dma_wait3A_79 = arith.constant 0 : i32
      %dma_wait3A_80 = arith.constant 0 : i32
      %dma_wait3A_81 = tpu.memref_slice %arg8[%run_scoped3A_20, %dma_wait3A_79, %dma_wait3A_80] : memref<2x128x64xf32, #tpu.memory_space<vmem>> -> memref<1x128x64xf32, #tpu.memory_space<vmem>>
      %dma_wait3A_82 = tpu.memref_squeeze %dma_wait3A_81 : memref<1x128x64xf32, #tpu.memory_space<vmem>> -> memref<128x64xf32, #tpu.memory_space<vmem>>
      %dma_wait3A_83 = arith.constant 0 : i32
      %dma_wait3A_84 = tpu.memref_slice %arg9[%add3A_19, %dma_wait3A_83] : memref<10240x64xf32, #tpu.memory_space<vmem_shared>> -> memref<128x64xf32, #tpu.memory_space<vmem_shared>>
      %dma_wait3A_85 = arith.constant 0 : i32
      %dma_wait3A_86 = tpu.memref_slice %arg9[%add3A_19, %dma_wait3A_85] : memref<10240x64xf32, #tpu.memory_space<vmem_shared>> -> memref<128x64xf32, #tpu.memory_space<vmem_shared>>
      %dma_wait3A_87 = arith.constant 0 : i32
      %dma_wait3A_88 = arith.constant 0 : i32
      %dma_wait3A_89 = tpu.memref_slice %arg8[%run_scoped3A_20, %dma_wait3A_87, %dma_wait3A_88] : memref<2x128x64xf32, #tpu.memory_space<vmem>> -> memref<1x128x64xf32, #tpu.memory_space<vmem>>
      %dma_wait3A_90 = tpu.memref_squeeze %dma_wait3A_89 : memref<1x128x64xf32, #tpu.memory_space<vmem>> -> memref<128x64xf32, #tpu.memory_space<vmem>>
      tpu.wait_dma2 semaphore(%run_scoped3A_66 : memref<!tpu.dma_semaphore, #tpu.memory_space<semaphore_mem>>) src(%dma_wait3A_90 : memref<128x64xf32, #tpu.memory_space<vmem>>) dst(%dma_wait3A_86 : memref<128x64xf32, #tpu.memory_space<vmem_shared>>)
      tpu.yield
    }) : () -> ()
    %mul3A_21 = arith.constant 640 : i32
    %mul3A_22 = arith.muli %arg1, %mul3A_21 : i32
    %add3A_23 = arith.constant 384 : i32
    %add3A_24 = arith.addi %mul3A_22, %add3A_23 : i32
    %run_scoped3A_25 = arith.constant 0 : i32
    "tpu.region"() ({
      %run_scoped3A_66 = tpu.sem_alloc : memref<!tpu.dma_semaphore, #tpu.memory_space<semaphore_mem>>
      %dma_start3A_67 = arith.constant 0 : i32
      %dma_start3A_68 = arith.constant 0 : i32
      %dma_start3A_69 = tpu.memref_slice %arg8[%run_scoped3A_25, %dma_start3A_67, %dma_start3A_68] : memref<2x128x64xf32, #tpu.memory_space<vmem>> -> memref<1x128x64xf32, #tpu.memory_space<vmem>>
      %dma_start3A_70 = tpu.memref_squeeze %dma_start3A_69 : memref<1x128x64xf32, #tpu.memory_space<vmem>> -> memref<128x64xf32, #tpu.memory_space<vmem>>
      %dma_start3A_71 = arith.constant 0 : i32
      %dma_start3A_72 = tpu.memref_slice %arg9[%add3A_24, %dma_start3A_71] : memref<10240x64xf32, #tpu.memory_space<vmem_shared>> -> memref<128x64xf32, #tpu.memory_space<vmem_shared>>
      %dma_start3A_73 = arith.constant 0 : i32
      %dma_start3A_74 = tpu.memref_slice %arg9[%add3A_24, %dma_start3A_73] : memref<10240x64xf32, #tpu.memory_space<vmem_shared>> -> memref<128x64xf32, #tpu.memory_space<vmem_shared>>
      %dma_start3A_75 = arith.constant 0 : i32
      %dma_start3A_76 = arith.constant 0 : i32
      %dma_start3A_77 = tpu.memref_slice %arg8[%run_scoped3A_25, %dma_start3A_75, %dma_start3A_76] : memref<2x128x64xf32, #tpu.memory_space<vmem>> -> memref<1x128x64xf32, #tpu.memory_space<vmem>>
      %dma_start3A_78 = tpu.memref_squeeze %dma_start3A_77 : memref<1x128x64xf32, #tpu.memory_space<vmem>> -> memref<128x64xf32, #tpu.memory_space<vmem>>
      tpu.enqueue_dma source(%dma_start3A_78 : memref<128x64xf32, #tpu.memory_space<vmem>>) target(%dma_start3A_74 : memref<128x64xf32, #tpu.memory_space<vmem_shared>>) target_semaphore(%run_scoped3A_66 : memref<!tpu.dma_semaphore, #tpu.memory_space<semaphore_mem>>)
      %dma_wait3A_79 = arith.constant 0 : i32
      %dma_wait3A_80 = arith.constant 0 : i32
      %dma_wait3A_81 = tpu.memref_slice %arg8[%run_scoped3A_25, %dma_wait3A_79, %dma_wait3A_80] : memref<2x128x64xf32, #tpu.memory_space<vmem>> -> memref<1x128x64xf32, #tpu.memory_space<vmem>>
      %dma_wait3A_82 = tpu.memref_squeeze %dma_wait3A_81 : memref<1x128x64xf32, #tpu.memory_space<vmem>> -> memref<128x64xf32, #tpu.memory_space<vmem>>
      %dma_wait3A_83 = arith.constant 0 : i32
      %dma_wait3A_84 = tpu.memref_slice %arg9[%add3A_24, %dma_wait3A_83] : memref<10240x64xf32, #tpu.memory_space<vmem_shared>> -> memref<128x64xf32, #tpu.memory_space<vmem_shared>>
      %dma_wait3A_85 = arith.constant 0 : i32
      %dma_wait3A_86 = tpu.memref_slice %arg9[%add3A_24, %dma_wait3A_85] : memref<10240x64xf32, #tpu.memory_space<vmem_shared>> -> memref<128x64xf32, #tpu.memory_space<vmem_shared>>
      %dma_wait3A_87 = arith.constant 0 : i32
      %dma_wait3A_88 = arith.constant 0 : i32
      %dma_wait3A_89 = tpu.memref_slice %arg8[%run_scoped3A_25, %dma_wait3A_87, %dma_wait3A_88] : memref<2x128x64xf32, #tpu.memory_space<vmem>> -> memref<1x128x64xf32, #tpu.memory_space<vmem>>
      %dma_wait3A_90 = tpu.memref_squeeze %dma_wait3A_89 : memref<1x128x64xf32, #tpu.memory_space<vmem>> -> memref<128x64xf32, #tpu.memory_space<vmem>>
      tpu.wait_dma2 semaphore(%run_scoped3A_66 : memref<!tpu.dma_semaphore, #tpu.memory_space<semaphore_mem>>) src(%dma_wait3A_90 : memref<128x64xf32, #tpu.memory_space<vmem>>) dst(%dma_wait3A_86 : memref<128x64xf32, #tpu.memory_space<vmem_shared>>)
      tpu.yield
    }) : () -> ()
    %mul3A_26 = arith.constant 640 : i32
    %mul3A_27 = arith.muli %arg1, %mul3A_26 : i32
    %add3A_28 = arith.constant 512 : i32
    %add3A_29 = arith.addi %mul3A_27, %add3A_28 : i32
    %run_scoped3A_30 = arith.constant 0 : i32
    "tpu.region"() ({
      %run_scoped3A_66 = tpu.sem_alloc : memref<!tpu.dma_semaphore, #tpu.memory_space<semaphore_mem>>
      %dma_start3A_67 = arith.constant 0 : i32
      %dma_start3A_68 = arith.constant 0 : i32
      %dma_start3A_69 = tpu.memref_slice %arg8[%run_scoped3A_30, %dma_start3A_67, %dma_start3A_68] : memref<2x128x64xf32, #tpu.memory_space<vmem>> -> memref<1x128x64xf32, #tpu.memory_space<vmem>>
      %dma_start3A_70 = tpu.memref_squeeze %dma_start3A_69 : memref<1x128x64xf32, #tpu.memory_space<vmem>> -> memref<128x64xf32, #tpu.memory_space<vmem>>
      %dma_start3A_71 = arith.constant 0 : i32
      %dma_start3A_72 = tpu.memref_slice %arg9[%add3A_29, %dma_start3A_71] : memref<10240x64xf32, #tpu.memory_space<vmem_shared>> -> memref<128x64xf32, #tpu.memory_space<vmem_shared>>
      %dma_start3A_73 = arith.constant 0 : i32
      %dma_start3A_74 = tpu.memref_slice %arg9[%add3A_29, %dma_start3A_73] : memref<10240x64xf32, #tpu.memory_space<vmem_shared>> -> memref<128x64xf32, #tpu.memory_space<vmem_shared>>
      %dma_start3A_75 = arith.constant 0 : i32
      %dma_start3A_76 = arith.constant 0 : i32
      %dma_start3A_77 = tpu.memref_slice %arg8[%run_scoped3A_30, %dma_start3A_75, %dma_start3A_76] : memref<2x128x64xf32, #tpu.memory_space<vmem>> -> memref<1x128x64xf32, #tpu.memory_space<vmem>>
      %dma_start3A_78 = tpu.memref_squeeze %dma_start3A_77 : memref<1x128x64xf32, #tpu.memory_space<vmem>> -> memref<128x64xf32, #tpu.memory_space<vmem>>
      tpu.enqueue_dma source(%dma_start3A_78 : memref<128x64xf32, #tpu.memory_space<vmem>>) target(%dma_start3A_74 : memref<128x64xf32, #tpu.memory_space<vmem_shared>>) target_semaphore(%run_scoped3A_66 : memref<!tpu.dma_semaphore, #tpu.memory_space<semaphore_mem>>)
      %dma_wait3A_79 = arith.constant 0 : i32
      %dma_wait3A_80 = arith.constant 0 : i32
      %dma_wait3A_81 = tpu.memref_slice %arg8[%run_scoped3A_30, %dma_wait3A_79, %dma_wait3A_80] : memref<2x128x64xf32, #tpu.memory_space<vmem>> -> memref<1x128x64xf32, #tpu.memory_space<vmem>>
      %dma_wait3A_82 = tpu.memref_squeeze %dma_wait3A_81 : memref<1x128x64xf32, #tpu.memory_space<vmem>> -> memref<128x64xf32, #tpu.memory_space<vmem>>
      %dma_wait3A_83 = arith.constant 0 : i32
      %dma_wait3A_84 = tpu.memref_slice %arg9[%add3A_29, %dma_wait3A_83] : memref<10240x64xf32, #tpu.memory_space<vmem_shared>> -> memref<128x64xf32, #tpu.memory_space<vmem_shared>>
      %dma_wait3A_85 = arith.constant 0 : i32
      %dma_wait3A_86 = tpu.memref_slice %arg9[%add3A_29, %dma_wait3A_85] : memref<10240x64xf32, #tpu.memory_space<vmem_shared>> -> memref<128x64xf32, #tpu.memory_space<vmem_shared>>
      %dma_wait3A_87 = arith.constant 0 : i32
      %dma_wait3A_88 = arith.constant 0 : i32
      %dma_wait3A_89 = tpu.memref_slice %arg8[%run_scoped3A_30, %dma_wait3A_87, %dma_wait3A_88] : memref<2x128x64xf32, #tpu.memory_space<vmem>> -> memref<1x128x64xf32, #tpu.memory_space<vmem>>
      %dma_wait3A_90 = tpu.memref_squeeze %dma_wait3A_89 : memref<1x128x64xf32, #tpu.memory_space<vmem>> -> memref<128x64xf32, #tpu.memory_space<vmem>>
      tpu.wait_dma2 semaphore(%run_scoped3A_66 : memref<!tpu.dma_semaphore, #tpu.memory_space<semaphore_mem>>) src(%dma_wait3A_90 : memref<128x64xf32, #tpu.memory_space<vmem>>) dst(%dma_wait3A_86 : memref<128x64xf32, #tpu.memory_space<vmem_shared>>)
      tpu.yield
    }) : () -> ()
    %barrier3A = arith.constant 0 : index
    tpu.barrier barrier_id(%barrier3A)
    %dma_start3A = arith.constant 0 : i32
    %dma_start3A_31 = arith.constant 0 : i32
    %dma_start3A_32 = arith.constant 0 : i32
    %dma_start3A_33 = arith.constant 0 : i32
    %dma_start3A_34 = tpu.memref_slice %arg8[%dma_start3A_31, %dma_start3A_32, %dma_start3A_33] : memref<2x128x64xf32, #tpu.memory_space<vmem>> -> memref<1x128x64xf32, #tpu.memory_space<vmem>>
    %dma_start3A_35 = tpu.memref_squeeze %dma_start3A_34 : memref<1x128x64xf32, #tpu.memory_space<vmem>> -> memref<128x64xf32, #tpu.memory_space<vmem>>
    %dma_start3A_36 = arith.constant 0 : i32
    %dma_start3A_37 = tpu.memref_slice %arg6[%dma_start3A, %dma_start3A_36] : memref<79x128xi32, #tpu.memory_space<vmem>> -> memref<1x128xi32, #tpu.memory_space<vmem>>
    %dma_start3A_38 = tpu.memref_squeeze %dma_start3A_37 : memref<1x128xi32, #tpu.memory_space<vmem>> -> memref<128xi32, #tpu.memory_space<vmem>>
    %dma_start3A_39 = arith.constant 0 : i32
    %dma_start3A_40 = arith.constant 0 : i32
    %dma_start3A_41 = tpu.memref_slice %arg2[%dma_start3A_39, %dma_start3A_40] : memref<10240x64xf32, #tpu.memory_space<hbm>> -> memref<10240x64xf32, #tpu.memory_space<hbm>>
    tpu.enqueue_indirect_dma source(%dma_start3A_41 : memref<10240x64xf32, #tpu.memory_space<hbm>>) target(%dma_start3A_35 : memref<128x64xf32, #tpu.memory_space<vmem>>) offsets(%dma_start3A_38 : memref<128xi32, #tpu.memory_space<vmem>>) semaphore(%arg10 : memref<!tpu.dma_semaphore, #tpu.memory_space<semaphore_mem>>)
    %scan3A_42 = arith.constant 0 : i32
    %scan3A_43 = arith.constant 0 : i32
    %scan3A_44 = arith.constant 39 : i32
    %scan3A_45 = arith.addi %scan3A_43, %scan3A_44 : i32
    %scan3A_46 = arith.constant 1 : i32
    scf.for %scan3A_66 = %scan3A_43 to %scan3A_45 step %scan3A_46  : i32 {
      %mul3A_67 = arith.constant 2 : i32
      %mul3A_68 = arith.muli %mul3A_67, %scan3A_66 : i32
      %dma_wait3A_69 = arith.constant 0 : i32
      %dma_wait3A_70 = arith.constant 0 : i32
      %dma_wait3A_71 = arith.constant 0 : i32
      %dma_wait3A_72 = tpu.memref_slice %arg8[%dma_wait3A_69, %dma_wait3A_70, %dma_wait3A_71] : memref<2x128x64xf32, #tpu.memory_space<vmem>> -> memref<1x128x64xf32, #tpu.memory_space<vmem>>
      %dma_wait3A_73 = tpu.memref_squeeze %dma_wait3A_72 : memref<1x128x64xf32, #tpu.memory_space<vmem>> -> memref<128x64xf32, #tpu.memory_space<vmem>>
      %dma_wait3A_74 = arith.constant 0 : i32
      %dma_wait3A_75 = tpu.memref_slice %arg6[%mul3A_68, %dma_wait3A_74] : memref<79x128xi32, #tpu.memory_space<vmem>> -> memref<1x128xi32, #tpu.memory_space<vmem>>
      %dma_wait3A_76 = tpu.memref_squeeze %dma_wait3A_75 : memref<1x128xi32, #tpu.memory_space<vmem>> -> memref<128xi32, #tpu.memory_space<vmem>>
      %dma_wait3A_77 = arith.constant 0 : i32
      %dma_wait3A_78 = arith.constant 0 : i32
      %dma_wait3A_79 = tpu.memref_slice %arg2[%dma_wait3A_77, %dma_wait3A_78] : memref<10240x64xf32, #tpu.memory_space<hbm>> -> memref<10240x64xf32, #tpu.memory_space<hbm>>
      tpu.wait_indirect_dma semaphore(%arg10 : memref<!tpu.dma_semaphore, #tpu.memory_space<semaphore_mem>>) src(%dma_wait3A_79 : memref<10240x64xf32, #tpu.memory_space<hbm>>) dst(%dma_wait3A_73 : memref<128x64xf32, #tpu.memory_space<vmem>>)
      %add3A_80 = arith.constant 1 : i32
      %add3A_81 = arith.addi %mul3A_68, %add3A_80 : i32
      %dma_start3A_82 = arith.constant 1 : i32
      %dma_start3A_83 = arith.constant 0 : i32
      %dma_start3A_84 = arith.constant 0 : i32
      %dma_start3A_85 = tpu.memref_slice %arg8[%dma_start3A_82, %dma_start3A_83, %dma_start3A_84] : memref<2x128x64xf32, #tpu.memory_space<vmem>> -> memref<1x128x64xf32, #tpu.memory_space<vmem>>
      %dma_start3A_86 = tpu.memref_squeeze %dma_start3A_85 : memref<1x128x64xf32, #tpu.memory_space<vmem>> -> memref<128x64xf32, #tpu.memory_space<vmem>>
      %dma_start3A_87 = arith.constant 0 : i32
      %dma_start3A_88 = tpu.memref_slice %arg6[%add3A_81, %dma_start3A_87] : memref<79x128xi32, #tpu.memory_space<vmem>> -> memref<1x128xi32, #tpu.memory_space<vmem>>
      %dma_start3A_89 = tpu.memref_squeeze %dma_start3A_88 : memref<1x128xi32, #tpu.memory_space<vmem>> -> memref<128xi32, #tpu.memory_space<vmem>>
      %dma_start3A_90 = arith.constant 0 : i32
      %dma_start3A_91 = arith.constant 0 : i32
      %dma_start3A_92 = tpu.memref_slice %arg2[%dma_start3A_90, %dma_start3A_91] : memref<10240x64xf32, #tpu.memory_space<hbm>> -> memref<10240x64xf32, #tpu.memory_space<hbm>>
      tpu.enqueue_indirect_dma source(%dma_start3A_92 : memref<10240x64xf32, #tpu.memory_space<hbm>>) target(%dma_start3A_86 : memref<128x64xf32, #tpu.memory_space<vmem>>) offsets(%dma_start3A_89 : memref<128xi32, #tpu.memory_space<vmem>>) semaphore(%arg11 : memref<!tpu.dma_semaphore, #tpu.memory_space<semaphore_mem>>)
      %run_scoped3A_93 = arith.constant 0 : i32
      "tpu.region"() ({
        %run_scoped3A_123 = tpu.sem_alloc : memref<!tpu.dma_semaphore, #tpu.memory_space<semaphore_mem>>
        %dma_start3A_124 = arith.constant 0 : i32
        %dma_start3A_125 = arith.constant 0 : i32
        %dma_start3A_126 = tpu.memref_slice %arg8[%run_scoped3A_93, %dma_start3A_124, %dma_start3A_125] : memref<2x128x64xf32, #tpu.memory_space<vmem>> -> memref<1x128x64xf32, #tpu.memory_space<vmem>>
        %dma_start3A_127 = tpu.memref_squeeze %dma_start3A_126 : memref<1x128x64xf32, #tpu.memory_space<vmem>> -> memref<128x64xf32, #tpu.memory_space<vmem>>
        %dma_start3A_128 = arith.constant 0 : i32
        %dma_start3A_129 = tpu.memref_slice %arg7[%mul3A_68, %dma_start3A_128] : memref<79x128xi32, #tpu.memory_space<vmem>> -> memref<1x128xi32, #tpu.memory_space<vmem>>
        %dma_start3A_130 = tpu.memref_squeeze %dma_start3A_129 : memref<1x128xi32, #tpu.memory_space<vmem>> -> memref<128xi32, #tpu.memory_space<vmem>>
        %dma_start3A_131 = arith.constant 0 : i32
        %dma_start3A_132 = arith.constant 0 : i32
        %dma_start3A_133 = tpu.memref_slice %arg9[%dma_start3A_131, %dma_start3A_132] : memref<10240x64xf32, #tpu.memory_space<vmem_shared>> -> memref<10240x64xf32, #tpu.memory_space<vmem_shared>>
        tpu.enqueue_indirect_dma source(%dma_start3A_127 : memref<128x64xf32, #tpu.memory_space<vmem>>) target(%dma_start3A_133 : memref<10240x64xf32, #tpu.memory_space<vmem_shared>>) offsets(%dma_start3A_130 : memref<128xi32, #tpu.memory_space<vmem>>) semaphore(%run_scoped3A_123 : memref<!tpu.dma_semaphore, #tpu.memory_space<semaphore_mem>>) {add = true}
        %dma_wait3A_134 = arith.constant 0 : i32
        %dma_wait3A_135 = arith.constant 0 : i32
        %dma_wait3A_136 = tpu.memref_slice %arg8[%run_scoped3A_93, %dma_wait3A_134, %dma_wait3A_135] : memref<2x128x64xf32, #tpu.memory_space<vmem>> -> memref<1x128x64xf32, #tpu.memory_space<vmem>>
        %dma_wait3A_137 = tpu.memref_squeeze %dma_wait3A_136 : memref<1x128x64xf32, #tpu.memory_space<vmem>> -> memref<128x64xf32, #tpu.memory_space<vmem>>
        %dma_wait3A_138 = arith.constant 0 : i32
        %dma_wait3A_139 = tpu.memref_slice %arg7[%mul3A_68, %dma_wait3A_138] : memref<79x128xi32, #tpu.memory_space<vmem>> -> memref<1x128xi32, #tpu.memory_space<vmem>>
        %dma_wait3A_140 = tpu.memref_squeeze %dma_wait3A_139 : memref<1x128xi32, #tpu.memory_space<vmem>> -> memref<128xi32, #tpu.memory_space<vmem>>
        %dma_wait3A_141 = arith.constant 0 : i32
        %dma_wait3A_142 = arith.constant 0 : i32
        %dma_wait3A_143 = tpu.memref_slice %arg9[%dma_wait3A_141, %dma_wait3A_142] : memref<10240x64xf32, #tpu.memory_space<vmem_shared>> -> memref<10240x64xf32, #tpu.memory_space<vmem_shared>>
        tpu.wait_indirect_dma semaphore(%run_scoped3A_123 : memref<!tpu.dma_semaphore, #tpu.memory_space<semaphore_mem>>) src(%dma_wait3A_137 : memref<128x64xf32, #tpu.memory_space<vmem>>) dst(%dma_wait3A_143 : memref<10240x64xf32, #tpu.memory_space<vmem_shared>>)
        tpu.yield
      }) : () -> ()
      %add3A_94 = arith.constant 1 : i32
      %add3A_95 = arith.addi %mul3A_68, %add3A_94 : i32
      %dma_wait3A_96 = arith.constant 1 : i32
      %dma_wait3A_97 = arith.constant 0 : i32
      %dma_wait3A_98 = arith.constant 0 : i32
      %dma_wait3A_99 = tpu.memref_slice %arg8[%dma_wait3A_96, %dma_wait3A_97, %dma_wait3A_98] : memref<2x128x64xf32, #tpu.memory_space<vmem>> -> memref<1x128x64xf32, #tpu.memory_space<vmem>>
      %dma_wait3A_100 = tpu.memref_squeeze %dma_wait3A_99 : memref<1x128x64xf32, #tpu.memory_space<vmem>> -> memref<128x64xf32, #tpu.memory_space<vmem>>
      %dma_wait3A_101 = arith.constant 0 : i32
      %dma_wait3A_102 = tpu.memref_slice %arg6[%add3A_95, %dma_wait3A_101] : memref<79x128xi32, #tpu.memory_space<vmem>> -> memref<1x128xi32, #tpu.memory_space<vmem>>
      %dma_wait3A_103 = tpu.memref_squeeze %dma_wait3A_102 : memref<1x128xi32, #tpu.memory_space<vmem>> -> memref<128xi32, #tpu.memory_space<vmem>>
      %dma_wait3A_104 = arith.constant 0 : i32
      %dma_wait3A_105 = arith.constant 0 : i32
      %dma_wait3A_106 = tpu.memref_slice %arg2[%dma_wait3A_104, %dma_wait3A_105] : memref<10240x64xf32, #tpu.memory_space<hbm>> -> memref<10240x64xf32, #tpu.memory_space<hbm>>
      tpu.wait_indirect_dma semaphore(%arg11 : memref<!tpu.dma_semaphore, #tpu.memory_space<semaphore_mem>>) src(%dma_wait3A_106 : memref<10240x64xf32, #tpu.memory_space<hbm>>) dst(%dma_wait3A_100 : memref<128x64xf32, #tpu.memory_space<vmem>>)
      %add3A_107 = arith.constant 2 : i32
      %add3A_108 = arith.addi %mul3A_68, %add3A_107 : i32
      %dma_start3A_109 = arith.constant 0 : i32
      %dma_start3A_110 = arith.constant 0 : i32
      %dma_start3A_111 = arith.constant 0 : i32
      %dma_start3A_112 = tpu.memref_slice %arg8[%dma_start3A_109, %dma_start3A_110, %dma_start3A_111] : memref<2x128x64xf32, #tpu.memory_space<vmem>> -> memref<1x128x64xf32, #tpu.memory_space<vmem>>
      %dma_start3A_113 = tpu.memref_squeeze %dma_start3A_112 : memref<1x128x64xf32, #tpu.memory_space<vmem>> -> memref<128x64xf32, #tpu.memory_space<vmem>>
      %dma_start3A_114 = arith.constant 0 : i32
      %dma_start3A_115 = tpu.memref_slice %arg6[%add3A_108, %dma_start3A_114] : memref<79x128xi32, #tpu.memory_space<vmem>> -> memref<1x128xi32, #tpu.memory_space<vmem>>
      %dma_start3A_116 = tpu.memref_squeeze %dma_start3A_115 : memref<1x128xi32, #tpu.memory_space<vmem>> -> memref<128xi32, #tpu.memory_space<vmem>>
      %dma_start3A_117 = arith.constant 0 : i32
      %dma_start3A_118 = arith.constant 0 : i32
      %dma_start3A_119 = tpu.memref_slice %arg2[%dma_start3A_117, %dma_start3A_118] : memref<10240x64xf32, #tpu.memory_space<hbm>> -> memref<10240x64xf32, #tpu.memory_space<hbm>>
      tpu.enqueue_indirect_dma source(%dma_start3A_119 : memref<10240x64xf32, #tpu.memory_space<hbm>>) target(%dma_start3A_113 : memref<128x64xf32, #tpu.memory_space<vmem>>) offsets(%dma_start3A_116 : memref<128xi32, #tpu.memory_space<vmem>>) semaphore(%arg10 : memref<!tpu.dma_semaphore, #tpu.memory_space<semaphore_mem>>)
      %add3A_120 = arith.constant 1 : i32
      %add3A_121 = arith.addi %mul3A_68, %add3A_120 : i32
      %run_scoped3A_122 = arith.constant 1 : i32
      "tpu.region"() ({
        %run_scoped3A_123 = tpu.sem_alloc : memref<!tpu.dma_semaphore, #tpu.memory_space<semaphore_mem>>
        %dma_start3A_124 = arith.constant 0 : i32
        %dma_start3A_125 = arith.constant 0 : i32
        %dma_start3A_126 = tpu.memref_slice %arg8[%run_scoped3A_122, %dma_start3A_124, %dma_start3A_125] : memref<2x128x64xf32, #tpu.memory_space<vmem>> -> memref<1x128x64xf32, #tpu.memory_space<vmem>>
        %dma_start3A_127 = tpu.memref_squeeze %dma_start3A_126 : memref<1x128x64xf32, #tpu.memory_space<vmem>> -> memref<128x64xf32, #tpu.memory_space<vmem>>
        %dma_start3A_128 = arith.constant 0 : i32
        %dma_start3A_129 = tpu.memref_slice %arg7[%add3A_121, %dma_start3A_128] : memref<79x128xi32, #tpu.memory_space<vmem>> -> memref<1x128xi32, #tpu.memory_space<vmem>>
        %dma_start3A_130 = tpu.memref_squeeze %dma_start3A_129 : memref<1x128xi32, #tpu.memory_space<vmem>> -> memref<128xi32, #tpu.memory_space<vmem>>
        %dma_start3A_131 = arith.constant 0 : i32
        %dma_start3A_132 = arith.constant 0 : i32
        %dma_start3A_133 = tpu.memref_slice %arg9[%dma_start3A_131, %dma_start3A_132] : memref<10240x64xf32, #tpu.memory_space<vmem_shared>> -> memref<10240x64xf32, #tpu.memory_space<vmem_shared>>
        tpu.enqueue_indirect_dma source(%dma_start3A_127 : memref<128x64xf32, #tpu.memory_space<vmem>>) target(%dma_start3A_133 : memref<10240x64xf32, #tpu.memory_space<vmem_shared>>) offsets(%dma_start3A_130 : memref<128xi32, #tpu.memory_space<vmem>>) semaphore(%run_scoped3A_123 : memref<!tpu.dma_semaphore, #tpu.memory_space<semaphore_mem>>) {add = true}
        %dma_wait3A_134 = arith.constant 0 : i32
        %dma_wait3A_135 = arith.constant 0 : i32
        %dma_wait3A_136 = tpu.memref_slice %arg8[%run_scoped3A_122, %dma_wait3A_134, %dma_wait3A_135] : memref<2x128x64xf32, #tpu.memory_space<vmem>> -> memref<1x128x64xf32, #tpu.memory_space<vmem>>
        %dma_wait3A_137 = tpu.memref_squeeze %dma_wait3A_136 : memref<1x128x64xf32, #tpu.memory_space<vmem>> -> memref<128x64xf32, #tpu.memory_space<vmem>>
        %dma_wait3A_138 = arith.constant 0 : i32
        %dma_wait3A_139 = tpu.memref_slice %arg7[%add3A_121, %dma_wait3A_138] : memref<79x128xi32, #tpu.memory_space<vmem>> -> memref<1x128xi32, #tpu.memory_space<vmem>>
        %dma_wait3A_140 = tpu.memref_squeeze %dma_wait3A_139 : memref<1x128xi32, #tpu.memory_space<vmem>> -> memref<128xi32, #tpu.memory_space<vmem>>
        %dma_wait3A_141 = arith.constant 0 : i32
        %dma_wait3A_142 = arith.constant 0 : i32
        %dma_wait3A_143 = tpu.memref_slice %arg9[%dma_wait3A_141, %dma_wait3A_142] : memref<10240x64xf32, #tpu.memory_space<vmem_shared>> -> memref<10240x64xf32, #tpu.memory_space<vmem_shared>>
        tpu.wait_indirect_dma semaphore(%run_scoped3A_123 : memref<!tpu.dma_semaphore, #tpu.memory_space<semaphore_mem>>) src(%dma_wait3A_137 : memref<128x64xf32, #tpu.memory_space<vmem>>) dst(%dma_wait3A_143 : memref<10240x64xf32, #tpu.memory_space<vmem_shared>>)
        tpu.yield
      }) : () -> ()
    }
    %scan3A_47 = arith.constant 39 : i32
    %dma_wait3A = arith.constant 78 : i32
    %dma_wait3A_48 = arith.constant 0 : i32
    %dma_wait3A_49 = arith.constant 0 : i32
    %dma_wait3A_50 = arith.constant 0 : i32
    %dma_wait3A_51 = tpu.memref_slice %arg8[%dma_wait3A_48, %dma_wait3A_49, %dma_wait3A_50] : memref<2x128x64xf32, #tpu.memory_space<vmem>> -> memref<1x128x64xf32, #tpu.memory_space<vmem>>
    %dma_wait3A_52 = tpu.memref_squeeze %dma_wait3A_51 : memref<1x128x64xf32, #tpu.memory_space<vmem>> -> memref<128x64xf32, #tpu.memory_space<vmem>>
    %dma_wait3A_53 = arith.constant 0 : i32
    %dma_wait3A_54 = tpu.memref_slice %arg6[%dma_wait3A, %dma_wait3A_53] : memref<79x128xi32, #tpu.memory_space<vmem>> -> memref<1x128xi32, #tpu.memory_space<vmem>>
    %dma_wait3A_55 = tpu.memref_squeeze %dma_wait3A_54 : memref<1x128xi32, #tpu.memory_space<vmem>> -> memref<128xi32, #tpu.memory_space<vmem>>
    %dma_wait3A_56 = arith.constant 0 : i32
    %dma_wait3A_57 = arith.constant 0 : i32
    %dma_wait3A_58 = tpu.memref_slice %arg2[%dma_wait3A_56, %dma_wait3A_57] : memref<10240x64xf32, #tpu.memory_space<hbm>> -> memref<10240x64xf32, #tpu.memory_space<hbm>>
    tpu.wait_indirect_dma semaphore(%arg10 : memref<!tpu.dma_semaphore, #tpu.memory_space<semaphore_mem>>) src(%dma_wait3A_58 : memref<10240x64xf32, #tpu.memory_space<hbm>>) dst(%dma_wait3A_52 : memref<128x64xf32, #tpu.memory_space<vmem>>)
    %run_scoped3A_59 = arith.constant 0 : i32
    %run_scoped3A_60 = arith.constant 78 : i32
    "tpu.region"() ({
      %run_scoped3A_66 = tpu.sem_alloc : memref<!tpu.dma_semaphore, #tpu.memory_space<semaphore_mem>>
      %dma_start3A_67 = arith.constant 0 : i32
      %dma_start3A_68 = arith.constant 0 : i32
      %dma_start3A_69 = tpu.memref_slice %arg8[%run_scoped3A_59, %dma_start3A_67, %dma_start3A_68] : memref<2x128x64xf32, #tpu.memory_space<vmem>> -> memref<1x128x64xf32, #tpu.memory_space<vmem>>
      %dma_start3A_70 = tpu.memref_squeeze %dma_start3A_69 : memref<1x128x64xf32, #tpu.memory_space<vmem>> -> memref<128x64xf32, #tpu.memory_space<vmem>>
      %dma_start3A_71 = arith.constant 0 : i32
      %dma_start3A_72 = tpu.memref_slice %arg7[%run_scoped3A_60, %dma_start3A_71] : memref<79x128xi32, #tpu.memory_space<vmem>> -> memref<1x128xi32, #tpu.memory_space<vmem>>
      %dma_start3A_73 = tpu.memref_squeeze %dma_start3A_72 : memref<1x128xi32, #tpu.memory_space<vmem>> -> memref<128xi32, #tpu.memory_space<vmem>>
      %dma_start3A_74 = arith.constant 0 : i32
      %dma_start3A_75 = arith.constant 0 : i32
      %dma_start3A_76 = tpu.memref_slice %arg9[%dma_start3A_74, %dma_start3A_75] : memref<10240x64xf32, #tpu.memory_space<vmem_shared>> -> memref<10240x64xf32, #tpu.memory_space<vmem_shared>>
      tpu.enqueue_indirect_dma source(%dma_start3A_70 : memref<128x64xf32, #tpu.memory_space<vmem>>) target(%dma_start3A_76 : memref<10240x64xf32, #tpu.memory_space<vmem_shared>>) offsets(%dma_start3A_73 : memref<128xi32, #tpu.memory_space<vmem>>) semaphore(%run_scoped3A_66 : memref<!tpu.dma_semaphore, #tpu.memory_space<semaphore_mem>>) {add = true}
      %dma_wait3A_77 = arith.constant 0 : i32
      %dma_wait3A_78 = arith.constant 0 : i32
      %dma_wait3A_79 = tpu.memref_slice %arg8[%run_scoped3A_59, %dma_wait3A_77, %dma_wait3A_78] : memref<2x128x64xf32, #tpu.memory_space<vmem>> -> memref<1x128x64xf32, #tpu.memory_space<vmem>>
      %dma_wait3A_80 = tpu.memref_squeeze %dma_wait3A_79 : memref<1x128x64xf32, #tpu.memory_space<vmem>> -> memref<128x64xf32, #tpu.memory_space<vmem>>
      %dma_wait3A_81 = arith.constant 0 : i32
      %dma_wait3A_82 = tpu.memref_slice %arg7[%run_scoped3A_60, %dma_wait3A_81] : memref<79x128xi32, #tpu.memory_space<vmem>> -> memref<1x128xi32, #tpu.memory_space<vmem>>
      %dma_wait3A_83 = tpu.memref_squeeze %dma_wait3A_82 : memref<1x128xi32, #tpu.memory_space<vmem>> -> memref<128xi32, #tpu.memory_space<vmem>>
      %dma_wait3A_84 = arith.constant 0 : i32
      %dma_wait3A_85 = arith.constant 0 : i32
      %dma_wait3A_86 = tpu.memref_slice %arg9[%dma_wait3A_84, %dma_wait3A_85] : memref<10240x64xf32, #tpu.memory_space<vmem_shared>> -> memref<10240x64xf32, #tpu.memory_space<vmem_shared>>
      tpu.wait_indirect_dma semaphore(%run_scoped3A_66 : memref<!tpu.dma_semaphore, #tpu.memory_space<semaphore_mem>>) src(%dma_wait3A_80 : memref<128x64xf32, #tpu.memory_space<vmem>>) dst(%dma_wait3A_86 : memref<10240x64xf32, #tpu.memory_space<vmem_shared>>)
      tpu.yield
    }) : () -> ()
    %barrier3A_61 = arith.constant 0 : index
    tpu.barrier barrier_id(%barrier3A_61)
    %mul3A_62 = arith.constant 640 : i32
    %mul3A_63 = arith.muli %arg1, %mul3A_62 : i32
    %mul3A_64 = arith.constant 640 : i32
    %mul3A_65 = arith.muli %arg1, %mul3A_64 : i32
    "tpu.region"() ({
      %run_scoped3A_66 = tpu.sem_alloc : memref<!tpu.dma_semaphore, #tpu.memory_space<semaphore_mem>>
      %dma_start3A_67 = arith.constant 0 : i32
      %dma_start3A_68 = tpu.memref_slice %arg5[%arg0, %mul3A_65, %dma_start3A_67] : memref<2x10240x64xf32, #tpu.memory_space<hbm>> -> memref<1x640x64xf32, #tpu.memory_space<hbm>>
      %dma_start3A_69 = tpu.memref_squeeze %dma_start3A_68 : memref<1x640x64xf32, #tpu.memory_space<hbm>> -> memref<640x64xf32, #tpu.memory_space<hbm>>
      %dma_start3A_70 = arith.constant 0 : i32
      %dma_start3A_71 = tpu.memref_slice %arg9[%mul3A_63, %dma_start3A_70] : memref<10240x64xf32, #tpu.memory_space<vmem_shared>> -> memref<640x64xf32, #tpu.memory_space<vmem_shared>>
      tpu.enqueue_dma source(%dma_start3A_71 : memref<640x64xf32, #tpu.memory_space<vmem_shared>>) target(%dma_start3A_69 : memref<640x64xf32, #tpu.memory_space<hbm>>) target_semaphore(%run_scoped3A_66 : memref<!tpu.dma_semaphore, #tpu.memory_space<semaphore_mem>>)
      %dma_wait3A_72 = arith.constant 0 : i32
      %dma_wait3A_73 = tpu.memref_slice %arg5[%arg0, %mul3A_65, %dma_wait3A_72] : memref<2x10240x64xf32, #tpu.memory_space<hbm>> -> memref<1x640x64xf32, #tpu.memory_space<hbm>>
      %dma_wait3A_74 = tpu.memref_squeeze %dma_wait3A_73 : memref<1x640x64xf32, #tpu.memory_space<hbm>> -> memref<640x64xf32, #tpu.memory_space<hbm>>
      %dma_wait3A_75 = arith.constant 0 : i32
      %dma_wait3A_76 = tpu.memref_slice %arg9[%mul3A_63, %dma_wait3A_75] : memref<10240x64xf32, #tpu.memory_space<vmem_shared>> -> memref<640x64xf32, #tpu.memory_space<vmem_shared>>
      tpu.wait_dma2 semaphore(%run_scoped3A_66 : memref<!tpu.dma_semaphore, #tpu.memory_space<semaphore_mem>>) src(%dma_wait3A_76 : memref<640x64xf32, #tpu.memory_space<vmem_shared>>) dst(%dma_wait3A_74 : memref<640x64xf32, #tpu.memory_space<hbm>>)
      tpu.yield
    }) : () -> ()
    return
  }
}

#map = affine_map<(d0, d1) -> (0, 0, 0)>
#map1 = affine_map<(d0, d1) -> (0, 0)>
module attributes {stable_mosaic.version = 14 : i64} {
  func.func @degk(%arg0: i32, %arg1: i32, %arg2: memref<32x79x128xi32, #tpu.memory_space<hbm>>, %arg3: memref<2x10240xf32, #tpu.memory_space<hbm>>, %arg4: memref<79x128xi32, #tpu.memory_space<vmem>>, %arg5: memref<128xf32, #tpu.memory_space<vmem>>, %arg6: memref<640xf32, #tpu.memory_space<vmem>>, %arg7: memref<10240xf32, #tpu.memory_space<vmem_shared>>) attributes {dimension_semantics = [#tpu.dimension_semantics<core_parallel>, #tpu.dimension_semantics<subcore_parallel>], iteration_bounds = array<i64: 2, 16>, scalar_prefetch = 0 : i64, scratch_operands = 4 : i64, tpu.core_type = #tpu.core_type<sc_vector_subcore>, window_params = [{transform_indices = #map}, {transform_indices = #map1}]} {
    %mul3A = arith.constant 16 : i32
    %mul3A_0 = arith.muli %arg0, %mul3A : i32
    %add3A = arith.addi %mul3A_0, %arg1 : i32
    "tpu.region"() ({
      %run_scoped3A = tpu.sem_alloc : memref<!tpu.dma_semaphore, #tpu.memory_space<semaphore_mem>>
      %dma_start3A = arith.constant 0 : i32
      %dma_start3A_53 = arith.constant 0 : i32
      %dma_start3A_54 = tpu.memref_slice %arg2[%add3A, %dma_start3A, %dma_start3A_53] : memref<32x79x128xi32, #tpu.memory_space<hbm>> -> memref<1x79x128xi32, #tpu.memory_space<hbm>>
      %dma_start3A_55 = tpu.memref_squeeze %dma_start3A_54 : memref<1x79x128xi32, #tpu.memory_space<hbm>> -> memref<79x128xi32, #tpu.memory_space<hbm>>
      %dma_start3A_56 = arith.constant 0 : i32
      %dma_start3A_57 = arith.constant 0 : i32
      %dma_start3A_58 = tpu.memref_slice %arg2[%add3A, %dma_start3A_56, %dma_start3A_57] : memref<32x79x128xi32, #tpu.memory_space<hbm>> -> memref<1x79x128xi32, #tpu.memory_space<hbm>>
      %dma_start3A_59 = tpu.memref_squeeze %dma_start3A_58 : memref<1x79x128xi32, #tpu.memory_space<hbm>> -> memref<79x128xi32, #tpu.memory_space<hbm>>
      tpu.enqueue_dma source(%dma_start3A_59 : memref<79x128xi32, #tpu.memory_space<hbm>>) target(%arg4 : memref<79x128xi32, #tpu.memory_space<vmem>>) target_semaphore(%run_scoped3A : memref<!tpu.dma_semaphore, #tpu.memory_space<semaphore_mem>>)
      %dma_wait3A = arith.constant 0 : i32
      %dma_wait3A_60 = arith.constant 0 : i32
      %dma_wait3A_61 = tpu.memref_slice %arg2[%add3A, %dma_wait3A, %dma_wait3A_60] : memref<32x79x128xi32, #tpu.memory_space<hbm>> -> memref<1x79x128xi32, #tpu.memory_space<hbm>>
      %dma_wait3A_62 = tpu.memref_squeeze %dma_wait3A_61 : memref<1x79x128xi32, #tpu.memory_space<hbm>> -> memref<79x128xi32, #tpu.memory_space<hbm>>
      %dma_wait3A_63 = arith.constant 0 : i32
      %dma_wait3A_64 = arith.constant 0 : i32
      %dma_wait3A_65 = tpu.memref_slice %arg2[%add3A, %dma_wait3A_63, %dma_wait3A_64] : memref<32x79x128xi32, #tpu.memory_space<hbm>> -> memref<1x79x128xi32, #tpu.memory_space<hbm>>
      %dma_wait3A_66 = tpu.memref_squeeze %dma_wait3A_65 : memref<1x79x128xi32, #tpu.memory_space<hbm>> -> memref<79x128xi32, #tpu.memory_space<hbm>>
      tpu.wait_dma2 semaphore(%run_scoped3A : memref<!tpu.dma_semaphore, #tpu.memory_space<semaphore_mem>>) src(%dma_wait3A_66 : memref<79x128xi32, #tpu.memory_space<hbm>>) dst(%arg4 : memref<79x128xi32, #tpu.memory_space<vmem>>)
      tpu.yield
    }) : () -> ()
    %broadcast_in_dim3A = arith.constant 1.000000e+00 : f32
    %broadcast_in_dim3A_1 = vector.broadcast %broadcast_in_dim3A : f32 to vector<16xf32>
    %broadcast_in_dim3A_2 = arith.constant 0.000000e+00 : f32
    %broadcast_in_dim3A_3 = vector.broadcast %broadcast_in_dim3A_2 : f32 to vector<16xf32>
    %swap3A = arith.constant 0 : index
    %swap3A_4 = tpu.vector_load %arg5[%swap3A] {strides = array<i32>} : memref<128xf32, #tpu.memory_space<vmem>>, vector<16xf32>,
    %swap3A_5 = vector.shape_cast %swap3A_4 : vector<16xf32> to vector<16xf32>
    %swap3A_6 = vector.shape_cast %broadcast_in_dim3A_1 : vector<16xf32> to vector<16xf32>
    tpu.vector_store %arg5[%swap3A], %swap3A_6 {strides = array<i32>} : memref<128xf32, #tpu.memory_space<vmem>>, vector<16xf32>,
    %swap3A_7 = arith.constant 16 : index
    %swap3A_8 = tpu.vector_load %arg5[%swap3A_7] {strides = array<i32>} : memref<128xf32, #tpu.memory_space<vmem>>, vector<16xf32>,
    %swap3A_9 = vector.shape_cast %swap3A_8 : vector<16xf32> to vector<16xf32>
    %swap3A_10 = vector.shape_cast %broadcast_in_dim3A_1 : vector<16xf32> to vector<16xf32>
    tpu.vector_store %arg5[%swap3A_7], %swap3A_10 {strides = array<i32>} : memref<128xf32, #tpu.memory_space<vmem>>, vector<16xf32>,
    %swap3A_11 = arith.constant 32 : index
    %swap3A_12 = tpu.vector_load %arg5[%swap3A_11] {strides = array<i32>} : memref<128xf32, #tpu.memory_space<vmem>>, vector<16xf32>,
    %swap3A_13 = vector.shape_cast %swap3A_12 : vector<16xf32> to vector<16xf32>
    %swap3A_14 = vector.shape_cast %broadcast_in_dim3A_1 : vector<16xf32> to vector<16xf32>
    tpu.vector_store %arg5[%swap3A_11], %swap3A_14 {strides = array<i32>} : memref<128xf32, #tpu.memory_space<vmem>>, vector<16xf32>,
    %swap3A_15 = arith.constant 48 : index
    %swap3A_16 = tpu.vector_load %arg5[%swap3A_15] {strides = array<i32>} : memref<128xf32, #tpu.memory_space<vmem>>, vector<16xf32>,
    %swap3A_17 = vector.shape_cast %swap3A_16 : vector<16xf32> to vector<16xf32>
    %swap3A_18 = vector.shape_cast %broadcast_in_dim3A_1 : vector<16xf32> to vector<16xf32>
    tpu.vector_store %arg5[%swap3A_15], %swap3A_18 {strides = array<i32>} : memref<128xf32, #tpu.memory_space<vmem>>, vector<16xf32>,
    %swap3A_19 = arith.constant 64 : index
    %swap3A_20 = tpu.vector_load %arg5[%swap3A_19] {strides = array<i32>} : memref<128xf32, #tpu.memory_space<vmem>>, vector<16xf32>,
    %swap3A_21 = vector.shape_cast %swap3A_20 : vector<16xf32> to vector<16xf32>
    %swap3A_22 = vector.shape_cast %broadcast_in_dim3A_1 : vector<16xf32> to vector<16xf32>
    tpu.vector_store %arg5[%swap3A_19], %swap3A_22 {strides = array<i32>} : memref<128xf32, #tpu.memory_space<vmem>>, vector<16xf32>,
    %swap3A_23 = arith.constant 80 : index
    %swap3A_24 = tpu.vector_load %arg5[%swap3A_23] {strides = array<i32>} : memref<128xf32, #tpu.memory_space<vmem>>, vector<16xf32>,
    %swap3A_25 = vector.shape_cast %swap3A_24 : vector<16xf32> to vector<16xf32>
    %swap3A_26 = vector.shape_cast %broadcast_in_dim3A_1 : vector<16xf32> to vector<16xf32>
    tpu.vector_store %arg5[%swap3A_23], %swap3A_26 {strides = array<i32>} : memref<128xf32, #tpu.memory_space<vmem>>, vector<16xf32>,
    %swap3A_27 = arith.constant 96 : index
    %swap3A_28 = tpu.vector_load %arg5[%swap3A_27] {strides = array<i32>} : memref<128xf32, #tpu.memory_space<vmem>>, vector<16xf32>,
    %swap3A_29 = vector.shape_cast %swap3A_28 : vector<16xf32> to vector<16xf32>
    %swap3A_30 = vector.shape_cast %broadcast_in_dim3A_1 : vector<16xf32> to vector<16xf32>
    tpu.vector_store %arg5[%swap3A_27], %swap3A_30 {strides = array<i32>} : memref<128xf32, #tpu.memory_space<vmem>>, vector<16xf32>,
    %swap3A_31 = arith.constant 112 : index
    %swap3A_32 = tpu.vector_load %arg5[%swap3A_31] {strides = array<i32>} : memref<128xf32, #tpu.memory_space<vmem>>, vector<16xf32>,
    %swap3A_33 = vector.shape_cast %swap3A_32 : vector<16xf32> to vector<16xf32>
    %swap3A_34 = vector.shape_cast %broadcast_in_dim3A_1 : vector<16xf32> to vector<16xf32>
    tpu.vector_store %arg5[%swap3A_31], %swap3A_34 {strides = array<i32>} : memref<128xf32, #tpu.memory_space<vmem>>, vector<16xf32>,
    %scan3A = arith.constant 0 : i32
    %scan3A_35 = arith.constant 0 : i32
    %scan3A_36 = arith.constant 40 : i32
    %scan3A_37 = arith.addi %scan3A_35, %scan3A_36 : i32
    %scan3A_38 = arith.constant 1 : i32
    scf.for %scan3A_53 = %scan3A_35 to %scan3A_37 step %scan3A_38  : i32 {
      %mul3A_54 = arith.constant 16 : i32
      %mul3A_55 = arith.muli %scan3A_53, %mul3A_54 : i32
      %swap3A_56 = arith.index_cast %mul3A_55 : i32 to index
      %swap3A_57 = tpu.vector_load %arg6[%swap3A_56] {strides = array<i32>} : memref<640xf32, #tpu.memory_space<vmem>>, vector<16xf32>,
      %swap3A_58 = vector.shape_cast %swap3A_57 : vector<16xf32> to vector<16xf32>
      %swap3A_59 = vector.shape_cast %broadcast_in_dim3A_3 : vector<16xf32> to vector<16xf32>
      tpu.vector_store %arg6[%swap3A_56], %swap3A_59 {strides = array<i32>} : memref<640xf32, #tpu.memory_space<vmem>>, vector<16xf32>,
    }
    %scan3A_39 = arith.constant 40 : i32
    %mul3A_40 = arith.constant 640 : i32
    %mul3A_41 = arith.muli %arg1, %mul3A_40 : i32
    "tpu.region"() ({
      %run_scoped3A = tpu.sem_alloc : memref<!tpu.dma_semaphore, #tpu.memory_space<semaphore_mem>>
      %dma_start3A = tpu.memref_slice %arg7[%mul3A_41] : memref<10240xf32, #tpu.memory_space<vmem_shared>> -> memref<640xf32, #tpu.memory_space<vmem_shared>>
      %dma_start3A_53 = tpu.memref_slice %arg7[%mul3A_41] : memref<10240xf32, #tpu.memory_space<vmem_shared>> -> memref<640xf32, #tpu.memory_space<vmem_shared>>
      tpu.enqueue_dma source(%arg6 : memref<640xf32, #tpu.memory_space<vmem>>) target(%dma_start3A_53 : memref<640xf32, #tpu.memory_space<vmem_shared>>) target_semaphore(%run_scoped3A : memref<!tpu.dma_semaphore, #tpu.memory_space<semaphore_mem>>)
      %dma_wait3A = tpu.memref_slice %arg7[%mul3A_41] : memref<10240xf32, #tpu.memory_space<vmem_shared>> -> memref<640xf32, #tpu.memory_space<vmem_shared>>
      %dma_wait3A_54 = tpu.memref_slice %arg7[%mul3A_41] : memref<10240xf32, #tpu.memory_space<vmem_shared>> -> memref<640xf32, #tpu.memory_space<vmem_shared>>
      tpu.wait_dma2 semaphore(%run_scoped3A : memref<!tpu.dma_semaphore, #tpu.memory_space<semaphore_mem>>) src(%arg6 : memref<640xf32, #tpu.memory_space<vmem>>) dst(%dma_wait3A_54 : memref<640xf32, #tpu.memory_space<vmem_shared>>)
      tpu.yield
    }) : () -> ()
    %barrier3A = arith.constant 0 : index
    tpu.barrier barrier_id(%barrier3A)
    %scan3A_42 = arith.constant 0 : i32
    %scan3A_43 = arith.constant 0 : i32
    %scan3A_44 = arith.constant 79 : i32
    %scan3A_45 = arith.addi %scan3A_43, %scan3A_44 : i32
    %scan3A_46 = arith.constant 1 : i32
    scf.for %scan3A_53 = %scan3A_43 to %scan3A_45 step %scan3A_46  : i32 {
      "tpu.region"() ({
        %run_scoped3A = tpu.sem_alloc : memref<!tpu.dma_semaphore, #tpu.memory_space<semaphore_mem>>
        %dma_start3A = arith.constant 0 : i32
        %dma_start3A_54 = tpu.memref_slice %arg4[%scan3A_53, %dma_start3A] : memref<79x128xi32, #tpu.memory_space<vmem>> -> memref<1x128xi32, #tpu.memory_space<vmem>>
        %dma_start3A_55 = tpu.memref_squeeze %dma_start3A_54 : memref<1x128xi32, #tpu.memory_space<vmem>> -> memref<128xi32, #tpu.memory_space<vmem>>
        %dma_start3A_56 = arith.constant 0 : i32
        %dma_start3A_57 = tpu.memref_slice %arg7[%dma_start3A_56] : memref<10240xf32, #tpu.memory_space<vmem_shared>> -> memref<10240xf32, #tpu.memory_space<vmem_shared>>
        tpu.enqueue_indirect_dma source(%arg5 : memref<128xf32, #tpu.memory_space<vmem>>) target(%dma_start3A_57 : memref<10240xf32, #tpu.memory_space<vmem_shared>>) offsets(%dma_start3A_55 : memref<128xi32, #tpu.memory_space<vmem>>) semaphore(%run_scoped3A : memref<!tpu.dma_semaphore, #tpu.memory_space<semaphore_mem>>) {add = true}
        %dma_wait3A = arith.constant 0 : i32
        %dma_wait3A_58 = tpu.memref_slice %arg4[%scan3A_53, %dma_wait3A] : memref<79x128xi32, #tpu.memory_space<vmem>> -> memref<1x128xi32, #tpu.memory_space<vmem>>
        %dma_wait3A_59 = tpu.memref_squeeze %dma_wait3A_58 : memref<1x128xi32, #tpu.memory_space<vmem>> -> memref<128xi32, #tpu.memory_space<vmem>>
        %dma_wait3A_60 = arith.constant 0 : i32
        %dma_wait3A_61 = tpu.memref_slice %arg7[%dma_wait3A_60] : memref<10240xf32, #tpu.memory_space<vmem_shared>> -> memref<10240xf32, #tpu.memory_space<vmem_shared>>
        tpu.wait_indirect_dma semaphore(%run_scoped3A : memref<!tpu.dma_semaphore, #tpu.memory_space<semaphore_mem>>) src(%arg5 : memref<128xf32, #tpu.memory_space<vmem>>) dst(%dma_wait3A_61 : memref<10240xf32, #tpu.memory_space<vmem_shared>>)
        tpu.yield
      }) : () -> ()
    }
    %scan3A_47 = arith.constant 79 : i32
    %barrier3A_48 = arith.constant 0 : index
    tpu.barrier barrier_id(%barrier3A_48)
    %mul3A_49 = arith.constant 640 : i32
    %mul3A_50 = arith.muli %arg1, %mul3A_49 : i32
    %mul3A_51 = arith.constant 640 : i32
    %mul3A_52 = arith.muli %arg1, %mul3A_51 : i32
    "tpu.region"() ({
      %run_scoped3A = tpu.sem_alloc : memref<!tpu.dma_semaphore, #tpu.memory_space<semaphore_mem>>
      %dma_start3A = tpu.memref_slice %arg3[%arg0, %mul3A_52] : memref<2x10240xf32, #tpu.memory_space<hbm>> -> memref<1x640xf32, #tpu.memory_space<hbm>>
      %dma_start3A_53 = tpu.memref_squeeze %dma_start3A : memref<1x640xf32, #tpu.memory_space<hbm>> -> memref<640xf32, #tpu.memory_space<hbm>>
      %dma_start3A_54 = tpu.memref_slice %arg7[%mul3A_50] : memref<10240xf32, #tpu.memory_space<vmem_shared>> -> memref<640xf32, #tpu.memory_space<vmem_shared>>
      tpu.enqueue_dma source(%dma_start3A_54 : memref<640xf32, #tpu.memory_space<vmem_shared>>) target(%dma_start3A_53 : memref<640xf32, #tpu.memory_space<hbm>>) target_semaphore(%run_scoped3A : memref<!tpu.dma_semaphore, #tpu.memory_space<semaphore_mem>>)
      %dma_wait3A = tpu.memref_slice %arg3[%arg0, %mul3A_52] : memref<2x10240xf32, #tpu.memory_space<hbm>> -> memref<1x640xf32, #tpu.memory_space<hbm>>
      %dma_wait3A_55 = tpu.memref_squeeze %dma_wait3A : memref<1x640xf32, #tpu.memory_space<hbm>> -> memref<640xf32, #tpu.memory_space<hbm>>
      %dma_wait3A_56 = tpu.memref_slice %arg7[%mul3A_50] : memref<10240xf32, #tpu.memory_space<vmem_shared>> -> memref<640xf32, #tpu.memory_space<vmem_shared>>
      tpu.wait_dma2 semaphore(%run_scoped3A : memref<!tpu.dma_semaphore, #tpu.memory_space<semaphore_mem>>) src(%dma_wait3A_56 : memref<640xf32, #tpu.memory_space<vmem_shared>>) dst(%dma_wait3A_55 : memref<640xf32, #tpu.memory_space<hbm>>)
      tpu.yield
    }) : () -> ()
    return
  }
}

#map = affine_map<(d0, d1) -> (0, 0)>
#map1 = affine_map<(d0, d1) -> (0, 0, 0)>
module attributes {stable_mosaic.version = 14 : i64} {
  func.func @edgek(%arg0: i32, %arg1: i32, %arg2: memref<10240x64xf32, #tpu.memory_space<hbm>>, %arg3: memref<32x79x128xi32, #tpu.memory_space<hbm>>, %arg4: memref<32x79x128xi32, #tpu.memory_space<hbm>>, %arg5: memref<2x10240x64xf32, #tpu.memory_space<hbm>>, %arg6: memref<79x128xi32, #tpu.memory_space<vmem>>, %arg7: memref<79x128xi32, #tpu.memory_space<vmem>>, %arg8: memref<2x128x64xf32, #tpu.memory_space<vmem>>, %arg9: memref<10240x64xf32, #tpu.memory_space<vmem_shared>>, %arg10: memref<!tpu.dma_semaphore, #tpu.memory_space<semaphore_mem>>, %arg11: memref<!tpu.dma_semaphore, #tpu.memory_space<semaphore_mem>>) attributes {dimension_semantics = [#tpu.dimension_semantics<core_parallel>, #tpu.dimension_semantics<subcore_parallel>], iteration_bounds = array<i64: 2, 16>, scalar_prefetch = 0 : i64, scratch_operands = 6 : i64, tpu.core_type = #tpu.core_type<sc_vector_subcore>, window_params = [{transform_indices = #map}, {transform_indices = #map1}, {transform_indices = #map1}, {transform_indices = #map1}]} {
    %mul3A = arith.constant 16 : i32
    %mul3A_0 = arith.muli %arg0, %mul3A : i32
    %add3A = arith.addi %mul3A_0, %arg1 : i32
    "tpu.region"() ({
      %run_scoped3A_66 = tpu.sem_alloc : memref<!tpu.dma_semaphore, #tpu.memory_space<semaphore_mem>>
      %dma_start3A_67 = arith.constant 0 : i32
      %dma_start3A_68 = arith.constant 0 : i32
      %dma_start3A_69 = tpu.memref_slice %arg3[%add3A, %dma_start3A_67, %dma_start3A_68] : memref<32x79x128xi32, #tpu.memory_space<hbm>> -> memref<1x79x128xi32, #tpu.memory_space<hbm>>
      %dma_start3A_70 = tpu.memref_squeeze %dma_start3A_69 : memref<1x79x128xi32, #tpu.memory_space<hbm>> -> memref<79x128xi32, #tpu.memory_space<hbm>>
      %dma_start3A_71 = arith.constant 0 : i32
      %dma_start3A_72 = arith.constant 0 : i32
      %dma_start3A_73 = tpu.memref_slice %arg3[%add3A, %dma_start3A_71, %dma_start3A_72] : memref<32x79x128xi32, #tpu.memory_space<hbm>> -> memref<1x79x128xi32, #tpu.memory_space<hbm>>
      %dma_start3A_74 = tpu.memref_squeeze %dma_start3A_73 : memref<1x79x128xi32, #tpu.memory_space<hbm>> -> memref<79x128xi32, #tpu.memory_space<hbm>>
      tpu.enqueue_dma source(%dma_start3A_74 : memref<79x128xi32, #tpu.memory_space<hbm>>) target(%arg6 : memref<79x128xi32, #tpu.memory_space<vmem>>) target_semaphore(%run_scoped3A_66 : memref<!tpu.dma_semaphore, #tpu.memory_space<semaphore_mem>>)
      %dma_wait3A_75 = arith.constant 0 : i32
      %dma_wait3A_76 = arith.constant 0 : i32
      %dma_wait3A_77 = tpu.memref_slice %arg3[%add3A, %dma_wait3A_75, %dma_wait3A_76] : memref<32x79x128xi32, #tpu.memory_space<hbm>> -> memref<1x79x128xi32, #tpu.memory_space<hbm>>
      %dma_wait3A_78 = tpu.memref_squeeze %dma_wait3A_77 : memref<1x79x128xi32, #tpu.memory_space<hbm>> -> memref<79x128xi32, #tpu.memory_space<hbm>>
      %dma_wait3A_79 = arith.constant 0 : i32
      %dma_wait3A_80 = arith.constant 0 : i32
      %dma_wait3A_81 = tpu.memref_slice %arg3[%add3A, %dma_wait3A_79, %dma_wait3A_80] : memref<32x79x128xi32, #tpu.memory_space<hbm>> -> memref<1x79x128xi32, #tpu.memory_space<hbm>>
      %dma_wait3A_82 = tpu.memref_squeeze %dma_wait3A_81 : memref<1x79x128xi32, #tpu.memory_space<hbm>> -> memref<79x128xi32, #tpu.memory_space<hbm>>
      tpu.wait_dma2 semaphore(%run_scoped3A_66 : memref<!tpu.dma_semaphore, #tpu.memory_space<semaphore_mem>>) src(%dma_wait3A_82 : memref<79x128xi32, #tpu.memory_space<hbm>>) dst(%arg6 : memref<79x128xi32, #tpu.memory_space<vmem>>)
      tpu.yield
    }) : () -> ()
    "tpu.region"() ({
      %run_scoped3A_66 = tpu.sem_alloc : memref<!tpu.dma_semaphore, #tpu.memory_space<semaphore_mem>>
      %dma_start3A_67 = arith.constant 0 : i32
      %dma_start3A_68 = arith.constant 0 : i32
      %dma_start3A_69 = tpu.memref_slice %arg4[%add3A, %dma_start3A_67, %dma_start3A_68] : memref<32x79x128xi32, #tpu.memory_space<hbm>> -> memref<1x79x128xi32, #tpu.memory_space<hbm>>
      %dma_start3A_70 = tpu.memref_squeeze %dma_start3A_69 : memref<1x79x128xi32, #tpu.memory_space<hbm>> -> memref<79x128xi32, #tpu.memory_space<hbm>>
      %dma_start3A_71 = arith.constant 0 : i32
      %dma_start3A_72 = arith.constant 0 : i32
      %dma_start3A_73 = tpu.memref_slice %arg4[%add3A, %dma_start3A_71, %dma_start3A_72] : memref<32x79x128xi32, #tpu.memory_space<hbm>> -> memref<1x79x128xi32, #tpu.memory_space<hbm>>
      %dma_start3A_74 = tpu.memref_squeeze %dma_start3A_73 : memref<1x79x128xi32, #tpu.memory_space<hbm>> -> memref<79x128xi32, #tpu.memory_space<hbm>>
      tpu.enqueue_dma source(%dma_start3A_74 : memref<79x128xi32, #tpu.memory_space<hbm>>) target(%arg7 : memref<79x128xi32, #tpu.memory_space<vmem>>) target_semaphore(%run_scoped3A_66 : memref<!tpu.dma_semaphore, #tpu.memory_space<semaphore_mem>>)
      %dma_wait3A_75 = arith.constant 0 : i32
      %dma_wait3A_76 = arith.constant 0 : i32
      %dma_wait3A_77 = tpu.memref_slice %arg4[%add3A, %dma_wait3A_75, %dma_wait3A_76] : memref<32x79x128xi32, #tpu.memory_space<hbm>> -> memref<1x79x128xi32, #tpu.memory_space<hbm>>
      %dma_wait3A_78 = tpu.memref_squeeze %dma_wait3A_77 : memref<1x79x128xi32, #tpu.memory_space<hbm>> -> memref<79x128xi32, #tpu.memory_space<hbm>>
      %dma_wait3A_79 = arith.constant 0 : i32
      %dma_wait3A_80 = arith.constant 0 : i32
      %dma_wait3A_81 = tpu.memref_slice %arg4[%add3A, %dma_wait3A_79, %dma_wait3A_80] : memref<32x79x128xi32, #tpu.memory_space<hbm>> -> memref<1x79x128xi32, #tpu.memory_space<hbm>>
      %dma_wait3A_82 = tpu.memref_squeeze %dma_wait3A_81 : memref<1x79x128xi32, #tpu.memory_space<hbm>> -> memref<79x128xi32, #tpu.memory_space<hbm>>
      tpu.wait_dma2 semaphore(%run_scoped3A_66 : memref<!tpu.dma_semaphore, #tpu.memory_space<semaphore_mem>>) src(%dma_wait3A_82 : memref<79x128xi32, #tpu.memory_space<hbm>>) dst(%arg7 : memref<79x128xi32, #tpu.memory_space<vmem>>)
      tpu.yield
    }) : () -> ()
    %broadcast_in_dim3A = arith.constant 0.000000e+00 : f32
    %broadcast_in_dim3A_1 = vector.broadcast %broadcast_in_dim3A : f32 to vector<16xf32>
    %scan3A = arith.constant 0 : i32
    %scan3A_2 = arith.constant 0 : i32
    %scan3A_3 = arith.constant 128 : i32
    %scan3A_4 = arith.addi %scan3A_2, %scan3A_3 : i32
    %scan3A_5 = arith.constant 1 : i32
    scf.for %scan3A_66 = %scan3A_2 to %scan3A_4 step %scan3A_5  : i32 {
      %swap3A = arith.constant 0 : i32
      %swap3A_67 = arith.index_cast %swap3A : i32 to index
      %swap3A_68 = arith.index_cast %scan3A_66 : i32 to index
      %swap3A_69 = arith.constant 0 : index
      %swap3A_70 = tpu.vector_load %arg8[%swap3A_67, %swap3A_68, %swap3A_69] {strides = array<i32>} : memref<2x128x64xf32, #tpu.memory_space<vmem>>, vector<1x1x16xf32>,
      %swap3A_71 = vector.shape_cast %swap3A_70 : vector<1x1x16xf32> to vector<16xf32>
      %swap3A_72 = vector.shape_cast %broadcast_in_dim3A_1 : vector<16xf32> to vector<1x1x16xf32>
      tpu.vector_store %arg8[%swap3A_67, %swap3A_68, %swap3A_69], %swap3A_72 {strides = array<i32>} : memref<2x128x64xf32, #tpu.memory_space<vmem>>, vector<1x1x16xf32>,
      %swap3A_73 = arith.constant 0 : i32
      %swap3A_74 = arith.index_cast %swap3A_73 : i32 to index
      %swap3A_75 = arith.index_cast %scan3A_66 : i32 to index
      %swap3A_76 = arith.constant 16 : index
      %swap3A_77 = tpu.vector_load %arg8[%swap3A_74, %swap3A_75, %swap3A_76] {strides = array<i32>} : memref<2x128x64xf32, #tpu.memory_space<vmem>>, vector<1x1x16xf32>,
      %swap3A_78 = vector.shape_cast %swap3A_77 : vector<1x1x16xf32> to vector<16xf32>
      %swap3A_79 = vector.shape_cast %broadcast_in_dim3A_1 : vector<16xf32> to vector<1x1x16xf32>
      tpu.vector_store %arg8[%swap3A_74, %swap3A_75, %swap3A_76], %swap3A_79 {strides = array<i32>} : memref<2x128x64xf32, #tpu.memory_space<vmem>>, vector<1x1x16xf32>,
      %swap3A_80 = arith.constant 0 : i32
      %swap3A_81 = arith.index_cast %swap3A_80 : i32 to index
      %swap3A_82 = arith.index_cast %scan3A_66 : i32 to index
      %swap3A_83 = arith.constant 32 : index
      %swap3A_84 = tpu.vector_load %arg8[%swap3A_81, %swap3A_82, %swap3A_83] {strides = array<i32>} : memref<2x128x64xf32, #tpu.memory_space<vmem>>, vector<1x1x16xf32>,
      %swap3A_85 = vector.shape_cast %swap3A_84 : vector<1x1x16xf32> to vector<16xf32>
      %swap3A_86 = vector.shape_cast %broadcast_in_dim3A_1 : vector<16xf32> to vector<1x1x16xf32>
      tpu.vector_store %arg8[%swap3A_81, %swap3A_82, %swap3A_83], %swap3A_86 {strides = array<i32>} : memref<2x128x64xf32, #tpu.memory_space<vmem>>, vector<1x1x16xf32>,
      %swap3A_87 = arith.constant 0 : i32
      %swap3A_88 = arith.index_cast %swap3A_87 : i32 to index
      %swap3A_89 = arith.index_cast %scan3A_66 : i32 to index
      %swap3A_90 = arith.constant 48 : index
      %swap3A_91 = tpu.vector_load %arg8[%swap3A_88, %swap3A_89, %swap3A_90] {strides = array<i32>} : memref<2x128x64xf32, #tpu.memory_space<vmem>>, vector<1x1x16xf32>,
      %swap3A_92 = vector.shape_cast %swap3A_91 : vector<1x1x16xf32> to vector<16xf32>
      %swap3A_93 = vector.shape_cast %broadcast_in_dim3A_1 : vector<16xf32> to vector<1x1x16xf32>
      tpu.vector_store %arg8[%swap3A_88, %swap3A_89, %swap3A_90], %swap3A_93 {strides = array<i32>} : memref<2x128x64xf32, #tpu.memory_space<vmem>>, vector<1x1x16xf32>,
    }
    %scan3A_6 = arith.constant 128 : i32
    %mul3A_7 = arith.constant 640 : i32
    %mul3A_8 = arith.muli %arg1, %mul3A_7 : i32
    %add3A_9 = arith.constant 0 : i32
    %add3A_10 = arith.addi %mul3A_8, %add3A_9 : i32
    %run_scoped3A = arith.constant 0 : i32
    "tpu.region"() ({
      %run_scoped3A_66 = tpu.sem_alloc : memref<!tpu.dma_semaphore, #tpu.memory_space<semaphore_mem>>
      %dma_start3A_67 = arith.constant 0 : i32
      %dma_start3A_68 = arith.constant 0 : i32
      %dma_start3A_69 = tpu.memref_slice %arg8[%run_scoped3A, %dma_start3A_67, %dma_start3A_68] : memref<2x128x64xf32, #tpu.memory_space<vmem>> -> memref<1x128x64xf32, #tpu.memory_space<vmem>>
      %dma_start3A_70 = tpu.memref_squeeze %dma_start3A_69 : memref<1x128x64xf32, #tpu.memory_space<vmem>> -> memref<128x64xf32, #tpu.memory_space<vmem>>
      %dma_start3A_71 = arith.constant 0 : i32
      %dma_start3A_72 = tpu.memref_slice %arg9[%add3A_10, %dma_start3A_71] : memref<10240x64xf32, #tpu.memory_space<vmem_shared>> -> memref<128x64xf32, #tpu.memory_space<vmem_shared>>
      %dma_start3A_73 = arith.constant 0 : i32
      %dma_start3A_74 = tpu.memref_slice %arg9[%add3A_10, %dma_start3A_73] : memref<10240x64xf32, #tpu.memory_space<vmem_shared>> -> memref<128x64xf32, #tpu.memory_space<vmem_shared>>
      %dma_start3A_75 = arith.constant 0 : i32
      %dma_start3A_76 = arith.constant 0 : i32
      %dma_start3A_77 = tpu.memref_slice %arg8[%run_scoped3A, %dma_start3A_75, %dma_start3A_76] : memref<2x128x64xf32, #tpu.memory_space<vmem>> -> memref<1x128x64xf32, #tpu.memory_space<vmem>>
      %dma_start3A_78 = tpu.memref_squeeze %dma_start3A_77 : memref<1x128x64xf32, #tpu.memory_space<vmem>> -> memref<128x64xf32, #tpu.memory_space<vmem>>
      tpu.enqueue_dma source(%dma_start3A_78 : memref<128x64xf32, #tpu.memory_space<vmem>>) target(%dma_start3A_74 : memref<128x64xf32, #tpu.memory_space<vmem_shared>>) target_semaphore(%run_scoped3A_66 : memref<!tpu.dma_semaphore, #tpu.memory_space<semaphore_mem>>)
      %dma_wait3A_79 = arith.constant 0 : i32
      %dma_wait3A_80 = arith.constant 0 : i32
      %dma_wait3A_81 = tpu.memref_slice %arg8[%run_scoped3A, %dma_wait3A_79, %dma_wait3A_80] : memref<2x128x64xf32, #tpu.memory_space<vmem>> -> memref<1x128x64xf32, #tpu.memory_space<vmem>>
      %dma_wait3A_82 = tpu.memref_squeeze %dma_wait3A_81 : memref<1x128x64xf32, #tpu.memory_space<vmem>> -> memref<128x64xf32, #tpu.memory_space<vmem>>
      %dma_wait3A_83 = arith.constant 0 : i32
      %dma_wait3A_84 = tpu.memref_slice %arg9[%add3A_10, %dma_wait3A_83] : memref<10240x64xf32, #tpu.memory_space<vmem_shared>> -> memref<128x64xf32, #tpu.memory_space<vmem_shared>>
      %dma_wait3A_85 = arith.constant 0 : i32
      %dma_wait3A_86 = tpu.memref_slice %arg9[%add3A_10, %dma_wait3A_85] : memref<10240x64xf32, #tpu.memory_space<vmem_shared>> -> memref<128x64xf32, #tpu.memory_space<vmem_shared>>
      %dma_wait3A_87 = arith.constant 0 : i32
      %dma_wait3A_88 = arith.constant 0 : i32
      %dma_wait3A_89 = tpu.memref_slice %arg8[%run_scoped3A, %dma_wait3A_87, %dma_wait3A_88] : memref<2x128x64xf32, #tpu.memory_space<vmem>> -> memref<1x128x64xf32, #tpu.memory_space<vmem>>
      %dma_wait3A_90 = tpu.memref_squeeze %dma_wait3A_89 : memref<1x128x64xf32, #tpu.memory_space<vmem>> -> memref<128x64xf32, #tpu.memory_space<vmem>>
      tpu.wait_dma2 semaphore(%run_scoped3A_66 : memref<!tpu.dma_semaphore, #tpu.memory_space<semaphore_mem>>) src(%dma_wait3A_90 : memref<128x64xf32, #tpu.memory_space<vmem>>) dst(%dma_wait3A_86 : memref<128x64xf32, #tpu.memory_space<vmem_shared>>)
      tpu.yield
    }) : () -> ()
    %mul3A_11 = arith.constant 640 : i32
    %mul3A_12 = arith.muli %arg1, %mul3A_11 : i32
    %add3A_13 = arith.constant 128 : i32
    %add3A_14 = arith.addi %mul3A_12, %add3A_13 : i32
    %run_scoped3A_15 = arith.constant 0 : i32
    "tpu.region"() ({
      %run_scoped3A_66 = tpu.sem_alloc : memref<!tpu.dma_semaphore, #tpu.memory_space<semaphore_mem>>
      %dma_start3A_67 = arith.constant 0 : i32
      %dma_start3A_68 = arith.constant 0 : i32
      %dma_start3A_69 = tpu.memref_slice %arg8[%run_scoped3A_15, %dma_start3A_67, %dma_start3A_68] : memref<2x128x64xf32, #tpu.memory_space<vmem>> -> memref<1x128x64xf32, #tpu.memory_space<vmem>>
      %dma_start3A_70 = tpu.memref_squeeze %dma_start3A_69 : memref<1x128x64xf32, #tpu.memory_space<vmem>> -> memref<128x64xf32, #tpu.memory_space<vmem>>
      %dma_start3A_71 = arith.constant 0 : i32
      %dma_start3A_72 = tpu.memref_slice %arg9[%add3A_14, %dma_start3A_71] : memref<10240x64xf32, #tpu.memory_space<vmem_shared>> -> memref<128x64xf32, #tpu.memory_space<vmem_shared>>
      %dma_start3A_73 = arith.constant 0 : i32
      %dma_start3A_74 = tpu.memref_slice %arg9[%add3A_14, %dma_start3A_73] : memref<10240x64xf32, #tpu.memory_space<vmem_shared>> -> memref<128x64xf32, #tpu.memory_space<vmem_shared>>
      %dma_start3A_75 = arith.constant 0 : i32
      %dma_start3A_76 = arith.constant 0 : i32
      %dma_start3A_77 = tpu.memref_slice %arg8[%run_scoped3A_15, %dma_start3A_75, %dma_start3A_76] : memref<2x128x64xf32, #tpu.memory_space<vmem>> -> memref<1x128x64xf32, #tpu.memory_space<vmem>>
      %dma_start3A_78 = tpu.memref_squeeze %dma_start3A_77 : memref<1x128x64xf32, #tpu.memory_space<vmem>> -> memref<128x64xf32, #tpu.memory_space<vmem>>
      tpu.enqueue_dma source(%dma_start3A_78 : memref<128x64xf32, #tpu.memory_space<vmem>>) target(%dma_start3A_74 : memref<128x64xf32, #tpu.memory_space<vmem_shared>>) target_semaphore(%run_scoped3A_66 : memref<!tpu.dma_semaphore, #tpu.memory_space<semaphore_mem>>)
      %dma_wait3A_79 = arith.constant 0 : i32
      %dma_wait3A_80 = arith.constant 0 : i32
      %dma_wait3A_81 = tpu.memref_slice %arg8[%run_scoped3A_15, %dma_wait3A_79, %dma_wait3A_80] : memref<2x128x64xf32, #tpu.memory_space<vmem>> -> memref<1x128x64xf32, #tpu.memory_space<vmem>>
      %dma_wait3A_82 = tpu.memref_squeeze %dma_wait3A_81 : memref<1x128x64xf32, #tpu.memory_space<vmem>> -> memref<128x64xf32, #tpu.memory_space<vmem>>
      %dma_wait3A_83 = arith.constant 0 : i32
      %dma_wait3A_84 = tpu.memref_slice %arg9[%add3A_14, %dma_wait3A_83] : memref<10240x64xf32, #tpu.memory_space<vmem_shared>> -> memref<128x64xf32, #tpu.memory_space<vmem_shared>>
      %dma_wait3A_85 = arith.constant 0 : i32
      %dma_wait3A_86 = tpu.memref_slice %arg9[%add3A_14, %dma_wait3A_85] : memref<10240x64xf32, #tpu.memory_space<vmem_shared>> -> memref<128x64xf32, #tpu.memory_space<vmem_shared>>
      %dma_wait3A_87 = arith.constant 0 : i32
      %dma_wait3A_88 = arith.constant 0 : i32
      %dma_wait3A_89 = tpu.memref_slice %arg8[%run_scoped3A_15, %dma_wait3A_87, %dma_wait3A_88] : memref<2x128x64xf32, #tpu.memory_space<vmem>> -> memref<1x128x64xf32, #tpu.memory_space<vmem>>
      %dma_wait3A_90 = tpu.memref_squeeze %dma_wait3A_89 : memref<1x128x64xf32, #tpu.memory_space<vmem>> -> memref<128x64xf32, #tpu.memory_space<vmem>>
      tpu.wait_dma2 semaphore(%run_scoped3A_66 : memref<!tpu.dma_semaphore, #tpu.memory_space<semaphore_mem>>) src(%dma_wait3A_90 : memref<128x64xf32, #tpu.memory_space<vmem>>) dst(%dma_wait3A_86 : memref<128x64xf32, #tpu.memory_space<vmem_shared>>)
      tpu.yield
    }) : () -> ()
    %mul3A_16 = arith.constant 640 : i32
    %mul3A_17 = arith.muli %arg1, %mul3A_16 : i32
    %add3A_18 = arith.constant 256 : i32
    %add3A_19 = arith.addi %mul3A_17, %add3A_18 : i32
    %run_scoped3A_20 = arith.constant 0 : i32
    "tpu.region"() ({
      %run_scoped3A_66 = tpu.sem_alloc : memref<!tpu.dma_semaphore, #tpu.memory_space<semaphore_mem>>
      %dma_start3A_67 = arith.constant 0 : i32
      %dma_start3A_68 = arith.constant 0 : i32
      %dma_start3A_69 = tpu.memref_slice %arg8[%run_scoped3A_20, %dma_start3A_67, %dma_start3A_68] : memref<2x128x64xf32, #tpu.memory_space<vmem>> -> memref<1x128x64xf32, #tpu.memory_space<vmem>>
      %dma_start3A_70 = tpu.memref_squeeze %dma_start3A_69 : memref<1x128x64xf32, #tpu.memory_space<vmem>> -> memref<128x64xf32, #tpu.memory_space<vmem>>
      %dma_start3A_71 = arith.constant 0 : i32
      %dma_start3A_72 = tpu.memref_slice %arg9[%add3A_19, %dma_start3A_71] : memref<10240x64xf32, #tpu.memory_space<vmem_shared>> -> memref<128x64xf32, #tpu.memory_space<vmem_shared>>
      %dma_start3A_73 = arith.constant 0 : i32
      %dma_start3A_74 = tpu.memref_slice %arg9[%add3A_19, %dma_start3A_73] : memref<10240x64xf32, #tpu.memory_space<vmem_shared>> -> memref<128x64xf32, #tpu.memory_space<vmem_shared>>
      %dma_start3A_75 = arith.constant 0 : i32
      %dma_start3A_76 = arith.constant 0 : i32
      %dma_start3A_77 = tpu.memref_slice %arg8[%run_scoped3A_20, %dma_start3A_75, %dma_start3A_76] : memref<2x128x64xf32, #tpu.memory_space<vmem>> -> memref<1x128x64xf32, #tpu.memory_space<vmem>>
      %dma_start3A_78 = tpu.memref_squeeze %dma_start3A_77 : memref<1x128x64xf32, #tpu.memory_space<vmem>> -> memref<128x64xf32, #tpu.memory_space<vmem>>
      tpu.enqueue_dma source(%dma_start3A_78 : memref<128x64xf32, #tpu.memory_space<vmem>>) target(%dma_start3A_74 : memref<128x64xf32, #tpu.memory_space<vmem_shared>>) target_semaphore(%run_scoped3A_66 : memref<!tpu.dma_semaphore, #tpu.memory_space<semaphore_mem>>)
      %dma_wait3A_79 = arith.constant 0 : i32
      %dma_wait3A_80 = arith.constant 0 : i32
      %dma_wait3A_81 = tpu.memref_slice %arg8[%run_scoped3A_20, %dma_wait3A_79, %dma_wait3A_80] : memref<2x128x64xf32, #tpu.memory_space<vmem>> -> memref<1x128x64xf32, #tpu.memory_space<vmem>>
      %dma_wait3A_82 = tpu.memref_squeeze %dma_wait3A_81 : memref<1x128x64xf32, #tpu.memory_space<vmem>> -> memref<128x64xf32, #tpu.memory_space<vmem>>
      %dma_wait3A_83 = arith.constant 0 : i32
      %dma_wait3A_84 = tpu.memref_slice %arg9[%add3A_19, %dma_wait3A_83] : memref<10240x64xf32, #tpu.memory_space<vmem_shared>> -> memref<128x64xf32, #tpu.memory_space<vmem_shared>>
      %dma_wait3A_85 = arith.constant 0 : i32
      %dma_wait3A_86 = tpu.memref_slice %arg9[%add3A_19, %dma_wait3A_85] : memref<10240x64xf32, #tpu.memory_space<vmem_shared>> -> memref<128x64xf32, #tpu.memory_space<vmem_shared>>
      %dma_wait3A_87 = arith.constant 0 : i32
      %dma_wait3A_88 = arith.constant 0 : i32
      %dma_wait3A_89 = tpu.memref_slice %arg8[%run_scoped3A_20, %dma_wait3A_87, %dma_wait3A_88] : memref<2x128x64xf32, #tpu.memory_space<vmem>> -> memref<1x128x64xf32, #tpu.memory_space<vmem>>
      %dma_wait3A_90 = tpu.memref_squeeze %dma_wait3A_89 : memref<1x128x64xf32, #tpu.memory_space<vmem>> -> memref<128x64xf32, #tpu.memory_space<vmem>>
      tpu.wait_dma2 semaphore(%run_scoped3A_66 : memref<!tpu.dma_semaphore, #tpu.memory_space<semaphore_mem>>) src(%dma_wait3A_90 : memref<128x64xf32, #tpu.memory_space<vmem>>) dst(%dma_wait3A_86 : memref<128x64xf32, #tpu.memory_space<vmem_shared>>)
      tpu.yield
    }) : () -> ()
    %mul3A_21 = arith.constant 640 : i32
    %mul3A_22 = arith.muli %arg1, %mul3A_21 : i32
    %add3A_23 = arith.constant 384 : i32
    %add3A_24 = arith.addi %mul3A_22, %add3A_23 : i32
    %run_scoped3A_25 = arith.constant 0 : i32
    "tpu.region"() ({
      %run_scoped3A_66 = tpu.sem_alloc : memref<!tpu.dma_semaphore, #tpu.memory_space<semaphore_mem>>
      %dma_start3A_67 = arith.constant 0 : i32
      %dma_start3A_68 = arith.constant 0 : i32
      %dma_start3A_69 = tpu.memref_slice %arg8[%run_scoped3A_25, %dma_start3A_67, %dma_start3A_68] : memref<2x128x64xf32, #tpu.memory_space<vmem>> -> memref<1x128x64xf32, #tpu.memory_space<vmem>>
      %dma_start3A_70 = tpu.memref_squeeze %dma_start3A_69 : memref<1x128x64xf32, #tpu.memory_space<vmem>> -> memref<128x64xf32, #tpu.memory_space<vmem>>
      %dma_start3A_71 = arith.constant 0 : i32
      %dma_start3A_72 = tpu.memref_slice %arg9[%add3A_24, %dma_start3A_71] : memref<10240x64xf32, #tpu.memory_space<vmem_shared>> -> memref<128x64xf32, #tpu.memory_space<vmem_shared>>
      %dma_start3A_73 = arith.constant 0 : i32
      %dma_start3A_74 = tpu.memref_slice %arg9[%add3A_24, %dma_start3A_73] : memref<10240x64xf32, #tpu.memory_space<vmem_shared>> -> memref<128x64xf32, #tpu.memory_space<vmem_shared>>
      %dma_start3A_75 = arith.constant 0 : i32
      %dma_start3A_76 = arith.constant 0 : i32
      %dma_start3A_77 = tpu.memref_slice %arg8[%run_scoped3A_25, %dma_start3A_75, %dma_start3A_76] : memref<2x128x64xf32, #tpu.memory_space<vmem>> -> memref<1x128x64xf32, #tpu.memory_space<vmem>>
      %dma_start3A_78 = tpu.memref_squeeze %dma_start3A_77 : memref<1x128x64xf32, #tpu.memory_space<vmem>> -> memref<128x64xf32, #tpu.memory_space<vmem>>
      tpu.enqueue_dma source(%dma_start3A_78 : memref<128x64xf32, #tpu.memory_space<vmem>>) target(%dma_start3A_74 : memref<128x64xf32, #tpu.memory_space<vmem_shared>>) target_semaphore(%run_scoped3A_66 : memref<!tpu.dma_semaphore, #tpu.memory_space<semaphore_mem>>)
      %dma_wait3A_79 = arith.constant 0 : i32
      %dma_wait3A_80 = arith.constant 0 : i32
      %dma_wait3A_81 = tpu.memref_slice %arg8[%run_scoped3A_25, %dma_wait3A_79, %dma_wait3A_80] : memref<2x128x64xf32, #tpu.memory_space<vmem>> -> memref<1x128x64xf32, #tpu.memory_space<vmem>>
      %dma_wait3A_82 = tpu.memref_squeeze %dma_wait3A_81 : memref<1x128x64xf32, #tpu.memory_space<vmem>> -> memref<128x64xf32, #tpu.memory_space<vmem>>
      %dma_wait3A_83 = arith.constant 0 : i32
      %dma_wait3A_84 = tpu.memref_slice %arg9[%add3A_24, %dma_wait3A_83] : memref<10240x64xf32, #tpu.memory_space<vmem_shared>> -> memref<128x64xf32, #tpu.memory_space<vmem_shared>>
      %dma_wait3A_85 = arith.constant 0 : i32
      %dma_wait3A_86 = tpu.memref_slice %arg9[%add3A_24, %dma_wait3A_85] : memref<10240x64xf32, #tpu.memory_space<vmem_shared>> -> memref<128x64xf32, #tpu.memory_space<vmem_shared>>
      %dma_wait3A_87 = arith.constant 0 : i32
      %dma_wait3A_88 = arith.constant 0 : i32
      %dma_wait3A_89 = tpu.memref_slice %arg8[%run_scoped3A_25, %dma_wait3A_87, %dma_wait3A_88] : memref<2x128x64xf32, #tpu.memory_space<vmem>> -> memref<1x128x64xf32, #tpu.memory_space<vmem>>
      %dma_wait3A_90 = tpu.memref_squeeze %dma_wait3A_89 : memref<1x128x64xf32, #tpu.memory_space<vmem>> -> memref<128x64xf32, #tpu.memory_space<vmem>>
      tpu.wait_dma2 semaphore(%run_scoped3A_66 : memref<!tpu.dma_semaphore, #tpu.memory_space<semaphore_mem>>) src(%dma_wait3A_90 : memref<128x64xf32, #tpu.memory_space<vmem>>) dst(%dma_wait3A_86 : memref<128x64xf32, #tpu.memory_space<vmem_shared>>)
      tpu.yield
    }) : () -> ()
    %mul3A_26 = arith.constant 640 : i32
    %mul3A_27 = arith.muli %arg1, %mul3A_26 : i32
    %add3A_28 = arith.constant 512 : i32
    %add3A_29 = arith.addi %mul3A_27, %add3A_28 : i32
    %run_scoped3A_30 = arith.constant 0 : i32
    "tpu.region"() ({
      %run_scoped3A_66 = tpu.sem_alloc : memref<!tpu.dma_semaphore, #tpu.memory_space<semaphore_mem>>
      %dma_start3A_67 = arith.constant 0 : i32
      %dma_start3A_68 = arith.constant 0 : i32
      %dma_start3A_69 = tpu.memref_slice %arg8[%run_scoped3A_30, %dma_start3A_67, %dma_start3A_68] : memref<2x128x64xf32, #tpu.memory_space<vmem>> -> memref<1x128x64xf32, #tpu.memory_space<vmem>>
      %dma_start3A_70 = tpu.memref_squeeze %dma_start3A_69 : memref<1x128x64xf32, #tpu.memory_space<vmem>> -> memref<128x64xf32, #tpu.memory_space<vmem>>
      %dma_start3A_71 = arith.constant 0 : i32
      %dma_start3A_72 = tpu.memref_slice %arg9[%add3A_29, %dma_start3A_71] : memref<10240x64xf32, #tpu.memory_space<vmem_shared>> -> memref<128x64xf32, #tpu.memory_space<vmem_shared>>
      %dma_start3A_73 = arith.constant 0 : i32
      %dma_start3A_74 = tpu.memref_slice %arg9[%add3A_29, %dma_start3A_73] : memref<10240x64xf32, #tpu.memory_space<vmem_shared>> -> memref<128x64xf32, #tpu.memory_space<vmem_shared>>
      %dma_start3A_75 = arith.constant 0 : i32
      %dma_start3A_76 = arith.constant 0 : i32
      %dma_start3A_77 = tpu.memref_slice %arg8[%run_scoped3A_30, %dma_start3A_75, %dma_start3A_76] : memref<2x128x64xf32, #tpu.memory_space<vmem>> -> memref<1x128x64xf32, #tpu.memory_space<vmem>>
      %dma_start3A_78 = tpu.memref_squeeze %dma_start3A_77 : memref<1x128x64xf32, #tpu.memory_space<vmem>> -> memref<128x64xf32, #tpu.memory_space<vmem>>
      tpu.enqueue_dma source(%dma_start3A_78 : memref<128x64xf32, #tpu.memory_space<vmem>>) target(%dma_start3A_74 : memref<128x64xf32, #tpu.memory_space<vmem_shared>>) target_semaphore(%run_scoped3A_66 : memref<!tpu.dma_semaphore, #tpu.memory_space<semaphore_mem>>)
      %dma_wait3A_79 = arith.constant 0 : i32
      %dma_wait3A_80 = arith.constant 0 : i32
      %dma_wait3A_81 = tpu.memref_slice %arg8[%run_scoped3A_30, %dma_wait3A_79, %dma_wait3A_80] : memref<2x128x64xf32, #tpu.memory_space<vmem>> -> memref<1x128x64xf32, #tpu.memory_space<vmem>>
      %dma_wait3A_82 = tpu.memref_squeeze %dma_wait3A_81 : memref<1x128x64xf32, #tpu.memory_space<vmem>> -> memref<128x64xf32, #tpu.memory_space<vmem>>
      %dma_wait3A_83 = arith.constant 0 : i32
      %dma_wait3A_84 = tpu.memref_slice %arg9[%add3A_29, %dma_wait3A_83] : memref<10240x64xf32, #tpu.memory_space<vmem_shared>> -> memref<128x64xf32, #tpu.memory_space<vmem_shared>>
      %dma_wait3A_85 = arith.constant 0 : i32
      %dma_wait3A_86 = tpu.memref_slice %arg9[%add3A_29, %dma_wait3A_85] : memref<10240x64xf32, #tpu.memory_space<vmem_shared>> -> memref<128x64xf32, #tpu.memory_space<vmem_shared>>
      %dma_wait3A_87 = arith.constant 0 : i32
      %dma_wait3A_88 = arith.constant 0 : i32
      %dma_wait3A_89 = tpu.memref_slice %arg8[%run_scoped3A_30, %dma_wait3A_87, %dma_wait3A_88] : memref<2x128x64xf32, #tpu.memory_space<vmem>> -> memref<1x128x64xf32, #tpu.memory_space<vmem>>
      %dma_wait3A_90 = tpu.memref_squeeze %dma_wait3A_89 : memref<1x128x64xf32, #tpu.memory_space<vmem>> -> memref<128x64xf32, #tpu.memory_space<vmem>>
      tpu.wait_dma2 semaphore(%run_scoped3A_66 : memref<!tpu.dma_semaphore, #tpu.memory_space<semaphore_mem>>) src(%dma_wait3A_90 : memref<128x64xf32, #tpu.memory_space<vmem>>) dst(%dma_wait3A_86 : memref<128x64xf32, #tpu.memory_space<vmem_shared>>)
      tpu.yield
    }) : () -> ()
    %barrier3A = arith.constant 0 : index
    tpu.barrier barrier_id(%barrier3A)
    %dma_start3A = arith.constant 0 : i32
    %dma_start3A_31 = arith.constant 0 : i32
    %dma_start3A_32 = arith.constant 0 : i32
    %dma_start3A_33 = arith.constant 0 : i32
    %dma_start3A_34 = tpu.memref_slice %arg8[%dma_start3A_31, %dma_start3A_32, %dma_start3A_33] : memref<2x128x64xf32, #tpu.memory_space<vmem>> -> memref<1x128x64xf32, #tpu.memory_space<vmem>>
    %dma_start3A_35 = tpu.memref_squeeze %dma_start3A_34 : memref<1x128x64xf32, #tpu.memory_space<vmem>> -> memref<128x64xf32, #tpu.memory_space<vmem>>
    %dma_start3A_36 = arith.constant 0 : i32
    %dma_start3A_37 = tpu.memref_slice %arg6[%dma_start3A, %dma_start3A_36] : memref<79x128xi32, #tpu.memory_space<vmem>> -> memref<1x128xi32, #tpu.memory_space<vmem>>
    %dma_start3A_38 = tpu.memref_squeeze %dma_start3A_37 : memref<1x128xi32, #tpu.memory_space<vmem>> -> memref<128xi32, #tpu.memory_space<vmem>>
    %dma_start3A_39 = arith.constant 0 : i32
    %dma_start3A_40 = arith.constant 0 : i32
    %dma_start3A_41 = tpu.memref_slice %arg2[%dma_start3A_39, %dma_start3A_40] : memref<10240x64xf32, #tpu.memory_space<hbm>> -> memref<10240x64xf32, #tpu.memory_space<hbm>>
    tpu.enqueue_indirect_dma source(%dma_start3A_41 : memref<10240x64xf32, #tpu.memory_space<hbm>>) target(%dma_start3A_35 : memref<128x64xf32, #tpu.memory_space<vmem>>) offsets(%dma_start3A_38 : memref<128xi32, #tpu.memory_space<vmem>>) semaphore(%arg10 : memref<!tpu.dma_semaphore, #tpu.memory_space<semaphore_mem>>)
    %scan3A_42 = arith.constant 0 : i32
    %scan3A_43 = arith.constant 0 : i32
    %scan3A_44 = arith.constant 39 : i32
    %scan3A_45 = arith.addi %scan3A_43, %scan3A_44 : i32
    %scan3A_46 = arith.constant 1 : i32
    scf.for %scan3A_66 = %scan3A_43 to %scan3A_45 step %scan3A_46  : i32 {
      %mul3A_67 = arith.constant 2 : i32
      %mul3A_68 = arith.muli %mul3A_67, %scan3A_66 : i32
      %dma_wait3A_69 = arith.constant 0 : i32
      %dma_wait3A_70 = arith.constant 0 : i32
      %dma_wait3A_71 = arith.constant 0 : i32
      %dma_wait3A_72 = tpu.memref_slice %arg8[%dma_wait3A_69, %dma_wait3A_70, %dma_wait3A_71] : memref<2x128x64xf32, #tpu.memory_space<vmem>> -> memref<1x128x64xf32, #tpu.memory_space<vmem>>
      %dma_wait3A_73 = tpu.memref_squeeze %dma_wait3A_72 : memref<1x128x64xf32, #tpu.memory_space<vmem>> -> memref<128x64xf32, #tpu.memory_space<vmem>>
      %dma_wait3A_74 = arith.constant 0 : i32
      %dma_wait3A_75 = tpu.memref_slice %arg6[%mul3A_68, %dma_wait3A_74] : memref<79x128xi32, #tpu.memory_space<vmem>> -> memref<1x128xi32, #tpu.memory_space<vmem>>
      %dma_wait3A_76 = tpu.memref_squeeze %dma_wait3A_75 : memref<1x128xi32, #tpu.memory_space<vmem>> -> memref<128xi32, #tpu.memory_space<vmem>>
      %dma_wait3A_77 = arith.constant 0 : i32
      %dma_wait3A_78 = arith.constant 0 : i32
      %dma_wait3A_79 = tpu.memref_slice %arg2[%dma_wait3A_77, %dma_wait3A_78] : memref<10240x64xf32, #tpu.memory_space<hbm>> -> memref<10240x64xf32, #tpu.memory_space<hbm>>
      tpu.wait_indirect_dma semaphore(%arg10 : memref<!tpu.dma_semaphore, #tpu.memory_space<semaphore_mem>>) src(%dma_wait3A_79 : memref<10240x64xf32, #tpu.memory_space<hbm>>) dst(%dma_wait3A_73 : memref<128x64xf32, #tpu.memory_space<vmem>>)
      %add3A_80 = arith.constant 1 : i32
      %add3A_81 = arith.addi %mul3A_68, %add3A_80 : i32
      %dma_start3A_82 = arith.constant 1 : i32
      %dma_start3A_83 = arith.constant 0 : i32
      %dma_start3A_84 = arith.constant 0 : i32
      %dma_start3A_85 = tpu.memref_slice %arg8[%dma_start3A_82, %dma_start3A_83, %dma_start3A_84] : memref<2x128x64xf32, #tpu.memory_space<vmem>> -> memref<1x128x64xf32, #tpu.memory_space<vmem>>
      %dma_start3A_86 = tpu.memref_squeeze %dma_start3A_85 : memref<1x128x64xf32, #tpu.memory_space<vmem>> -> memref<128x64xf32, #tpu.memory_space<vmem>>
      %dma_start3A_87 = arith.constant 0 : i32
      %dma_start3A_88 = tpu.memref_slice %arg6[%add3A_81, %dma_start3A_87] : memref<79x128xi32, #tpu.memory_space<vmem>> -> memref<1x128xi32, #tpu.memory_space<vmem>>
      %dma_start3A_89 = tpu.memref_squeeze %dma_start3A_88 : memref<1x128xi32, #tpu.memory_space<vmem>> -> memref<128xi32, #tpu.memory_space<vmem>>
      %dma_start3A_90 = arith.constant 0 : i32
      %dma_start3A_91 = arith.constant 0 : i32
      %dma_start3A_92 = tpu.memref_slice %arg2[%dma_start3A_90, %dma_start3A_91] : memref<10240x64xf32, #tpu.memory_space<hbm>> -> memref<10240x64xf32, #tpu.memory_space<hbm>>
      tpu.enqueue_indirect_dma source(%dma_start3A_92 : memref<10240x64xf32, #tpu.memory_space<hbm>>) target(%dma_start3A_86 : memref<128x64xf32, #tpu.memory_space<vmem>>) offsets(%dma_start3A_89 : memref<128xi32, #tpu.memory_space<vmem>>) semaphore(%arg11 : memref<!tpu.dma_semaphore, #tpu.memory_space<semaphore_mem>>)
      %run_scoped3A_93 = arith.constant 0 : i32
      "tpu.region"() ({
        %run_scoped3A_123 = tpu.sem_alloc : memref<!tpu.dma_semaphore, #tpu.memory_space<semaphore_mem>>
        %dma_start3A_124 = arith.constant 0 : i32
        %dma_start3A_125 = arith.constant 0 : i32
        %dma_start3A_126 = tpu.memref_slice %arg8[%run_scoped3A_93, %dma_start3A_124, %dma_start3A_125] : memref<2x128x64xf32, #tpu.memory_space<vmem>> -> memref<1x128x64xf32, #tpu.memory_space<vmem>>
        %dma_start3A_127 = tpu.memref_squeeze %dma_start3A_126 : memref<1x128x64xf32, #tpu.memory_space<vmem>> -> memref<128x64xf32, #tpu.memory_space<vmem>>
        %dma_start3A_128 = arith.constant 0 : i32
        %dma_start3A_129 = tpu.memref_slice %arg7[%mul3A_68, %dma_start3A_128] : memref<79x128xi32, #tpu.memory_space<vmem>> -> memref<1x128xi32, #tpu.memory_space<vmem>>
        %dma_start3A_130 = tpu.memref_squeeze %dma_start3A_129 : memref<1x128xi32, #tpu.memory_space<vmem>> -> memref<128xi32, #tpu.memory_space<vmem>>
        %dma_start3A_131 = arith.constant 0 : i32
        %dma_start3A_132 = arith.constant 0 : i32
        %dma_start3A_133 = tpu.memref_slice %arg9[%dma_start3A_131, %dma_start3A_132] : memref<10240x64xf32, #tpu.memory_space<vmem_shared>> -> memref<10240x64xf32, #tpu.memory_space<vmem_shared>>
        tpu.enqueue_indirect_dma source(%dma_start3A_127 : memref<128x64xf32, #tpu.memory_space<vmem>>) target(%dma_start3A_133 : memref<10240x64xf32, #tpu.memory_space<vmem_shared>>) offsets(%dma_start3A_130 : memref<128xi32, #tpu.memory_space<vmem>>) semaphore(%run_scoped3A_123 : memref<!tpu.dma_semaphore, #tpu.memory_space<semaphore_mem>>) {add = true}
        %dma_wait3A_134 = arith.constant 0 : i32
        %dma_wait3A_135 = arith.constant 0 : i32
        %dma_wait3A_136 = tpu.memref_slice %arg8[%run_scoped3A_93, %dma_wait3A_134, %dma_wait3A_135] : memref<2x128x64xf32, #tpu.memory_space<vmem>> -> memref<1x128x64xf32, #tpu.memory_space<vmem>>
        %dma_wait3A_137 = tpu.memref_squeeze %dma_wait3A_136 : memref<1x128x64xf32, #tpu.memory_space<vmem>> -> memref<128x64xf32, #tpu.memory_space<vmem>>
        %dma_wait3A_138 = arith.constant 0 : i32
        %dma_wait3A_139 = tpu.memref_slice %arg7[%mul3A_68, %dma_wait3A_138] : memref<79x128xi32, #tpu.memory_space<vmem>> -> memref<1x128xi32, #tpu.memory_space<vmem>>
        %dma_wait3A_140 = tpu.memref_squeeze %dma_wait3A_139 : memref<1x128xi32, #tpu.memory_space<vmem>> -> memref<128xi32, #tpu.memory_space<vmem>>
        %dma_wait3A_141 = arith.constant 0 : i32
        %dma_wait3A_142 = arith.constant 0 : i32
        %dma_wait3A_143 = tpu.memref_slice %arg9[%dma_wait3A_141, %dma_wait3A_142] : memref<10240x64xf32, #tpu.memory_space<vmem_shared>> -> memref<10240x64xf32, #tpu.memory_space<vmem_shared>>
        tpu.wait_indirect_dma semaphore(%run_scoped3A_123 : memref<!tpu.dma_semaphore, #tpu.memory_space<semaphore_mem>>) src(%dma_wait3A_137 : memref<128x64xf32, #tpu.memory_space<vmem>>) dst(%dma_wait3A_143 : memref<10240x64xf32, #tpu.memory_space<vmem_shared>>)
        tpu.yield
      }) : () -> ()
      %add3A_94 = arith.constant 1 : i32
      %add3A_95 = arith.addi %mul3A_68, %add3A_94 : i32
      %dma_wait3A_96 = arith.constant 1 : i32
      %dma_wait3A_97 = arith.constant 0 : i32
      %dma_wait3A_98 = arith.constant 0 : i32
      %dma_wait3A_99 = tpu.memref_slice %arg8[%dma_wait3A_96, %dma_wait3A_97, %dma_wait3A_98] : memref<2x128x64xf32, #tpu.memory_space<vmem>> -> memref<1x128x64xf32, #tpu.memory_space<vmem>>
      %dma_wait3A_100 = tpu.memref_squeeze %dma_wait3A_99 : memref<1x128x64xf32, #tpu.memory_space<vmem>> -> memref<128x64xf32, #tpu.memory_space<vmem>>
      %dma_wait3A_101 = arith.constant 0 : i32
      %dma_wait3A_102 = tpu.memref_slice %arg6[%add3A_95, %dma_wait3A_101] : memref<79x128xi32, #tpu.memory_space<vmem>> -> memref<1x128xi32, #tpu.memory_space<vmem>>
      %dma_wait3A_103 = tpu.memref_squeeze %dma_wait3A_102 : memref<1x128xi32, #tpu.memory_space<vmem>> -> memref<128xi32, #tpu.memory_space<vmem>>
      %dma_wait3A_104 = arith.constant 0 : i32
      %dma_wait3A_105 = arith.constant 0 : i32
      %dma_wait3A_106 = tpu.memref_slice %arg2[%dma_wait3A_104, %dma_wait3A_105] : memref<10240x64xf32, #tpu.memory_space<hbm>> -> memref<10240x64xf32, #tpu.memory_space<hbm>>
      tpu.wait_indirect_dma semaphore(%arg11 : memref<!tpu.dma_semaphore, #tpu.memory_space<semaphore_mem>>) src(%dma_wait3A_106 : memref<10240x64xf32, #tpu.memory_space<hbm>>) dst(%dma_wait3A_100 : memref<128x64xf32, #tpu.memory_space<vmem>>)
      %add3A_107 = arith.constant 2 : i32
      %add3A_108 = arith.addi %mul3A_68, %add3A_107 : i32
      %dma_start3A_109 = arith.constant 0 : i32
      %dma_start3A_110 = arith.constant 0 : i32
      %dma_start3A_111 = arith.constant 0 : i32
      %dma_start3A_112 = tpu.memref_slice %arg8[%dma_start3A_109, %dma_start3A_110, %dma_start3A_111] : memref<2x128x64xf32, #tpu.memory_space<vmem>> -> memref<1x128x64xf32, #tpu.memory_space<vmem>>
      %dma_start3A_113 = tpu.memref_squeeze %dma_start3A_112 : memref<1x128x64xf32, #tpu.memory_space<vmem>> -> memref<128x64xf32, #tpu.memory_space<vmem>>
      %dma_start3A_114 = arith.constant 0 : i32
      %dma_start3A_115 = tpu.memref_slice %arg6[%add3A_108, %dma_start3A_114] : memref<79x128xi32, #tpu.memory_space<vmem>> -> memref<1x128xi32, #tpu.memory_space<vmem>>
      %dma_start3A_116 = tpu.memref_squeeze %dma_start3A_115 : memref<1x128xi32, #tpu.memory_space<vmem>> -> memref<128xi32, #tpu.memory_space<vmem>>
      %dma_start3A_117 = arith.constant 0 : i32
      %dma_start3A_118 = arith.constant 0 : i32
      %dma_start3A_119 = tpu.memref_slice %arg2[%dma_start3A_117, %dma_start3A_118] : memref<10240x64xf32, #tpu.memory_space<hbm>> -> memref<10240x64xf32, #tpu.memory_space<hbm>>
      tpu.enqueue_indirect_dma source(%dma_start3A_119 : memref<10240x64xf32, #tpu.memory_space<hbm>>) target(%dma_start3A_113 : memref<128x64xf32, #tpu.memory_space<vmem>>) offsets(%dma_start3A_116 : memref<128xi32, #tpu.memory_space<vmem>>) semaphore(%arg10 : memref<!tpu.dma_semaphore, #tpu.memory_space<semaphore_mem>>)
      %add3A_120 = arith.constant 1 : i32
      %add3A_121 = arith.addi %mul3A_68, %add3A_120 : i32
      %run_scoped3A_122 = arith.constant 1 : i32
      "tpu.region"() ({
        %run_scoped3A_123 = tpu.sem_alloc : memref<!tpu.dma_semaphore, #tpu.memory_space<semaphore_mem>>
        %dma_start3A_124 = arith.constant 0 : i32
        %dma_start3A_125 = arith.constant 0 : i32
        %dma_start3A_126 = tpu.memref_slice %arg8[%run_scoped3A_122, %dma_start3A_124, %dma_start3A_125] : memref<2x128x64xf32, #tpu.memory_space<vmem>> -> memref<1x128x64xf32, #tpu.memory_space<vmem>>
        %dma_start3A_127 = tpu.memref_squeeze %dma_start3A_126 : memref<1x128x64xf32, #tpu.memory_space<vmem>> -> memref<128x64xf32, #tpu.memory_space<vmem>>
        %dma_start3A_128 = arith.constant 0 : i32
        %dma_start3A_129 = tpu.memref_slice %arg7[%add3A_121, %dma_start3A_128] : memref<79x128xi32, #tpu.memory_space<vmem>> -> memref<1x128xi32, #tpu.memory_space<vmem>>
        %dma_start3A_130 = tpu.memref_squeeze %dma_start3A_129 : memref<1x128xi32, #tpu.memory_space<vmem>> -> memref<128xi32, #tpu.memory_space<vmem>>
        %dma_start3A_131 = arith.constant 0 : i32
        %dma_start3A_132 = arith.constant 0 : i32
        %dma_start3A_133 = tpu.memref_slice %arg9[%dma_start3A_131, %dma_start3A_132] : memref<10240x64xf32, #tpu.memory_space<vmem_shared>> -> memref<10240x64xf32, #tpu.memory_space<vmem_shared>>
        tpu.enqueue_indirect_dma source(%dma_start3A_127 : memref<128x64xf32, #tpu.memory_space<vmem>>) target(%dma_start3A_133 : memref<10240x64xf32, #tpu.memory_space<vmem_shared>>) offsets(%dma_start3A_130 : memref<128xi32, #tpu.memory_space<vmem>>) semaphore(%run_scoped3A_123 : memref<!tpu.dma_semaphore, #tpu.memory_space<semaphore_mem>>) {add = true}
        %dma_wait3A_134 = arith.constant 0 : i32
        %dma_wait3A_135 = arith.constant 0 : i32
        %dma_wait3A_136 = tpu.memref_slice %arg8[%run_scoped3A_122, %dma_wait3A_134, %dma_wait3A_135] : memref<2x128x64xf32, #tpu.memory_space<vmem>> -> memref<1x128x64xf32, #tpu.memory_space<vmem>>
        %dma_wait3A_137 = tpu.memref_squeeze %dma_wait3A_136 : memref<1x128x64xf32, #tpu.memory_space<vmem>> -> memref<128x64xf32, #tpu.memory_space<vmem>>
        %dma_wait3A_138 = arith.constant 0 : i32
        %dma_wait3A_139 = tpu.memref_slice %arg7[%add3A_121, %dma_wait3A_138] : memref<79x128xi32, #tpu.memory_space<vmem>> -> memref<1x128xi32, #tpu.memory_space<vmem>>
        %dma_wait3A_140 = tpu.memref_squeeze %dma_wait3A_139 : memref<1x128xi32, #tpu.memory_space<vmem>> -> memref<128xi32, #tpu.memory_space<vmem>>
        %dma_wait3A_141 = arith.constant 0 : i32
        %dma_wait3A_142 = arith.constant 0 : i32
        %dma_wait3A_143 = tpu.memref_slice %arg9[%dma_wait3A_141, %dma_wait3A_142] : memref<10240x64xf32, #tpu.memory_space<vmem_shared>> -> memref<10240x64xf32, #tpu.memory_space<vmem_shared>>
        tpu.wait_indirect_dma semaphore(%run_scoped3A_123 : memref<!tpu.dma_semaphore, #tpu.memory_space<semaphore_mem>>) src(%dma_wait3A_137 : memref<128x64xf32, #tpu.memory_space<vmem>>) dst(%dma_wait3A_143 : memref<10240x64xf32, #tpu.memory_space<vmem_shared>>)
        tpu.yield
      }) : () -> ()
    }
    %scan3A_47 = arith.constant 39 : i32
    %dma_wait3A = arith.constant 78 : i32
    %dma_wait3A_48 = arith.constant 0 : i32
    %dma_wait3A_49 = arith.constant 0 : i32
    %dma_wait3A_50 = arith.constant 0 : i32
    %dma_wait3A_51 = tpu.memref_slice %arg8[%dma_wait3A_48, %dma_wait3A_49, %dma_wait3A_50] : memref<2x128x64xf32, #tpu.memory_space<vmem>> -> memref<1x128x64xf32, #tpu.memory_space<vmem>>
    %dma_wait3A_52 = tpu.memref_squeeze %dma_wait3A_51 : memref<1x128x64xf32, #tpu.memory_space<vmem>> -> memref<128x64xf32, #tpu.memory_space<vmem>>
    %dma_wait3A_53 = arith.constant 0 : i32
    %dma_wait3A_54 = tpu.memref_slice %arg6[%dma_wait3A, %dma_wait3A_53] : memref<79x128xi32, #tpu.memory_space<vmem>> -> memref<1x128xi32, #tpu.memory_space<vmem>>
    %dma_wait3A_55 = tpu.memref_squeeze %dma_wait3A_54 : memref<1x128xi32, #tpu.memory_space<vmem>> -> memref<128xi32, #tpu.memory_space<vmem>>
    %dma_wait3A_56 = arith.constant 0 : i32
    %dma_wait3A_57 = arith.constant 0 : i32
    %dma_wait3A_58 = tpu.memref_slice %arg2[%dma_wait3A_56, %dma_wait3A_57] : memref<10240x64xf32, #tpu.memory_space<hbm>> -> memref<10240x64xf32, #tpu.memory_space<hbm>>
    tpu.wait_indirect_dma semaphore(%arg10 : memref<!tpu.dma_semaphore, #tpu.memory_space<semaphore_mem>>) src(%dma_wait3A_58 : memref<10240x64xf32, #tpu.memory_space<hbm>>) dst(%dma_wait3A_52 : memref<128x64xf32, #tpu.memory_space<vmem>>)
    %run_scoped3A_59 = arith.constant 0 : i32
    %run_scoped3A_60 = arith.constant 78 : i32
    "tpu.region"() ({
      %run_scoped3A_66 = tpu.sem_alloc : memref<!tpu.dma_semaphore, #tpu.memory_space<semaphore_mem>>
      %dma_start3A_67 = arith.constant 0 : i32
      %dma_start3A_68 = arith.constant 0 : i32
      %dma_start3A_69 = tpu.memref_slice %arg8[%run_scoped3A_59, %dma_start3A_67, %dma_start3A_68] : memref<2x128x64xf32, #tpu.memory_space<vmem>> -> memref<1x128x64xf32, #tpu.memory_space<vmem>>
      %dma_start3A_70 = tpu.memref_squeeze %dma_start3A_69 : memref<1x128x64xf32, #tpu.memory_space<vmem>> -> memref<128x64xf32, #tpu.memory_space<vmem>>
      %dma_start3A_71 = arith.constant 0 : i32
      %dma_start3A_72 = tpu.memref_slice %arg7[%run_scoped3A_60, %dma_start3A_71] : memref<79x128xi32, #tpu.memory_space<vmem>> -> memref<1x128xi32, #tpu.memory_space<vmem>>
      %dma_start3A_73 = tpu.memref_squeeze %dma_start3A_72 : memref<1x128xi32, #tpu.memory_space<vmem>> -> memref<128xi32, #tpu.memory_space<vmem>>
      %dma_start3A_74 = arith.constant 0 : i32
      %dma_start3A_75 = arith.constant 0 : i32
      %dma_start3A_76 = tpu.memref_slice %arg9[%dma_start3A_74, %dma_start3A_75] : memref<10240x64xf32, #tpu.memory_space<vmem_shared>> -> memref<10240x64xf32, #tpu.memory_space<vmem_shared>>
      tpu.enqueue_indirect_dma source(%dma_start3A_70 : memref<128x64xf32, #tpu.memory_space<vmem>>) target(%dma_start3A_76 : memref<10240x64xf32, #tpu.memory_space<vmem_shared>>) offsets(%dma_start3A_73 : memref<128xi32, #tpu.memory_space<vmem>>) semaphore(%run_scoped3A_66 : memref<!tpu.dma_semaphore, #tpu.memory_space<semaphore_mem>>) {add = true}
      %dma_wait3A_77 = arith.constant 0 : i32
      %dma_wait3A_78 = arith.constant 0 : i32
      %dma_wait3A_79 = tpu.memref_slice %arg8[%run_scoped3A_59, %dma_wait3A_77, %dma_wait3A_78] : memref<2x128x64xf32, #tpu.memory_space<vmem>> -> memref<1x128x64xf32, #tpu.memory_space<vmem>>
      %dma_wait3A_80 = tpu.memref_squeeze %dma_wait3A_79 : memref<1x128x64xf32, #tpu.memory_space<vmem>> -> memref<128x64xf32, #tpu.memory_space<vmem>>
      %dma_wait3A_81 = arith.constant 0 : i32
      %dma_wait3A_82 = tpu.memref_slice %arg7[%run_scoped3A_60, %dma_wait3A_81] : memref<79x128xi32, #tpu.memory_space<vmem>> -> memref<1x128xi32, #tpu.memory_space<vmem>>
      %dma_wait3A_83 = tpu.memref_squeeze %dma_wait3A_82 : memref<1x128xi32, #tpu.memory_space<vmem>> -> memref<128xi32, #tpu.memory_space<vmem>>
      %dma_wait3A_84 = arith.constant 0 : i32
      %dma_wait3A_85 = arith.constant 0 : i32
      %dma_wait3A_86 = tpu.memref_slice %arg9[%dma_wait3A_84, %dma_wait3A_85] : memref<10240x64xf32, #tpu.memory_space<vmem_shared>> -> memref<10240x64xf32, #tpu.memory_space<vmem_shared>>
      tpu.wait_indirect_dma semaphore(%run_scoped3A_66 : memref<!tpu.dma_semaphore, #tpu.memory_space<semaphore_mem>>) src(%dma_wait3A_80 : memref<128x64xf32, #tpu.memory_space<vmem>>) dst(%dma_wait3A_86 : memref<10240x64xf32, #tpu.memory_space<vmem_shared>>)
      tpu.yield
    }) : () -> ()
    %barrier3A_61 = arith.constant 0 : index
    tpu.barrier barrier_id(%barrier3A_61)
    %mul3A_62 = arith.constant 640 : i32
    %mul3A_63 = arith.muli %arg1, %mul3A_62 : i32
    %mul3A_64 = arith.constant 640 : i32
    %mul3A_65 = arith.muli %arg1, %mul3A_64 : i32
    "tpu.region"() ({
      %run_scoped3A_66 = tpu.sem_alloc : memref<!tpu.dma_semaphore, #tpu.memory_space<semaphore_mem>>
      %dma_start3A_67 = arith.constant 0 : i32
      %dma_start3A_68 = tpu.memref_slice %arg5[%arg0, %mul3A_65, %dma_start3A_67] : memref<2x10240x64xf32, #tpu.memory_space<hbm>> -> memref<1x640x64xf32, #tpu.memory_space<hbm>>
      %dma_start3A_69 = tpu.memref_squeeze %dma_start3A_68 : memref<1x640x64xf32, #tpu.memory_space<hbm>> -> memref<640x64xf32, #tpu.memory_space<hbm>>
      %dma_start3A_70 = arith.constant 0 : i32
      %dma_start3A_71 = tpu.memref_slice %arg9[%mul3A_63, %dma_start3A_70] : memref<10240x64xf32, #tpu.memory_space<vmem_shared>> -> memref<640x64xf32, #tpu.memory_space<vmem_shared>>
      tpu.enqueue_dma source(%dma_start3A_71 : memref<640x64xf32, #tpu.memory_space<vmem_shared>>) target(%dma_start3A_69 : memref<640x64xf32, #tpu.memory_space<hbm>>) target_semaphore(%run_scoped3A_66 : memref<!tpu.dma_semaphore, #tpu.memory_space<semaphore_mem>>)
      %dma_wait3A_72 = arith.constant 0 : i32
      %dma_wait3A_73 = tpu.memref_slice %arg5[%arg0, %mul3A_65, %dma_wait3A_72] : memref<2x10240x64xf32, #tpu.memory_space<hbm>> -> memref<1x640x64xf32, #tpu.memory_space<hbm>>
      %dma_wait3A_74 = tpu.memref_squeeze %dma_wait3A_73 : memref<1x640x64xf32, #tpu.memory_space<hbm>> -> memref<640x64xf32, #tpu.memory_space<hbm>>
      %dma_wait3A_75 = arith.constant 0 : i32
      %dma_wait3A_76 = tpu.memref_slice %arg9[%mul3A_63, %dma_wait3A_75] : memref<10240x64xf32, #tpu.memory_space<vmem_shared>> -> memref<640x64xf32, #tpu.memory_space<vmem_shared>>
      tpu.wait_dma2 semaphore(%run_scoped3A_66 : memref<!tpu.dma_semaphore, #tpu.memory_space<semaphore_mem>>) src(%dma_wait3A_76 : memref<640x64xf32, #tpu.memory_space<vmem_shared>>) dst(%dma_wait3A_74 : memref<640x64xf32, #tpu.memory_space<hbm>>)
      tpu.yield
    }) : () -> ()
    return
  }
}

#map = affine_map<(d0, d1) -> (0, 0)>
#map1 = affine_map<(d0, d1) -> (0, 0, 0)>
module attributes {stable_mosaic.version = 14 : i64} {
  func.func @edgek(%arg0: i32, %arg1: i32, %arg2: memref<10240x64xf32, #tpu.memory_space<hbm>>, %arg3: memref<32x79x128xi32, #tpu.memory_space<hbm>>, %arg4: memref<32x79x128xi32, #tpu.memory_space<hbm>>, %arg5: memref<2x10240x64xf32, #tpu.memory_space<hbm>>, %arg6: memref<79x128xi32, #tpu.memory_space<vmem>>, %arg7: memref<79x128xi32, #tpu.memory_space<vmem>>, %arg8: memref<2x128x64xf32, #tpu.memory_space<vmem>>, %arg9: memref<10240x64xf32, #tpu.memory_space<vmem_shared>>, %arg10: memref<!tpu.dma_semaphore, #tpu.memory_space<semaphore_mem>>, %arg11: memref<!tpu.dma_semaphore, #tpu.memory_space<semaphore_mem>>) attributes {dimension_semantics = [#tpu.dimension_semantics<core_parallel>, #tpu.dimension_semantics<subcore_parallel>], iteration_bounds = array<i64: 2, 16>, scalar_prefetch = 0 : i64, scratch_operands = 6 : i64, tpu.core_type = #tpu.core_type<sc_vector_subcore>, window_params = [{transform_indices = #map}, {transform_indices = #map1}, {transform_indices = #map1}, {transform_indices = #map1}]} {
    %mul3A = arith.constant 16 : i32
    %mul3A_0 = arith.muli %arg0, %mul3A : i32
    %add3A = arith.addi %mul3A_0, %arg1 : i32
    "tpu.region"() ({
      %run_scoped3A_66 = tpu.sem_alloc : memref<!tpu.dma_semaphore, #tpu.memory_space<semaphore_mem>>
      %dma_start3A_67 = arith.constant 0 : i32
      %dma_start3A_68 = arith.constant 0 : i32
      %dma_start3A_69 = tpu.memref_slice %arg3[%add3A, %dma_start3A_67, %dma_start3A_68] : memref<32x79x128xi32, #tpu.memory_space<hbm>> -> memref<1x79x128xi32, #tpu.memory_space<hbm>>
      %dma_start3A_70 = tpu.memref_squeeze %dma_start3A_69 : memref<1x79x128xi32, #tpu.memory_space<hbm>> -> memref<79x128xi32, #tpu.memory_space<hbm>>
      %dma_start3A_71 = arith.constant 0 : i32
      %dma_start3A_72 = arith.constant 0 : i32
      %dma_start3A_73 = tpu.memref_slice %arg3[%add3A, %dma_start3A_71, %dma_start3A_72] : memref<32x79x128xi32, #tpu.memory_space<hbm>> -> memref<1x79x128xi32, #tpu.memory_space<hbm>>
      %dma_start3A_74 = tpu.memref_squeeze %dma_start3A_73 : memref<1x79x128xi32, #tpu.memory_space<hbm>> -> memref<79x128xi32, #tpu.memory_space<hbm>>
      tpu.enqueue_dma source(%dma_start3A_74 : memref<79x128xi32, #tpu.memory_space<hbm>>) target(%arg6 : memref<79x128xi32, #tpu.memory_space<vmem>>) target_semaphore(%run_scoped3A_66 : memref<!tpu.dma_semaphore, #tpu.memory_space<semaphore_mem>>)
      %dma_wait3A_75 = arith.constant 0 : i32
      %dma_wait3A_76 = arith.constant 0 : i32
      %dma_wait3A_77 = tpu.memref_slice %arg3[%add3A, %dma_wait3A_75, %dma_wait3A_76] : memref<32x79x128xi32, #tpu.memory_space<hbm>> -> memref<1x79x128xi32, #tpu.memory_space<hbm>>
      %dma_wait3A_78 = tpu.memref_squeeze %dma_wait3A_77 : memref<1x79x128xi32, #tpu.memory_space<hbm>> -> memref<79x128xi32, #tpu.memory_space<hbm>>
      %dma_wait3A_79 = arith.constant 0 : i32
      %dma_wait3A_80 = arith.constant 0 : i32
      %dma_wait3A_81 = tpu.memref_slice %arg3[%add3A, %dma_wait3A_79, %dma_wait3A_80] : memref<32x79x128xi32, #tpu.memory_space<hbm>> -> memref<1x79x128xi32, #tpu.memory_space<hbm>>
      %dma_wait3A_82 = tpu.memref_squeeze %dma_wait3A_81 : memref<1x79x128xi32, #tpu.memory_space<hbm>> -> memref<79x128xi32, #tpu.memory_space<hbm>>
      tpu.wait_dma2 semaphore(%run_scoped3A_66 : memref<!tpu.dma_semaphore, #tpu.memory_space<semaphore_mem>>) src(%dma_wait3A_82 : memref<79x128xi32, #tpu.memory_space<hbm>>) dst(%arg6 : memref<79x128xi32, #tpu.memory_space<vmem>>)
      tpu.yield
    }) : () -> ()
    "tpu.region"() ({
      %run_scoped3A_66 = tpu.sem_alloc : memref<!tpu.dma_semaphore, #tpu.memory_space<semaphore_mem>>
      %dma_start3A_67 = arith.constant 0 : i32
      %dma_start3A_68 = arith.constant 0 : i32
      %dma_start3A_69 = tpu.memref_slice %arg4[%add3A, %dma_start3A_67, %dma_start3A_68] : memref<32x79x128xi32, #tpu.memory_space<hbm>> -> memref<1x79x128xi32, #tpu.memory_space<hbm>>
      %dma_start3A_70 = tpu.memref_squeeze %dma_start3A_69 : memref<1x79x128xi32, #tpu.memory_space<hbm>> -> memref<79x128xi32, #tpu.memory_space<hbm>>
      %dma_start3A_71 = arith.constant 0 : i32
      %dma_start3A_72 = arith.constant 0 : i32
      %dma_start3A_73 = tpu.memref_slice %arg4[%add3A, %dma_start3A_71, %dma_start3A_72] : memref<32x79x128xi32, #tpu.memory_space<hbm>> -> memref<1x79x128xi32, #tpu.memory_space<hbm>>
      %dma_start3A_74 = tpu.memref_squeeze %dma_start3A_73 : memref<1x79x128xi32, #tpu.memory_space<hbm>> -> memref<79x128xi32, #tpu.memory_space<hbm>>
      tpu.enqueue_dma source(%dma_start3A_74 : memref<79x128xi32, #tpu.memory_space<hbm>>) target(%arg7 : memref<79x128xi32, #tpu.memory_space<vmem>>) target_semaphore(%run_scoped3A_66 : memref<!tpu.dma_semaphore, #tpu.memory_space<semaphore_mem>>)
      %dma_wait3A_75 = arith.constant 0 : i32
      %dma_wait3A_76 = arith.constant 0 : i32
      %dma_wait3A_77 = tpu.memref_slice %arg4[%add3A, %dma_wait3A_75, %dma_wait3A_76] : memref<32x79x128xi32, #tpu.memory_space<hbm>> -> memref<1x79x128xi32, #tpu.memory_space<hbm>>
      %dma_wait3A_78 = tpu.memref_squeeze %dma_wait3A_77 : memref<1x79x128xi32, #tpu.memory_space<hbm>> -> memref<79x128xi32, #tpu.memory_space<hbm>>
      %dma_wait3A_79 = arith.constant 0 : i32
      %dma_wait3A_80 = arith.constant 0 : i32
      %dma_wait3A_81 = tpu.memref_slice %arg4[%add3A, %dma_wait3A_79, %dma_wait3A_80] : memref<32x79x128xi32, #tpu.memory_space<hbm>> -> memref<1x79x128xi32, #tpu.memory_space<hbm>>
      %dma_wait3A_82 = tpu.memref_squeeze %dma_wait3A_81 : memref<1x79x128xi32, #tpu.memory_space<hbm>> -> memref<79x128xi32, #tpu.memory_space<hbm>>
      tpu.wait_dma2 semaphore(%run_scoped3A_66 : memref<!tpu.dma_semaphore, #tpu.memory_space<semaphore_mem>>) src(%dma_wait3A_82 : memref<79x128xi32, #tpu.memory_space<hbm>>) dst(%arg7 : memref<79x128xi32, #tpu.memory_space<vmem>>)
      tpu.yield
    }) : () -> ()
    %broadcast_in_dim3A = arith.constant 0.000000e+00 : f32
    %broadcast_in_dim3A_1 = vector.broadcast %broadcast_in_dim3A : f32 to vector<16xf32>
    %scan3A = arith.constant 0 : i32
    %scan3A_2 = arith.constant 0 : i32
    %scan3A_3 = arith.constant 128 : i32
    %scan3A_4 = arith.addi %scan3A_2, %scan3A_3 : i32
    %scan3A_5 = arith.constant 1 : i32
    scf.for %scan3A_66 = %scan3A_2 to %scan3A_4 step %scan3A_5  : i32 {
      %swap3A = arith.constant 0 : i32
      %swap3A_67 = arith.index_cast %swap3A : i32 to index
      %swap3A_68 = arith.index_cast %scan3A_66 : i32 to index
      %swap3A_69 = arith.constant 0 : index
      %swap3A_70 = tpu.vector_load %arg8[%swap3A_67, %swap3A_68, %swap3A_69] {strides = array<i32>} : memref<2x128x64xf32, #tpu.memory_space<vmem>>, vector<1x1x16xf32>,
      %swap3A_71 = vector.shape_cast %swap3A_70 : vector<1x1x16xf32> to vector<16xf32>
      %swap3A_72 = vector.shape_cast %broadcast_in_dim3A_1 : vector<16xf32> to vector<1x1x16xf32>
      tpu.vector_store %arg8[%swap3A_67, %swap3A_68, %swap3A_69], %swap3A_72 {strides = array<i32>} : memref<2x128x64xf32, #tpu.memory_space<vmem>>, vector<1x1x16xf32>,
      %swap3A_73 = arith.constant 0 : i32
      %swap3A_74 = arith.index_cast %swap3A_73 : i32 to index
      %swap3A_75 = arith.index_cast %scan3A_66 : i32 to index
      %swap3A_76 = arith.constant 16 : index
      %swap3A_77 = tpu.vector_load %arg8[%swap3A_74, %swap3A_75, %swap3A_76] {strides = array<i32>} : memref<2x128x64xf32, #tpu.memory_space<vmem>>, vector<1x1x16xf32>,
      %swap3A_78 = vector.shape_cast %swap3A_77 : vector<1x1x16xf32> to vector<16xf32>
      %swap3A_79 = vector.shape_cast %broadcast_in_dim3A_1 : vector<16xf32> to vector<1x1x16xf32>
      tpu.vector_store %arg8[%swap3A_74, %swap3A_75, %swap3A_76], %swap3A_79 {strides = array<i32>} : memref<2x128x64xf32, #tpu.memory_space<vmem>>, vector<1x1x16xf32>,
      %swap3A_80 = arith.constant 0 : i32
      %swap3A_81 = arith.index_cast %swap3A_80 : i32 to index
      %swap3A_82 = arith.index_cast %scan3A_66 : i32 to index
      %swap3A_83 = arith.constant 32 : index
      %swap3A_84 = tpu.vector_load %arg8[%swap3A_81, %swap3A_82, %swap3A_83] {strides = array<i32>} : memref<2x128x64xf32, #tpu.memory_space<vmem>>, vector<1x1x16xf32>,
      %swap3A_85 = vector.shape_cast %swap3A_84 : vector<1x1x16xf32> to vector<16xf32>
      %swap3A_86 = vector.shape_cast %broadcast_in_dim3A_1 : vector<16xf32> to vector<1x1x16xf32>
      tpu.vector_store %arg8[%swap3A_81, %swap3A_82, %swap3A_83], %swap3A_86 {strides = array<i32>} : memref<2x128x64xf32, #tpu.memory_space<vmem>>, vector<1x1x16xf32>,
      %swap3A_87 = arith.constant 0 : i32
      %swap3A_88 = arith.index_cast %swap3A_87 : i32 to index
      %swap3A_89 = arith.index_cast %scan3A_66 : i32 to index
      %swap3A_90 = arith.constant 48 : index
      %swap3A_91 = tpu.vector_load %arg8[%swap3A_88, %swap3A_89, %swap3A_90] {strides = array<i32>} : memref<2x128x64xf32, #tpu.memory_space<vmem>>, vector<1x1x16xf32>,
      %swap3A_92 = vector.shape_cast %swap3A_91 : vector<1x1x16xf32> to vector<16xf32>
      %swap3A_93 = vector.shape_cast %broadcast_in_dim3A_1 : vector<16xf32> to vector<1x1x16xf32>
      tpu.vector_store %arg8[%swap3A_88, %swap3A_89, %swap3A_90], %swap3A_93 {strides = array<i32>} : memref<2x128x64xf32, #tpu.memory_space<vmem>>, vector<1x1x16xf32>,
    }
    %scan3A_6 = arith.constant 128 : i32
    %mul3A_7 = arith.constant 640 : i32
    %mul3A_8 = arith.muli %arg1, %mul3A_7 : i32
    %add3A_9 = arith.constant 0 : i32
    %add3A_10 = arith.addi %mul3A_8, %add3A_9 : i32
    %run_scoped3A = arith.constant 0 : i32
    "tpu.region"() ({
      %run_scoped3A_66 = tpu.sem_alloc : memref<!tpu.dma_semaphore, #tpu.memory_space<semaphore_mem>>
      %dma_start3A_67 = arith.constant 0 : i32
      %dma_start3A_68 = arith.constant 0 : i32
      %dma_start3A_69 = tpu.memref_slice %arg8[%run_scoped3A, %dma_start3A_67, %dma_start3A_68] : memref<2x128x64xf32, #tpu.memory_space<vmem>> -> memref<1x128x64xf32, #tpu.memory_space<vmem>>
      %dma_start3A_70 = tpu.memref_squeeze %dma_start3A_69 : memref<1x128x64xf32, #tpu.memory_space<vmem>> -> memref<128x64xf32, #tpu.memory_space<vmem>>
      %dma_start3A_71 = arith.constant 0 : i32
      %dma_start3A_72 = tpu.memref_slice %arg9[%add3A_10, %dma_start3A_71] : memref<10240x64xf32, #tpu.memory_space<vmem_shared>> -> memref<128x64xf32, #tpu.memory_space<vmem_shared>>
      %dma_start3A_73 = arith.constant 0 : i32
      %dma_start3A_74 = tpu.memref_slice %arg9[%add3A_10, %dma_start3A_73] : memref<10240x64xf32, #tpu.memory_space<vmem_shared>> -> memref<128x64xf32, #tpu.memory_space<vmem_shared>>
      %dma_start3A_75 = arith.constant 0 : i32
      %dma_start3A_76 = arith.constant 0 : i32
      %dma_start3A_77 = tpu.memref_slice %arg8[%run_scoped3A, %dma_start3A_75, %dma_start3A_76] : memref<2x128x64xf32, #tpu.memory_space<vmem>> -> memref<1x128x64xf32, #tpu.memory_space<vmem>>
      %dma_start3A_78 = tpu.memref_squeeze %dma_start3A_77 : memref<1x128x64xf32, #tpu.memory_space<vmem>> -> memref<128x64xf32, #tpu.memory_space<vmem>>
      tpu.enqueue_dma source(%dma_start3A_78 : memref<128x64xf32, #tpu.memory_space<vmem>>) target(%dma_start3A_74 : memref<128x64xf32, #tpu.memory_space<vmem_shared>>) target_semaphore(%run_scoped3A_66 : memref<!tpu.dma_semaphore, #tpu.memory_space<semaphore_mem>>)
      %dma_wait3A_79 = arith.constant 0 : i32
      %dma_wait3A_80 = arith.constant 0 : i32
      %dma_wait3A_81 = tpu.memref_slice %arg8[%run_scoped3A, %dma_wait3A_79, %dma_wait3A_80] : memref<2x128x64xf32, #tpu.memory_space<vmem>> -> memref<1x128x64xf32, #tpu.memory_space<vmem>>
      %dma_wait3A_82 = tpu.memref_squeeze %dma_wait3A_81 : memref<1x128x64xf32, #tpu.memory_space<vmem>> -> memref<128x64xf32, #tpu.memory_space<vmem>>
      %dma_wait3A_83 = arith.constant 0 : i32
      %dma_wait3A_84 = tpu.memref_slice %arg9[%add3A_10, %dma_wait3A_83] : memref<10240x64xf32, #tpu.memory_space<vmem_shared>> -> memref<128x64xf32, #tpu.memory_space<vmem_shared>>
      %dma_wait3A_85 = arith.constant 0 : i32
      %dma_wait3A_86 = tpu.memref_slice %arg9[%add3A_10, %dma_wait3A_85] : memref<10240x64xf32, #tpu.memory_space<vmem_shared>> -> memref<128x64xf32, #tpu.memory_space<vmem_shared>>
      %dma_wait3A_87 = arith.constant 0 : i32
      %dma_wait3A_88 = arith.constant 0 : i32
      %dma_wait3A_89 = tpu.memref_slice %arg8[%run_scoped3A, %dma_wait3A_87, %dma_wait3A_88] : memref<2x128x64xf32, #tpu.memory_space<vmem>> -> memref<1x128x64xf32, #tpu.memory_space<vmem>>
      %dma_wait3A_90 = tpu.memref_squeeze %dma_wait3A_89 : memref<1x128x64xf32, #tpu.memory_space<vmem>> -> memref<128x64xf32, #tpu.memory_space<vmem>>
      tpu.wait_dma2 semaphore(%run_scoped3A_66 : memref<!tpu.dma_semaphore, #tpu.memory_space<semaphore_mem>>) src(%dma_wait3A_90 : memref<128x64xf32, #tpu.memory_space<vmem>>) dst(%dma_wait3A_86 : memref<128x64xf32, #tpu.memory_space<vmem_shared>>)
      tpu.yield
    }) : () -> ()
    %mul3A_11 = arith.constant 640 : i32
    %mul3A_12 = arith.muli %arg1, %mul3A_11 : i32
    %add3A_13 = arith.constant 128 : i32
    %add3A_14 = arith.addi %mul3A_12, %add3A_13 : i32
    %run_scoped3A_15 = arith.constant 0 : i32
    "tpu.region"() ({
      %run_scoped3A_66 = tpu.sem_alloc : memref<!tpu.dma_semaphore, #tpu.memory_space<semaphore_mem>>
      %dma_start3A_67 = arith.constant 0 : i32
      %dma_start3A_68 = arith.constant 0 : i32
      %dma_start3A_69 = tpu.memref_slice %arg8[%run_scoped3A_15, %dma_start3A_67, %dma_start3A_68] : memref<2x128x64xf32, #tpu.memory_space<vmem>> -> memref<1x128x64xf32, #tpu.memory_space<vmem>>
      %dma_start3A_70 = tpu.memref_squeeze %dma_start3A_69 : memref<1x128x64xf32, #tpu.memory_space<vmem>> -> memref<128x64xf32, #tpu.memory_space<vmem>>
      %dma_start3A_71 = arith.constant 0 : i32
      %dma_start3A_72 = tpu.memref_slice %arg9[%add3A_14, %dma_start3A_71] : memref<10240x64xf32, #tpu.memory_space<vmem_shared>> -> memref<128x64xf32, #tpu.memory_space<vmem_shared>>
      %dma_start3A_73 = arith.constant 0 : i32
      %dma_start3A_74 = tpu.memref_slice %arg9[%add3A_14, %dma_start3A_73] : memref<10240x64xf32, #tpu.memory_space<vmem_shared>> -> memref<128x64xf32, #tpu.memory_space<vmem_shared>>
      %dma_start3A_75 = arith.constant 0 : i32
      %dma_start3A_76 = arith.constant 0 : i32
      %dma_start3A_77 = tpu.memref_slice %arg8[%run_scoped3A_15, %dma_start3A_75, %dma_start3A_76] : memref<2x128x64xf32, #tpu.memory_space<vmem>> -> memref<1x128x64xf32, #tpu.memory_space<vmem>>
      %dma_start3A_78 = tpu.memref_squeeze %dma_start3A_77 : memref<1x128x64xf32, #tpu.memory_space<vmem>> -> memref<128x64xf32, #tpu.memory_space<vmem>>
      tpu.enqueue_dma source(%dma_start3A_78 : memref<128x64xf32, #tpu.memory_space<vmem>>) target(%dma_start3A_74 : memref<128x64xf32, #tpu.memory_space<vmem_shared>>) target_semaphore(%run_scoped3A_66 : memref<!tpu.dma_semaphore, #tpu.memory_space<semaphore_mem>>)
      %dma_wait3A_79 = arith.constant 0 : i32
      %dma_wait3A_80 = arith.constant 0 : i32
      %dma_wait3A_81 = tpu.memref_slice %arg8[%run_scoped3A_15, %dma_wait3A_79, %dma_wait3A_80] : memref<2x128x64xf32, #tpu.memory_space<vmem>> -> memref<1x128x64xf32, #tpu.memory_space<vmem>>
      %dma_wait3A_82 = tpu.memref_squeeze %dma_wait3A_81 : memref<1x128x64xf32, #tpu.memory_space<vmem>> -> memref<128x64xf32, #tpu.memory_space<vmem>>
      %dma_wait3A_83 = arith.constant 0 : i32
      %dma_wait3A_84 = tpu.memref_slice %arg9[%add3A_14, %dma_wait3A_83] : memref<10240x64xf32, #tpu.memory_space<vmem_shared>> -> memref<128x64xf32, #tpu.memory_space<vmem_shared>>
      %dma_wait3A_85 = arith.constant 0 : i32
      %dma_wait3A_86 = tpu.memref_slice %arg9[%add3A_14, %dma_wait3A_85] : memref<10240x64xf32, #tpu.memory_space<vmem_shared>> -> memref<128x64xf32, #tpu.memory_space<vmem_shared>>
      %dma_wait3A_87 = arith.constant 0 : i32
      %dma_wait3A_88 = arith.constant 0 : i32
      %dma_wait3A_89 = tpu.memref_slice %arg8[%run_scoped3A_15, %dma_wait3A_87, %dma_wait3A_88] : memref<2x128x64xf32, #tpu.memory_space<vmem>> -> memref<1x128x64xf32, #tpu.memory_space<vmem>>
      %dma_wait3A_90 = tpu.memref_squeeze %dma_wait3A_89 : memref<1x128x64xf32, #tpu.memory_space<vmem>> -> memref<128x64xf32, #tpu.memory_space<vmem>>
      tpu.wait_dma2 semaphore(%run_scoped3A_66 : memref<!tpu.dma_semaphore, #tpu.memory_space<semaphore_mem>>) src(%dma_wait3A_90 : memref<128x64xf32, #tpu.memory_space<vmem>>) dst(%dma_wait3A_86 : memref<128x64xf32, #tpu.memory_space<vmem_shared>>)
      tpu.yield
    }) : () -> ()
    %mul3A_16 = arith.constant 640 : i32
    %mul3A_17 = arith.muli %arg1, %mul3A_16 : i32
    %add3A_18 = arith.constant 256 : i32
    %add3A_19 = arith.addi %mul3A_17, %add3A_18 : i32
    %run_scoped3A_20 = arith.constant 0 : i32
    "tpu.region"() ({
      %run_scoped3A_66 = tpu.sem_alloc : memref<!tpu.dma_semaphore, #tpu.memory_space<semaphore_mem>>
      %dma_start3A_67 = arith.constant 0 : i32
      %dma_start3A_68 = arith.constant 0 : i32
      %dma_start3A_69 = tpu.memref_slice %arg8[%run_scoped3A_20, %dma_start3A_67, %dma_start3A_68] : memref<2x128x64xf32, #tpu.memory_space<vmem>> -> memref<1x128x64xf32, #tpu.memory_space<vmem>>
      %dma_start3A_70 = tpu.memref_squeeze %dma_start3A_69 : memref<1x128x64xf32, #tpu.memory_space<vmem>> -> memref<128x64xf32, #tpu.memory_space<vmem>>
      %dma_start3A_71 = arith.constant 0 : i32
      %dma_start3A_72 = tpu.memref_slice %arg9[%add3A_19, %dma_start3A_71] : memref<10240x64xf32, #tpu.memory_space<vmem_shared>> -> memref<128x64xf32, #tpu.memory_space<vmem_shared>>
      %dma_start3A_73 = arith.constant 0 : i32
      %dma_start3A_74 = tpu.memref_slice %arg9[%add3A_19, %dma_start3A_73] : memref<10240x64xf32, #tpu.memory_space<vmem_shared>> -> memref<128x64xf32, #tpu.memory_space<vmem_shared>>
      %dma_start3A_75 = arith.constant 0 : i32
      %dma_start3A_76 = arith.constant 0 : i32
      %dma_start3A_77 = tpu.memref_slice %arg8[%run_scoped3A_20, %dma_start3A_75, %dma_start3A_76] : memref<2x128x64xf32, #tpu.memory_space<vmem>> -> memref<1x128x64xf32, #tpu.memory_space<vmem>>
      %dma_start3A_78 = tpu.memref_squeeze %dma_start3A_77 : memref<1x128x64xf32, #tpu.memory_space<vmem>> -> memref<128x64xf32, #tpu.memory_space<vmem>>
      tpu.enqueue_dma source(%dma_start3A_78 : memref<128x64xf32, #tpu.memory_space<vmem>>) target(%dma_start3A_74 : memref<128x64xf32, #tpu.memory_space<vmem_shared>>) target_semaphore(%run_scoped3A_66 : memref<!tpu.dma_semaphore, #tpu.memory_space<semaphore_mem>>)
      %dma_wait3A_79 = arith.constant 0 : i32
      %dma_wait3A_80 = arith.constant 0 : i32
      %dma_wait3A_81 = tpu.memref_slice %arg8[%run_scoped3A_20, %dma_wait3A_79, %dma_wait3A_80] : memref<2x128x64xf32, #tpu.memory_space<vmem>> -> memref<1x128x64xf32, #tpu.memory_space<vmem>>
      %dma_wait3A_82 = tpu.memref_squeeze %dma_wait3A_81 : memref<1x128x64xf32, #tpu.memory_space<vmem>> -> memref<128x64xf32, #tpu.memory_space<vmem>>
      %dma_wait3A_83 = arith.constant 0 : i32
      %dma_wait3A_84 = tpu.memref_slice %arg9[%add3A_19, %dma_wait3A_83] : memref<10240x64xf32, #tpu.memory_space<vmem_shared>> -> memref<128x64xf32, #tpu.memory_space<vmem_shared>>
      %dma_wait3A_85 = arith.constant 0 : i32
      %dma_wait3A_86 = tpu.memref_slice %arg9[%add3A_19, %dma_wait3A_85] : memref<10240x64xf32, #tpu.memory_space<vmem_shared>> -> memref<128x64xf32, #tpu.memory_space<vmem_shared>>
      %dma_wait3A_87 = arith.constant 0 : i32
      %dma_wait3A_88 = arith.constant 0 : i32
      %dma_wait3A_89 = tpu.memref_slice %arg8[%run_scoped3A_20, %dma_wait3A_87, %dma_wait3A_88] : memref<2x128x64xf32, #tpu.memory_space<vmem>> -> memref<1x128x64xf32, #tpu.memory_space<vmem>>
      %dma_wait3A_90 = tpu.memref_squeeze %dma_wait3A_89 : memref<1x128x64xf32, #tpu.memory_space<vmem>> -> memref<128x64xf32, #tpu.memory_space<vmem>>
      tpu.wait_dma2 semaphore(%run_scoped3A_66 : memref<!tpu.dma_semaphore, #tpu.memory_space<semaphore_mem>>) src(%dma_wait3A_90 : memref<128x64xf32, #tpu.memory_space<vmem>>) dst(%dma_wait3A_86 : memref<128x64xf32, #tpu.memory_space<vmem_shared>>)
      tpu.yield
    }) : () -> ()
    %mul3A_21 = arith.constant 640 : i32
    %mul3A_22 = arith.muli %arg1, %mul3A_21 : i32
    %add3A_23 = arith.constant 384 : i32
    %add3A_24 = arith.addi %mul3A_22, %add3A_23 : i32
    %run_scoped3A_25 = arith.constant 0 : i32
    "tpu.region"() ({
      %run_scoped3A_66 = tpu.sem_alloc : memref<!tpu.dma_semaphore, #tpu.memory_space<semaphore_mem>>
      %dma_start3A_67 = arith.constant 0 : i32
      %dma_start3A_68 = arith.constant 0 : i32
      %dma_start3A_69 = tpu.memref_slice %arg8[%run_scoped3A_25, %dma_start3A_67, %dma_start3A_68] : memref<2x128x64xf32, #tpu.memory_space<vmem>> -> memref<1x128x64xf32, #tpu.memory_space<vmem>>
      %dma_start3A_70 = tpu.memref_squeeze %dma_start3A_69 : memref<1x128x64xf32, #tpu.memory_space<vmem>> -> memref<128x64xf32, #tpu.memory_space<vmem>>
      %dma_start3A_71 = arith.constant 0 : i32
      %dma_start3A_72 = tpu.memref_slice %arg9[%add3A_24, %dma_start3A_71] : memref<10240x64xf32, #tpu.memory_space<vmem_shared>> -> memref<128x64xf32, #tpu.memory_space<vmem_shared>>
      %dma_start3A_73 = arith.constant 0 : i32
      %dma_start3A_74 = tpu.memref_slice %arg9[%add3A_24, %dma_start3A_73] : memref<10240x64xf32, #tpu.memory_space<vmem_shared>> -> memref<128x64xf32, #tpu.memory_space<vmem_shared>>
      %dma_start3A_75 = arith.constant 0 : i32
      %dma_start3A_76 = arith.constant 0 : i32
      %dma_start3A_77 = tpu.memref_slice %arg8[%run_scoped3A_25, %dma_start3A_75, %dma_start3A_76] : memref<2x128x64xf32, #tpu.memory_space<vmem>> -> memref<1x128x64xf32, #tpu.memory_space<vmem>>
      %dma_start3A_78 = tpu.memref_squeeze %dma_start3A_77 : memref<1x128x64xf32, #tpu.memory_space<vmem>> -> memref<128x64xf32, #tpu.memory_space<vmem>>
      tpu.enqueue_dma source(%dma_start3A_78 : memref<128x64xf32, #tpu.memory_space<vmem>>) target(%dma_start3A_74 : memref<128x64xf32, #tpu.memory_space<vmem_shared>>) target_semaphore(%run_scoped3A_66 : memref<!tpu.dma_semaphore, #tpu.memory_space<semaphore_mem>>)
      %dma_wait3A_79 = arith.constant 0 : i32
      %dma_wait3A_80 = arith.constant 0 : i32
      %dma_wait3A_81 = tpu.memref_slice %arg8[%run_scoped3A_25, %dma_wait3A_79, %dma_wait3A_80] : memref<2x128x64xf32, #tpu.memory_space<vmem>> -> memref<1x128x64xf32, #tpu.memory_space<vmem>>
      %dma_wait3A_82 = tpu.memref_squeeze %dma_wait3A_81 : memref<1x128x64xf32, #tpu.memory_space<vmem>> -> memref<128x64xf32, #tpu.memory_space<vmem>>
      %dma_wait3A_83 = arith.constant 0 : i32
      %dma_wait3A_84 = tpu.memref_slice %arg9[%add3A_24, %dma_wait3A_83] : memref<10240x64xf32, #tpu.memory_space<vmem_shared>> -> memref<128x64xf32, #tpu.memory_space<vmem_shared>>
      %dma_wait3A_85 = arith.constant 0 : i32
      %dma_wait3A_86 = tpu.memref_slice %arg9[%add3A_24, %dma_wait3A_85] : memref<10240x64xf32, #tpu.memory_space<vmem_shared>> -> memref<128x64xf32, #tpu.memory_space<vmem_shared>>
      %dma_wait3A_87 = arith.constant 0 : i32
      %dma_wait3A_88 = arith.constant 0 : i32
      %dma_wait3A_89 = tpu.memref_slice %arg8[%run_scoped3A_25, %dma_wait3A_87, %dma_wait3A_88] : memref<2x128x64xf32, #tpu.memory_space<vmem>> -> memref<1x128x64xf32, #tpu.memory_space<vmem>>
      %dma_wait3A_90 = tpu.memref_squeeze %dma_wait3A_89 : memref<1x128x64xf32, #tpu.memory_space<vmem>> -> memref<128x64xf32, #tpu.memory_space<vmem>>
      tpu.wait_dma2 semaphore(%run_scoped3A_66 : memref<!tpu.dma_semaphore, #tpu.memory_space<semaphore_mem>>) src(%dma_wait3A_90 : memref<128x64xf32, #tpu.memory_space<vmem>>) dst(%dma_wait3A_86 : memref<128x64xf32, #tpu.memory_space<vmem_shared>>)
      tpu.yield
    }) : () -> ()
    %mul3A_26 = arith.constant 640 : i32
    %mul3A_27 = arith.muli %arg1, %mul3A_26 : i32
    %add3A_28 = arith.constant 512 : i32
    %add3A_29 = arith.addi %mul3A_27, %add3A_28 : i32
    %run_scoped3A_30 = arith.constant 0 : i32
    "tpu.region"() ({
      %run_scoped3A_66 = tpu.sem_alloc : memref<!tpu.dma_semaphore, #tpu.memory_space<semaphore_mem>>
      %dma_start3A_67 = arith.constant 0 : i32
      %dma_start3A_68 = arith.constant 0 : i32
      %dma_start3A_69 = tpu.memref_slice %arg8[%run_scoped3A_30, %dma_start3A_67, %dma_start3A_68] : memref<2x128x64xf32, #tpu.memory_space<vmem>> -> memref<1x128x64xf32, #tpu.memory_space<vmem>>
      %dma_start3A_70 = tpu.memref_squeeze %dma_start3A_69 : memref<1x128x64xf32, #tpu.memory_space<vmem>> -> memref<128x64xf32, #tpu.memory_space<vmem>>
      %dma_start3A_71 = arith.constant 0 : i32
      %dma_start3A_72 = tpu.memref_slice %arg9[%add3A_29, %dma_start3A_71] : memref<10240x64xf32, #tpu.memory_space<vmem_shared>> -> memref<128x64xf32, #tpu.memory_space<vmem_shared>>
      %dma_start3A_73 = arith.constant 0 : i32
      %dma_start3A_74 = tpu.memref_slice %arg9[%add3A_29, %dma_start3A_73] : memref<10240x64xf32, #tpu.memory_space<vmem_shared>> -> memref<128x64xf32, #tpu.memory_space<vmem_shared>>
      %dma_start3A_75 = arith.constant 0 : i32
      %dma_start3A_76 = arith.constant 0 : i32
      %dma_start3A_77 = tpu.memref_slice %arg8[%run_scoped3A_30, %dma_start3A_75, %dma_start3A_76] : memref<2x128x64xf32, #tpu.memory_space<vmem>> -> memref<1x128x64xf32, #tpu.memory_space<vmem>>
      %dma_start3A_78 = tpu.memref_squeeze %dma_start3A_77 : memref<1x128x64xf32, #tpu.memory_space<vmem>> -> memref<128x64xf32, #tpu.memory_space<vmem>>
      tpu.enqueue_dma source(%dma_start3A_78 : memref<128x64xf32, #tpu.memory_space<vmem>>) target(%dma_start3A_74 : memref<128x64xf32, #tpu.memory_space<vmem_shared>>) target_semaphore(%run_scoped3A_66 : memref<!tpu.dma_semaphore, #tpu.memory_space<semaphore_mem>>)
      %dma_wait3A_79 = arith.constant 0 : i32
      %dma_wait3A_80 = arith.constant 0 : i32
      %dma_wait3A_81 = tpu.memref_slice %arg8[%run_scoped3A_30, %dma_wait3A_79, %dma_wait3A_80] : memref<2x128x64xf32, #tpu.memory_space<vmem>> -> memref<1x128x64xf32, #tpu.memory_space<vmem>>
      %dma_wait3A_82 = tpu.memref_squeeze %dma_wait3A_81 : memref<1x128x64xf32, #tpu.memory_space<vmem>> -> memref<128x64xf32, #tpu.memory_space<vmem>>
      %dma_wait3A_83 = arith.constant 0 : i32
      %dma_wait3A_84 = tpu.memref_slice %arg9[%add3A_29, %dma_wait3A_83] : memref<10240x64xf32, #tpu.memory_space<vmem_shared>> -> memref<128x64xf32, #tpu.memory_space<vmem_shared>>
      %dma_wait3A_85 = arith.constant 0 : i32
      %dma_wait3A_86 = tpu.memref_slice %arg9[%add3A_29, %dma_wait3A_85] : memref<10240x64xf32, #tpu.memory_space<vmem_shared>> -> memref<128x64xf32, #tpu.memory_space<vmem_shared>>
      %dma_wait3A_87 = arith.constant 0 : i32
      %dma_wait3A_88 = arith.constant 0 : i32
      %dma_wait3A_89 = tpu.memref_slice %arg8[%run_scoped3A_30, %dma_wait3A_87, %dma_wait3A_88] : memref<2x128x64xf32, #tpu.memory_space<vmem>> -> memref<1x128x64xf32, #tpu.memory_space<vmem>>
      %dma_wait3A_90 = tpu.memref_squeeze %dma_wait3A_89 : memref<1x128x64xf32, #tpu.memory_space<vmem>> -> memref<128x64xf32, #tpu.memory_space<vmem>>
      tpu.wait_dma2 semaphore(%run_scoped3A_66 : memref<!tpu.dma_semaphore, #tpu.memory_space<semaphore_mem>>) src(%dma_wait3A_90 : memref<128x64xf32, #tpu.memory_space<vmem>>) dst(%dma_wait3A_86 : memref<128x64xf32, #tpu.memory_space<vmem_shared>>)
      tpu.yield
    }) : () -> ()
    %barrier3A = arith.constant 0 : index
    tpu.barrier barrier_id(%barrier3A)
    %dma_start3A = arith.constant 0 : i32
    %dma_start3A_31 = arith.constant 0 : i32
    %dma_start3A_32 = arith.constant 0 : i32
    %dma_start3A_33 = arith.constant 0 : i32
    %dma_start3A_34 = tpu.memref_slice %arg8[%dma_start3A_31, %dma_start3A_32, %dma_start3A_33] : memref<2x128x64xf32, #tpu.memory_space<vmem>> -> memref<1x128x64xf32, #tpu.memory_space<vmem>>
    %dma_start3A_35 = tpu.memref_squeeze %dma_start3A_34 : memref<1x128x64xf32, #tpu.memory_space<vmem>> -> memref<128x64xf32, #tpu.memory_space<vmem>>
    %dma_start3A_36 = arith.constant 0 : i32
    %dma_start3A_37 = tpu.memref_slice %arg6[%dma_start3A, %dma_start3A_36] : memref<79x128xi32, #tpu.memory_space<vmem>> -> memref<1x128xi32, #tpu.memory_space<vmem>>
    %dma_start3A_38 = tpu.memref_squeeze %dma_start3A_37 : memref<1x128xi32, #tpu.memory_space<vmem>> -> memref<128xi32, #tpu.memory_space<vmem>>
    %dma_start3A_39 = arith.constant 0 : i32
    %dma_start3A_40 = arith.constant 0 : i32
    %dma_start3A_41 = tpu.memref_slice %arg2[%dma_start3A_39, %dma_start3A_40] : memref<10240x64xf32, #tpu.memory_space<hbm>> -> memref<10240x64xf32, #tpu.memory_space<hbm>>
    tpu.enqueue_indirect_dma source(%dma_start3A_41 : memref<10240x64xf32, #tpu.memory_space<hbm>>) target(%dma_start3A_35 : memref<128x64xf32, #tpu.memory_space<vmem>>) offsets(%dma_start3A_38 : memref<128xi32, #tpu.memory_space<vmem>>) semaphore(%arg10 : memref<!tpu.dma_semaphore, #tpu.memory_space<semaphore_mem>>)
    %scan3A_42 = arith.constant 0 : i32
    %scan3A_43 = arith.constant 0 : i32
    %scan3A_44 = arith.constant 39 : i32
    %scan3A_45 = arith.addi %scan3A_43, %scan3A_44 : i32
    %scan3A_46 = arith.constant 1 : i32
    scf.for %scan3A_66 = %scan3A_43 to %scan3A_45 step %scan3A_46  : i32 {
      %mul3A_67 = arith.constant 2 : i32
      %mul3A_68 = arith.muli %mul3A_67, %scan3A_66 : i32
      %dma_wait3A_69 = arith.constant 0 : i32
      %dma_wait3A_70 = arith.constant 0 : i32
      %dma_wait3A_71 = arith.constant 0 : i32
      %dma_wait3A_72 = tpu.memref_slice %arg8[%dma_wait3A_69, %dma_wait3A_70, %dma_wait3A_71] : memref<2x128x64xf32, #tpu.memory_space<vmem>> -> memref<1x128x64xf32, #tpu.memory_space<vmem>>
      %dma_wait3A_73 = tpu.memref_squeeze %dma_wait3A_72 : memref<1x128x64xf32, #tpu.memory_space<vmem>> -> memref<128x64xf32, #tpu.memory_space<vmem>>
      %dma_wait3A_74 = arith.constant 0 : i32
      %dma_wait3A_75 = tpu.memref_slice %arg6[%mul3A_68, %dma_wait3A_74] : memref<79x128xi32, #tpu.memory_space<vmem>> -> memref<1x128xi32, #tpu.memory_space<vmem>>
      %dma_wait3A_76 = tpu.memref_squeeze %dma_wait3A_75 : memref<1x128xi32, #tpu.memory_space<vmem>> -> memref<128xi32, #tpu.memory_space<vmem>>
      %dma_wait3A_77 = arith.constant 0 : i32
      %dma_wait3A_78 = arith.constant 0 : i32
      %dma_wait3A_79 = tpu.memref_slice %arg2[%dma_wait3A_77, %dma_wait3A_78] : memref<10240x64xf32, #tpu.memory_space<hbm>> -> memref<10240x64xf32, #tpu.memory_space<hbm>>
      tpu.wait_indirect_dma semaphore(%arg10 : memref<!tpu.dma_semaphore, #tpu.memory_space<semaphore_mem>>) src(%dma_wait3A_79 : memref<10240x64xf32, #tpu.memory_space<hbm>>) dst(%dma_wait3A_73 : memref<128x64xf32, #tpu.memory_space<vmem>>)
      %add3A_80 = arith.constant 1 : i32
      %add3A_81 = arith.addi %mul3A_68, %add3A_80 : i32
      %dma_start3A_82 = arith.constant 1 : i32
      %dma_start3A_83 = arith.constant 0 : i32
      %dma_start3A_84 = arith.constant 0 : i32
      %dma_start3A_85 = tpu.memref_slice %arg8[%dma_start3A_82, %dma_start3A_83, %dma_start3A_84] : memref<2x128x64xf32, #tpu.memory_space<vmem>> -> memref<1x128x64xf32, #tpu.memory_space<vmem>>
      %dma_start3A_86 = tpu.memref_squeeze %dma_start3A_85 : memref<1x128x64xf32, #tpu.memory_space<vmem>> -> memref<128x64xf32, #tpu.memory_space<vmem>>
      %dma_start3A_87 = arith.constant 0 : i32
      %dma_start3A_88 = tpu.memref_slice %arg6[%add3A_81, %dma_start3A_87] : memref<79x128xi32, #tpu.memory_space<vmem>> -> memref<1x128xi32, #tpu.memory_space<vmem>>
      %dma_start3A_89 = tpu.memref_squeeze %dma_start3A_88 : memref<1x128xi32, #tpu.memory_space<vmem>> -> memref<128xi32, #tpu.memory_space<vmem>>
      %dma_start3A_90 = arith.constant 0 : i32
      %dma_start3A_91 = arith.constant 0 : i32
      %dma_start3A_92 = tpu.memref_slice %arg2[%dma_start3A_90, %dma_start3A_91] : memref<10240x64xf32, #tpu.memory_space<hbm>> -> memref<10240x64xf32, #tpu.memory_space<hbm>>
      tpu.enqueue_indirect_dma source(%dma_start3A_92 : memref<10240x64xf32, #tpu.memory_space<hbm>>) target(%dma_start3A_86 : memref<128x64xf32, #tpu.memory_space<vmem>>) offsets(%dma_start3A_89 : memref<128xi32, #tpu.memory_space<vmem>>) semaphore(%arg11 : memref<!tpu.dma_semaphore, #tpu.memory_space<semaphore_mem>>)
      %run_scoped3A_93 = arith.constant 0 : i32
      "tpu.region"() ({
        %run_scoped3A_123 = tpu.sem_alloc : memref<!tpu.dma_semaphore, #tpu.memory_space<semaphore_mem>>
        %dma_start3A_124 = arith.constant 0 : i32
        %dma_start3A_125 = arith.constant 0 : i32
        %dma_start3A_126 = tpu.memref_slice %arg8[%run_scoped3A_93, %dma_start3A_124, %dma_start3A_125] : memref<2x128x64xf32, #tpu.memory_space<vmem>> -> memref<1x128x64xf32, #tpu.memory_space<vmem>>
        %dma_start3A_127 = tpu.memref_squeeze %dma_start3A_126 : memref<1x128x64xf32, #tpu.memory_space<vmem>> -> memref<128x64xf32, #tpu.memory_space<vmem>>
        %dma_start3A_128 = arith.constant 0 : i32
        %dma_start3A_129 = tpu.memref_slice %arg7[%mul3A_68, %dma_start3A_128] : memref<79x128xi32, #tpu.memory_space<vmem>> -> memref<1x128xi32, #tpu.memory_space<vmem>>
        %dma_start3A_130 = tpu.memref_squeeze %dma_start3A_129 : memref<1x128xi32, #tpu.memory_space<vmem>> -> memref<128xi32, #tpu.memory_space<vmem>>
        %dma_start3A_131 = arith.constant 0 : i32
        %dma_start3A_132 = arith.constant 0 : i32
        %dma_start3A_133 = tpu.memref_slice %arg9[%dma_start3A_131, %dma_start3A_132] : memref<10240x64xf32, #tpu.memory_space<vmem_shared>> -> memref<10240x64xf32, #tpu.memory_space<vmem_shared>>
        tpu.enqueue_indirect_dma source(%dma_start3A_127 : memref<128x64xf32, #tpu.memory_space<vmem>>) target(%dma_start3A_133 : memref<10240x64xf32, #tpu.memory_space<vmem_shared>>) offsets(%dma_start3A_130 : memref<128xi32, #tpu.memory_space<vmem>>) semaphore(%run_scoped3A_123 : memref<!tpu.dma_semaphore, #tpu.memory_space<semaphore_mem>>) {add = true}
        %dma_wait3A_134 = arith.constant 0 : i32
        %dma_wait3A_135 = arith.constant 0 : i32
        %dma_wait3A_136 = tpu.memref_slice %arg8[%run_scoped3A_93, %dma_wait3A_134, %dma_wait3A_135] : memref<2x128x64xf32, #tpu.memory_space<vmem>> -> memref<1x128x64xf32, #tpu.memory_space<vmem>>
        %dma_wait3A_137 = tpu.memref_squeeze %dma_wait3A_136 : memref<1x128x64xf32, #tpu.memory_space<vmem>> -> memref<128x64xf32, #tpu.memory_space<vmem>>
        %dma_wait3A_138 = arith.constant 0 : i32
        %dma_wait3A_139 = tpu.memref_slice %arg7[%mul3A_68, %dma_wait3A_138] : memref<79x128xi32, #tpu.memory_space<vmem>> -> memref<1x128xi32, #tpu.memory_space<vmem>>
        %dma_wait3A_140 = tpu.memref_squeeze %dma_wait3A_139 : memref<1x128xi32, #tpu.memory_space<vmem>> -> memref<128xi32, #tpu.memory_space<vmem>>
        %dma_wait3A_141 = arith.constant 0 : i32
        %dma_wait3A_142 = arith.constant 0 : i32
        %dma_wait3A_143 = tpu.memref_slice %arg9[%dma_wait3A_141, %dma_wait3A_142] : memref<10240x64xf32, #tpu.memory_space<vmem_shared>> -> memref<10240x64xf32, #tpu.memory_space<vmem_shared>>
        tpu.wait_indirect_dma semaphore(%run_scoped3A_123 : memref<!tpu.dma_semaphore, #tpu.memory_space<semaphore_mem>>) src(%dma_wait3A_137 : memref<128x64xf32, #tpu.memory_space<vmem>>) dst(%dma_wait3A_143 : memref<10240x64xf32, #tpu.memory_space<vmem_shared>>)
        tpu.yield
      }) : () -> ()
      %add3A_94 = arith.constant 1 : i32
      %add3A_95 = arith.addi %mul3A_68, %add3A_94 : i32
      %dma_wait3A_96 = arith.constant 1 : i32
      %dma_wait3A_97 = arith.constant 0 : i32
      %dma_wait3A_98 = arith.constant 0 : i32
      %dma_wait3A_99 = tpu.memref_slice %arg8[%dma_wait3A_96, %dma_wait3A_97, %dma_wait3A_98] : memref<2x128x64xf32, #tpu.memory_space<vmem>> -> memref<1x128x64xf32, #tpu.memory_space<vmem>>
      %dma_wait3A_100 = tpu.memref_squeeze %dma_wait3A_99 : memref<1x128x64xf32, #tpu.memory_space<vmem>> -> memref<128x64xf32, #tpu.memory_space<vmem>>
      %dma_wait3A_101 = arith.constant 0 : i32
      %dma_wait3A_102 = tpu.memref_slice %arg6[%add3A_95, %dma_wait3A_101] : memref<79x128xi32, #tpu.memory_space<vmem>> -> memref<1x128xi32, #tpu.memory_space<vmem>>
      %dma_wait3A_103 = tpu.memref_squeeze %dma_wait3A_102 : memref<1x128xi32, #tpu.memory_space<vmem>> -> memref<128xi32, #tpu.memory_space<vmem>>
      %dma_wait3A_104 = arith.constant 0 : i32
      %dma_wait3A_105 = arith.constant 0 : i32
      %dma_wait3A_106 = tpu.memref_slice %arg2[%dma_wait3A_104, %dma_wait3A_105] : memref<10240x64xf32, #tpu.memory_space<hbm>> -> memref<10240x64xf32, #tpu.memory_space<hbm>>
      tpu.wait_indirect_dma semaphore(%arg11 : memref<!tpu.dma_semaphore, #tpu.memory_space<semaphore_mem>>) src(%dma_wait3A_106 : memref<10240x64xf32, #tpu.memory_space<hbm>>) dst(%dma_wait3A_100 : memref<128x64xf32, #tpu.memory_space<vmem>>)
      %add3A_107 = arith.constant 2 : i32
      %add3A_108 = arith.addi %mul3A_68, %add3A_107 : i32
      %dma_start3A_109 = arith.constant 0 : i32
      %dma_start3A_110 = arith.constant 0 : i32
      %dma_start3A_111 = arith.constant 0 : i32
      %dma_start3A_112 = tpu.memref_slice %arg8[%dma_start3A_109, %dma_start3A_110, %dma_start3A_111] : memref<2x128x64xf32, #tpu.memory_space<vmem>> -> memref<1x128x64xf32, #tpu.memory_space<vmem>>
      %dma_start3A_113 = tpu.memref_squeeze %dma_start3A_112 : memref<1x128x64xf32, #tpu.memory_space<vmem>> -> memref<128x64xf32, #tpu.memory_space<vmem>>
      %dma_start3A_114 = arith.constant 0 : i32
      %dma_start3A_115 = tpu.memref_slice %arg6[%add3A_108, %dma_start3A_114] : memref<79x128xi32, #tpu.memory_space<vmem>> -> memref<1x128xi32, #tpu.memory_space<vmem>>
      %dma_start3A_116 = tpu.memref_squeeze %dma_start3A_115 : memref<1x128xi32, #tpu.memory_space<vmem>> -> memref<128xi32, #tpu.memory_space<vmem>>
      %dma_start3A_117 = arith.constant 0 : i32
      %dma_start3A_118 = arith.constant 0 : i32
      %dma_start3A_119 = tpu.memref_slice %arg2[%dma_start3A_117, %dma_start3A_118] : memref<10240x64xf32, #tpu.memory_space<hbm>> -> memref<10240x64xf32, #tpu.memory_space<hbm>>
      tpu.enqueue_indirect_dma source(%dma_start3A_119 : memref<10240x64xf32, #tpu.memory_space<hbm>>) target(%dma_start3A_113 : memref<128x64xf32, #tpu.memory_space<vmem>>) offsets(%dma_start3A_116 : memref<128xi32, #tpu.memory_space<vmem>>) semaphore(%arg10 : memref<!tpu.dma_semaphore, #tpu.memory_space<semaphore_mem>>)
      %add3A_120 = arith.constant 1 : i32
      %add3A_121 = arith.addi %mul3A_68, %add3A_120 : i32
      %run_scoped3A_122 = arith.constant 1 : i32
      "tpu.region"() ({
        %run_scoped3A_123 = tpu.sem_alloc : memref<!tpu.dma_semaphore, #tpu.memory_space<semaphore_mem>>
        %dma_start3A_124 = arith.constant 0 : i32
        %dma_start3A_125 = arith.constant 0 : i32
        %dma_start3A_126 = tpu.memref_slice %arg8[%run_scoped3A_122, %dma_start3A_124, %dma_start3A_125] : memref<2x128x64xf32, #tpu.memory_space<vmem>> -> memref<1x128x64xf32, #tpu.memory_space<vmem>>
        %dma_start3A_127 = tpu.memref_squeeze %dma_start3A_126 : memref<1x128x64xf32, #tpu.memory_space<vmem>> -> memref<128x64xf32, #tpu.memory_space<vmem>>
        %dma_start3A_128 = arith.constant 0 : i32
        %dma_start3A_129 = tpu.memref_slice %arg7[%add3A_121, %dma_start3A_128] : memref<79x128xi32, #tpu.memory_space<vmem>> -> memref<1x128xi32, #tpu.memory_space<vmem>>
        %dma_start3A_130 = tpu.memref_squeeze %dma_start3A_129 : memref<1x128xi32, #tpu.memory_space<vmem>> -> memref<128xi32, #tpu.memory_space<vmem>>
        %dma_start3A_131 = arith.constant 0 : i32
        %dma_start3A_132 = arith.constant 0 : i32
        %dma_start3A_133 = tpu.memref_slice %arg9[%dma_start3A_131, %dma_start3A_132] : memref<10240x64xf32, #tpu.memory_space<vmem_shared>> -> memref<10240x64xf32, #tpu.memory_space<vmem_shared>>
        tpu.enqueue_indirect_dma source(%dma_start3A_127 : memref<128x64xf32, #tpu.memory_space<vmem>>) target(%dma_start3A_133 : memref<10240x64xf32, #tpu.memory_space<vmem_shared>>) offsets(%dma_start3A_130 : memref<128xi32, #tpu.memory_space<vmem>>) semaphore(%run_scoped3A_123 : memref<!tpu.dma_semaphore, #tpu.memory_space<semaphore_mem>>) {add = true}
        %dma_wait3A_134 = arith.constant 0 : i32
        %dma_wait3A_135 = arith.constant 0 : i32
        %dma_wait3A_136 = tpu.memref_slice %arg8[%run_scoped3A_122, %dma_wait3A_134, %dma_wait3A_135] : memref<2x128x64xf32, #tpu.memory_space<vmem>> -> memref<1x128x64xf32, #tpu.memory_space<vmem>>
        %dma_wait3A_137 = tpu.memref_squeeze %dma_wait3A_136 : memref<1x128x64xf32, #tpu.memory_space<vmem>> -> memref<128x64xf32, #tpu.memory_space<vmem>>
        %dma_wait3A_138 = arith.constant 0 : i32
        %dma_wait3A_139 = tpu.memref_slice %arg7[%add3A_121, %dma_wait3A_138] : memref<79x128xi32, #tpu.memory_space<vmem>> -> memref<1x128xi32, #tpu.memory_space<vmem>>
        %dma_wait3A_140 = tpu.memref_squeeze %dma_wait3A_139 : memref<1x128xi32, #tpu.memory_space<vmem>> -> memref<128xi32, #tpu.memory_space<vmem>>
        %dma_wait3A_141 = arith.constant 0 : i32
        %dma_wait3A_142 = arith.constant 0 : i32
        %dma_wait3A_143 = tpu.memref_slice %arg9[%dma_wait3A_141, %dma_wait3A_142] : memref<10240x64xf32, #tpu.memory_space<vmem_shared>> -> memref<10240x64xf32, #tpu.memory_space<vmem_shared>>
        tpu.wait_indirect_dma semaphore(%run_scoped3A_123 : memref<!tpu.dma_semaphore, #tpu.memory_space<semaphore_mem>>) src(%dma_wait3A_137 : memref<128x64xf32, #tpu.memory_space<vmem>>) dst(%dma_wait3A_143 : memref<10240x64xf32, #tpu.memory_space<vmem_shared>>)
        tpu.yield
      }) : () -> ()
    }
    %scan3A_47 = arith.constant 39 : i32
    %dma_wait3A = arith.constant 78 : i32
    %dma_wait3A_48 = arith.constant 0 : i32
    %dma_wait3A_49 = arith.constant 0 : i32
    %dma_wait3A_50 = arith.constant 0 : i32
    %dma_wait3A_51 = tpu.memref_slice %arg8[%dma_wait3A_48, %dma_wait3A_49, %dma_wait3A_50] : memref<2x128x64xf32, #tpu.memory_space<vmem>> -> memref<1x128x64xf32, #tpu.memory_space<vmem>>
    %dma_wait3A_52 = tpu.memref_squeeze %dma_wait3A_51 : memref<1x128x64xf32, #tpu.memory_space<vmem>> -> memref<128x64xf32, #tpu.memory_space<vmem>>
    %dma_wait3A_53 = arith.constant 0 : i32
    %dma_wait3A_54 = tpu.memref_slice %arg6[%dma_wait3A, %dma_wait3A_53] : memref<79x128xi32, #tpu.memory_space<vmem>> -> memref<1x128xi32, #tpu.memory_space<vmem>>
    %dma_wait3A_55 = tpu.memref_squeeze %dma_wait3A_54 : memref<1x128xi32, #tpu.memory_space<vmem>> -> memref<128xi32, #tpu.memory_space<vmem>>
    %dma_wait3A_56 = arith.constant 0 : i32
    %dma_wait3A_57 = arith.constant 0 : i32
    %dma_wait3A_58 = tpu.memref_slice %arg2[%dma_wait3A_56, %dma_wait3A_57] : memref<10240x64xf32, #tpu.memory_space<hbm>> -> memref<10240x64xf32, #tpu.memory_space<hbm>>
    tpu.wait_indirect_dma semaphore(%arg10 : memref<!tpu.dma_semaphore, #tpu.memory_space<semaphore_mem>>) src(%dma_wait3A_58 : memref<10240x64xf32, #tpu.memory_space<hbm>>) dst(%dma_wait3A_52 : memref<128x64xf32, #tpu.memory_space<vmem>>)
    %run_scoped3A_59 = arith.constant 0 : i32
    %run_scoped3A_60 = arith.constant 78 : i32
    "tpu.region"() ({
      %run_scoped3A_66 = tpu.sem_alloc : memref<!tpu.dma_semaphore, #tpu.memory_space<semaphore_mem>>
      %dma_start3A_67 = arith.constant 0 : i32
      %dma_start3A_68 = arith.constant 0 : i32
      %dma_start3A_69 = tpu.memref_slice %arg8[%run_scoped3A_59, %dma_start3A_67, %dma_start3A_68] : memref<2x128x64xf32, #tpu.memory_space<vmem>> -> memref<1x128x64xf32, #tpu.memory_space<vmem>>
      %dma_start3A_70 = tpu.memref_squeeze %dma_start3A_69 : memref<1x128x64xf32, #tpu.memory_space<vmem>> -> memref<128x64xf32, #tpu.memory_space<vmem>>
      %dma_start3A_71 = arith.constant 0 : i32
      %dma_start3A_72 = tpu.memref_slice %arg7[%run_scoped3A_60, %dma_start3A_71] : memref<79x128xi32, #tpu.memory_space<vmem>> -> memref<1x128xi32, #tpu.memory_space<vmem>>
      %dma_start3A_73 = tpu.memref_squeeze %dma_start3A_72 : memref<1x128xi32, #tpu.memory_space<vmem>> -> memref<128xi32, #tpu.memory_space<vmem>>
      %dma_start3A_74 = arith.constant 0 : i32
      %dma_start3A_75 = arith.constant 0 : i32
      %dma_start3A_76 = tpu.memref_slice %arg9[%dma_start3A_74, %dma_start3A_75] : memref<10240x64xf32, #tpu.memory_space<vmem_shared>> -> memref<10240x64xf32, #tpu.memory_space<vmem_shared>>
      tpu.enqueue_indirect_dma source(%dma_start3A_70 : memref<128x64xf32, #tpu.memory_space<vmem>>) target(%dma_start3A_76 : memref<10240x64xf32, #tpu.memory_space<vmem_shared>>) offsets(%dma_start3A_73 : memref<128xi32, #tpu.memory_space<vmem>>) semaphore(%run_scoped3A_66 : memref<!tpu.dma_semaphore, #tpu.memory_space<semaphore_mem>>) {add = true}
      %dma_wait3A_77 = arith.constant 0 : i32
      %dma_wait3A_78 = arith.constant 0 : i32
      %dma_wait3A_79 = tpu.memref_slice %arg8[%run_scoped3A_59, %dma_wait3A_77, %dma_wait3A_78] : memref<2x128x64xf32, #tpu.memory_space<vmem>> -> memref<1x128x64xf32, #tpu.memory_space<vmem>>
      %dma_wait3A_80 = tpu.memref_squeeze %dma_wait3A_79 : memref<1x128x64xf32, #tpu.memory_space<vmem>> -> memref<128x64xf32, #tpu.memory_space<vmem>>
      %dma_wait3A_81 = arith.constant 0 : i32
      %dma_wait3A_82 = tpu.memref_slice %arg7[%run_scoped3A_60, %dma_wait3A_81] : memref<79x128xi32, #tpu.memory_space<vmem>> -> memref<1x128xi32, #tpu.memory_space<vmem>>
      %dma_wait3A_83 = tpu.memref_squeeze %dma_wait3A_82 : memref<1x128xi32, #tpu.memory_space<vmem>> -> memref<128xi32, #tpu.memory_space<vmem>>
      %dma_wait3A_84 = arith.constant 0 : i32
      %dma_wait3A_85 = arith.constant 0 : i32
      %dma_wait3A_86 = tpu.memref_slice %arg9[%dma_wait3A_84, %dma_wait3A_85] : memref<10240x64xf32, #tpu.memory_space<vmem_shared>> -> memref<10240x64xf32, #tpu.memory_space<vmem_shared>>
      tpu.wait_indirect_dma semaphore(%run_scoped3A_66 : memref<!tpu.dma_semaphore, #tpu.memory_space<semaphore_mem>>) src(%dma_wait3A_80 : memref<128x64xf32, #tpu.memory_space<vmem>>) dst(%dma_wait3A_86 : memref<10240x64xf32, #tpu.memory_space<vmem_shared>>)
      tpu.yield
    }) : () -> ()
    %barrier3A_61 = arith.constant 0 : index
    tpu.barrier barrier_id(%barrier3A_61)
    %mul3A_62 = arith.constant 640 : i32
    %mul3A_63 = arith.muli %arg1, %mul3A_62 : i32
    %mul3A_64 = arith.constant 640 : i32
    %mul3A_65 = arith.muli %arg1, %mul3A_64 : i32
    "tpu.region"() ({
      %run_scoped3A_66 = tpu.sem_alloc : memref<!tpu.dma_semaphore, #tpu.memory_space<semaphore_mem>>
      %dma_start3A_67 = arith.constant 0 : i32
      %dma_start3A_68 = tpu.memref_slice %arg5[%arg0, %mul3A_65, %dma_start3A_67] : memref<2x10240x64xf32, #tpu.memory_space<hbm>> -> memref<1x640x64xf32, #tpu.memory_space<hbm>>
      %dma_start3A_69 = tpu.memref_squeeze %dma_start3A_68 : memref<1x640x64xf32, #tpu.memory_space<hbm>> -> memref<640x64xf32, #tpu.memory_space<hbm>>
      %dma_start3A_70 = arith.constant 0 : i32
      %dma_start3A_71 = tpu.memref_slice %arg9[%mul3A_63, %dma_start3A_70] : memref<10240x64xf32, #tpu.memory_space<vmem_shared>> -> memref<640x64xf32, #tpu.memory_space<vmem_shared>>
      tpu.enqueue_dma source(%dma_start3A_71 : memref<640x64xf32, #tpu.memory_space<vmem_shared>>) target(%dma_start3A_69 : memref<640x64xf32, #tpu.memory_space<hbm>>) target_semaphore(%run_scoped3A_66 : memref<!tpu.dma_semaphore, #tpu.memory_space<semaphore_mem>>)
      %dma_wait3A_72 = arith.constant 0 : i32
      %dma_wait3A_73 = tpu.memref_slice %arg5[%arg0, %mul3A_65, %dma_wait3A_72] : memref<2x10240x64xf32, #tpu.memory_space<hbm>> -> memref<1x640x64xf32, #tpu.memory_space<hbm>>
      %dma_wait3A_74 = tpu.memref_squeeze %dma_wait3A_73 : memref<1x640x64xf32, #tpu.memory_space<hbm>> -> memref<640x64xf32, #tpu.memory_space<hbm>>
      %dma_wait3A_75 = arith.constant 0 : i32
      %dma_wait3A_76 = tpu.memref_slice %arg9[%mul3A_63, %dma_wait3A_75] : memref<10240x64xf32, #tpu.memory_space<vmem_shared>> -> memref<640x64xf32, #tpu.memory_space<vmem_shared>>
      tpu.wait_dma2 semaphore(%run_scoped3A_66 : memref<!tpu.dma_semaphore, #tpu.memory_space<semaphore_mem>>) src(%dma_wait3A_76 : memref<640x64xf32, #tpu.memory_space<vmem_shared>>) dst(%dma_wait3A_74 : memref<640x64xf32, #tpu.memory_space<hbm>>)
      tpu.yield
    }) : () -> ()
    return
  }
}

module attributes {stable_mosaic.version = 14 : i64} {
  func.func @body(%arg0: i32, %arg1: memref<640x128xf32, #tpu.memory_space<vmem>>, %arg2: memref<128x64xf32, #tpu.memory_space<vmem>>, %arg3: memref<640x2xf32, #tpu.memory_space<vmem>>, %arg4: memref<640x64xf32, #tpu.memory_space<vmem>>, %arg5: memref<640x1xf32, #tpu.memory_space<vmem>>) attributes {dimension_semantics = [#tpu.dimension_semantics<arbitrary>], iteration_bounds = array<i64: 16>, scalar_prefetch = 0 : i64, scratch_operands = 0 : i64, tpu.core_type = #tpu.core_type<tc>, window_params = [{transform_indices = @transform_0, window_bounds = array<i64: 640, 128>}, {pipeline_mode = #tpu.pipeline_mode<synchronous>, transform_indices = @transform_1, window_bounds = array<i64: 128, 64>}, {transform_indices = @transform_2, window_bounds = array<i64: 640, 2>}, {transform_indices = @transform_3, window_bounds = array<i64: 640, 64>}, {transform_indices = @transform_4, window_bounds = array<i64: 640, 1>}]} {
    %get3A = arith.constant 0 : index
    %get3A_0 = arith.constant 0 : index
    %get3A_1 = vector.load %arg3[%get3A, %get3A_0] : memref<640x2xf32, #tpu.memory_space<vmem>>, vector<640x2xf32>
    %slice3A = vector.extract_strided_slice %get3A_1 {offsets = [0, 0], sizes = [640, 1], strides = [1, 1]} : vector<640x2xf32> to vector<640x1xf32>
    %slice3A_2 = vector.extract_strided_slice %get3A_1 {offsets = [0, 1], sizes = [640, 1], strides = [1, 1]} : vector<640x2xf32> to vector<640x1xf32>
    %add3A = arith.addf %slice3A, %slice3A_2 : vector<640x1xf32>
    %add3A_3 = arith.constant 1.000000e+00 : f32
    %add3A_4 = vector.broadcast %add3A_3 : f32 to vector<640x1xf32>
    %add3A_5 = arith.addf %add3A, %add3A_4 : vector<640x1xf32>
    %rsqrt3A = math.rsqrt %add3A_5 : vector<640x1xf32>
    %get3A_6 = arith.constant 0 : index
    %get3A_7 = arith.constant 0 : index
    %get3A_8 = vector.load %arg1[%get3A_6, %get3A_7] : memref<640x128xf32, #tpu.memory_space<vmem>>, vector<640x128xf32>
    %get3A_9 = arith.constant 0 : index
    %get3A_10 = arith.constant 0 : index
    %get3A_11 = vector.load %arg2[%get3A_9, %get3A_10] : memref<128x64xf32, #tpu.memory_space<vmem>>, vector<128x64xf32>
    %dot_general3A = arith.constant dense<0.000000e+00> : vector<640x64xf32>
    %dot_general3A_12 = tpu.matmul %get3A_8, %get3A_11, %dot_general3A {dimension_numbers = #tpu.dot_dimension_numbers<[1], [0], [0], [1], [0, 0, 1, 1], [], []>, transpose_lhs_hint = false} : vector<640x128xf32>, vector<128x64xf32>, vector<640x64xf32> -> vector<640x64xf32>
    %mul3A = vector.broadcast %rsqrt3A : vector<640x1xf32> to vector<640x64xf32>
    %mul3A_13 = arith.mulf %dot_general3A_12, %mul3A : vector<640x64xf32>
    %swap3A = arith.constant 0 : index
    %swap3A_14 = arith.constant 0 : index
    %swap3A_15 = vector.load %arg4[%swap3A, %swap3A_14] : memref<640x64xf32, #tpu.memory_space<vmem>>, vector<640x64xf32>
    tpu.vector_store %arg4[%swap3A, %swap3A_14], %mul3A_13 {strides = array<i32>} : memref<640x64xf32, #tpu.memory_space<vmem>>, vector<640x64xf32>,
    %swap3A_16 = arith.constant 0 : index
    %swap3A_17 = arith.constant 0 : index
    %swap3A_18 = vector.load %arg5[%swap3A_16, %swap3A_17] : memref<640x1xf32, #tpu.memory_space<vmem>>, vector<640x1xf32>
    tpu.vector_store %arg5[%swap3A_16, %swap3A_17], %rsqrt3A {strides = array<i32>} : memref<640x1xf32, #tpu.memory_space<vmem>>, vector<640x1xf32>,
    return
  }
  func.func @transform_0(%arg0: i32) -> (i32, i32) {
    %c0_i32 = arith.constant 0 : i32
    %c0_i32_0 = arith.constant 0 : i32
    return %arg0, %c0_i32 : i32, i32
  }
  func.func @transform_1(%arg0: i32) -> (i32, i32) {
    %c0_i32 = arith.constant 0 : i32
    %c0_i32_0 = arith.constant 0 : i32
    %c0_i32_1 = arith.constant 0 : i32
    return %c0_i32, %c0_i32_0 : i32, i32
  }
  func.func @transform_2(%arg0: i32) -> (i32, i32) {
    %c0_i32 = arith.constant 0 : i32
    %c0_i32_0 = arith.constant 0 : i32
    return %arg0, %c0_i32 : i32, i32
  }
  func.func @transform_3(%arg0: i32) -> (i32, i32) {
    %c0_i32 = arith.constant 0 : i32
    %c0_i32_0 = arith.constant 0 : i32
    return %arg0, %c0_i32 : i32, i32
  }
  func.func @transform_4(%arg0: i32) -> (i32, i32) {
    %c0_i32 = arith.constant 0 : i32
    %c0_i32_0 = arith.constant 0 : i32
    return %arg0, %c0_i32 : i32, i32
  }
}

module attributes {stable_mosaic.version = 14 : i64} {
  func.func @body(%arg0: i32, %arg1: memref<640x64xf32, #tpu.memory_space<vmem>>, %arg2: memref<640x64xf32, #tpu.memory_space<vmem>>, %arg3: memref<640x64xf32, #tpu.memory_space<vmem>>, %arg4: memref<640x1xf32, #tpu.memory_space<vmem>>, %arg5: memref<1x64xf32, #tpu.memory_space<vmem>>, %arg6: memref<64x128xf32, #tpu.memory_space<vmem>>, %arg7: memref<640x64xf32, #tpu.memory_space<vmem>>, %arg8: memref<640x64xf32, #tpu.memory_space<vmem>>) attributes {dimension_semantics = [#tpu.dimension_semantics<arbitrary>], iteration_bounds = array<i64: 16>, scalar_prefetch = 0 : i64, scratch_operands = 0 : i64, tpu.core_type = #tpu.core_type<tc>, window_params = [{transform_indices = @transform_0, window_bounds = array<i64: 640, 64>}, {transform_indices = @transform_1, window_bounds = array<i64: 640, 64>}, {transform_indices = @transform_2, window_bounds = array<i64: 640, 64>}, {transform_indices = @transform_3, window_bounds = array<i64: 640, 1>}, {pipeline_mode = #tpu.pipeline_mode<synchronous>, transform_indices = @transform_4, window_bounds = array<i64: 1, 64>}, {pipeline_mode = #tpu.pipeline_mode<synchronous>, transform_indices = @transform_5, window_bounds = array<i64: 64, 128>}, {transform_indices = @transform_6, window_bounds = array<i64: 640, 64>}, {transform_indices = @transform_7, window_bounds = array<i64: 640, 64>}]} {
    %get3A = arith.constant 0 : index
    %get3A_0 = arith.constant 0 : index
    %get3A_1 = vector.load %arg4[%get3A, %get3A_0] : memref<640x1xf32, #tpu.memory_space<vmem>>, vector<640x1xf32>
    %get3A_2 = arith.constant 0 : index
    %get3A_3 = arith.constant 0 : index
    %get3A_4 = vector.load %arg1[%get3A_2, %get3A_3] : memref<640x64xf32, #tpu.memory_space<vmem>>, vector<640x64xf32>
    %get3A_5 = arith.constant 0 : index
    %get3A_6 = arith.constant 0 : index
    %get3A_7 = vector.load %arg2[%get3A_5, %get3A_6] : memref<640x64xf32, #tpu.memory_space<vmem>>, vector<640x64xf32>
    %add3A = arith.addf %get3A_4, %get3A_7 : vector<640x64xf32>
    %get3A_8 = arith.constant 0 : index
    %get3A_9 = arith.constant 0 : index
    %get3A_10 = vector.load %arg3[%get3A_8, %get3A_9] : memref<640x64xf32, #tpu.memory_space<vmem>>, vector<640x64xf32>
    %add3A_11 = arith.addf %add3A, %get3A_10 : vector<640x64xf32>
    %mul3A = vector.broadcast %get3A_1 : vector<640x1xf32> to vector<640x64xf32>
    %mul3A_12 = arith.mulf %mul3A, %add3A_11 : vector<640x64xf32>
    %get3A_13 = arith.constant 0 : index
    %get3A_14 = arith.constant 0 : index
    %get3A_15 = vector.load %arg5[%get3A_13, %get3A_14] : memref<1x64xf32, #tpu.memory_space<vmem>>, vector<1x64xf32>
    %add3A_16 = vector.broadcast %get3A_15 : vector<1x64xf32> to vector<640x64xf32>
    %add3A_17 = arith.addf %mul3A_12, %add3A_16 : vector<640x64xf32>
    %get3A_18 = arith.constant 0 : index
    %get3A_19 = arith.constant 0 : index
    %get3A_20 = vector.load %arg6[%get3A_18, %get3A_19] : memref<64x128xf32, #tpu.memory_space<vmem>>, vector<64x128xf32>
    %dot_general3A = arith.constant dense<0.000000e+00> : vector<640x128xf32>
    %dot_general3A_21 = tpu.matmul %add3A_17, %get3A_20, %dot_general3A {dimension_numbers = #tpu.dot_dimension_numbers<[1], [0], [0], [1], [0, 0, 1, 1], [], []>, transpose_lhs_hint = false} : vector<640x64xf32>, vector<64x128xf32>, vector<640x128xf32> -> vector<640x128xf32>
    %mul3A_22 = vector.broadcast %get3A_1 : vector<640x1xf32> to vector<640x128xf32>
    %mul3A_23 = arith.mulf %mul3A_22, %dot_general3A_21 : vector<640x128xf32>
    %slice3A = vector.extract_strided_slice %mul3A_23 {offsets = [0, 0], sizes = [640, 64], strides = [1, 1]} : vector<640x128xf32> to vector<640x64xf32>
    %swap3A = arith.constant 0 : index
    %swap3A_24 = arith.constant 0 : index
    %swap3A_25 = vector.load %arg7[%swap3A, %swap3A_24] : memref<640x64xf32, #tpu.memory_space<vmem>>, vector<640x64xf32>
    tpu.vector_store %arg7[%swap3A, %swap3A_24], %slice3A {strides = array<i32>} : memref<640x64xf32, #tpu.memory_space<vmem>>, vector<640x64xf32>,
    %slice3A_26 = vector.extract_strided_slice %mul3A_23 {offsets = [0, 64], sizes = [640, 64], strides = [1, 1]} : vector<640x128xf32> to vector<640x64xf32>
    %swap3A_27 = arith.constant 0 : index
    %swap3A_28 = arith.constant 0 : index
    %swap3A_29 = vector.load %arg8[%swap3A_27, %swap3A_28] : memref<640x64xf32, #tpu.memory_space<vmem>>, vector<640x64xf32>
    tpu.vector_store %arg8[%swap3A_27, %swap3A_28], %slice3A_26 {strides = array<i32>} : memref<640x64xf32, #tpu.memory_space<vmem>>, vector<640x64xf32>,
    return
  }
  func.func @transform_0(%arg0: i32) -> (i32, i32) {
    %c0_i32 = arith.constant 0 : i32
    %c0_i32_0 = arith.constant 0 : i32
    return %arg0, %c0_i32 : i32, i32
  }
  func.func @transform_1(%arg0: i32) -> (i32, i32) {
    %c0_i32 = arith.constant 0 : i32
    %c0_i32_0 = arith.constant 0 : i32
    return %arg0, %c0_i32 : i32, i32
  }
  func.func @transform_2(%arg0: i32) -> (i32, i32) {
    %c0_i32 = arith.constant 0 : i32
    %c0_i32_0 = arith.constant 0 : i32
    return %arg0, %c0_i32 : i32, i32
  }
  func.func @transform_3(%arg0: i32) -> (i32, i32) {
    %c0_i32 = arith.constant 0 : i32
    %c0_i32_0 = arith.constant 0 : i32
    return %arg0, %c0_i32 : i32, i32
  }
  func.func @transform_4(%arg0: i32) -> (i32, i32) {
    %c0_i32 = arith.constant 0 : i32
    %c0_i32_0 = arith.constant 0 : i32
    %c0_i32_1 = arith.constant 0 : i32
    return %c0_i32, %c0_i32_0 : i32, i32
  }
  func.func @transform_5(%arg0: i32) -> (i32, i32) {
    %c0_i32 = arith.constant 0 : i32
    %c0_i32_0 = arith.constant 0 : i32
    %c0_i32_1 = arith.constant 0 : i32
    return %c0_i32, %c0_i32_0 : i32, i32
  }
  func.func @transform_6(%arg0: i32) -> (i32, i32) {
    %c0_i32 = arith.constant 0 : i32
    %c0_i32_0 = arith.constant 0 : i32
    return %arg0, %c0_i32 : i32, i32
  }
  func.func @transform_7(%arg0: i32) -> (i32, i32) {
    %c0_i32 = arith.constant 0 : i32
    %c0_i32_0 = arith.constant 0 : i32
    return %arg0, %c0_i32 : i32, i32
  }
}

module attributes {stable_mosaic.version = 14 : i64} {
  func.func @body(%arg0: i32, %arg1: memref<640x64xf32, #tpu.memory_space<vmem>>, %arg2: memref<640x64xf32, #tpu.memory_space<vmem>>, %arg3: memref<640x64xf32, #tpu.memory_space<vmem>>, %arg4: memref<640x64xf32, #tpu.memory_space<vmem>>, %arg5: memref<640x64xf32, #tpu.memory_space<vmem>>, %arg6: memref<640x64xf32, #tpu.memory_space<vmem>>, %arg7: memref<640x1xf32, #tpu.memory_space<vmem>>, %arg8: memref<1x128xf32, #tpu.memory_space<vmem>>, %arg9: memref<640x128xf32, #tpu.memory_space<vmem>>) attributes {dimension_semantics = [#tpu.dimension_semantics<arbitrary>], iteration_bounds = array<i64: 16>, scalar_prefetch = 0 : i64, scratch_operands = 0 : i64, tpu.core_type = #tpu.core_type<tc>, window_params = [{transform_indices = @transform_0, window_bounds = array<i64: 640, 64>}, {transform_indices = @transform_1, window_bounds = array<i64: 640, 64>}, {transform_indices = @transform_2, window_bounds = array<i64: 640, 64>}, {transform_indices = @transform_3, window_bounds = array<i64: 640, 64>}, {transform_indices = @transform_4, window_bounds = array<i64: 640, 64>}, {transform_indices = @transform_5, window_bounds = array<i64: 640, 64>}, {transform_indices = @transform_6, window_bounds = array<i64: 640, 1>}, {pipeline_mode = #tpu.pipeline_mode<synchronous>, transform_indices = @transform_7, window_bounds = array<i64: 1, 128>}, {transform_indices = @transform_8, window_bounds = array<i64: 640, 128>}]} {
    %get3A = arith.constant 0 : index
    %get3A_0 = arith.constant 0 : index
    %get3A_1 = vector.load %arg7[%get3A, %get3A_0] : memref<640x1xf32, #tpu.memory_space<vmem>>, vector<640x1xf32>
    %get3A_2 = arith.constant 0 : index
    %get3A_3 = arith.constant 0 : index
    %get3A_4 = vector.load %arg8[%get3A_2, %get3A_3] : memref<1x128xf32, #tpu.memory_space<vmem>>, vector<1x128xf32>
    %get3A_5 = arith.constant 0 : index
    %get3A_6 = arith.constant 0 : index
    %get3A_7 = vector.load %arg1[%get3A_5, %get3A_6] : memref<640x64xf32, #tpu.memory_space<vmem>>, vector<640x64xf32>
    %get3A_8 = arith.constant 0 : index
    %get3A_9 = arith.constant 0 : index
    %get3A_10 = vector.load %arg2[%get3A_8, %get3A_9] : memref<640x64xf32, #tpu.memory_space<vmem>>, vector<640x64xf32>
    %add3A = arith.addf %get3A_7, %get3A_10 : vector<640x64xf32>
    %get3A_11 = arith.constant 0 : index
    %get3A_12 = arith.constant 0 : index
    %get3A_13 = vector.load %arg5[%get3A_11, %get3A_12] : memref<640x64xf32, #tpu.memory_space<vmem>>, vector<640x64xf32>
    %add3A_14 = arith.addf %add3A, %get3A_13 : vector<640x64xf32>
    %mul3A = vector.broadcast %get3A_1 : vector<640x1xf32> to vector<640x64xf32>
    %mul3A_15 = arith.mulf %mul3A, %add3A_14 : vector<640x64xf32>
    %slice3A = vector.extract_strided_slice %get3A_4 {offsets = [0, 0], sizes = [1, 64], strides = [1, 1]} : vector<1x128xf32> to vector<1x64xf32>
    %add3A_16 = vector.broadcast %slice3A : vector<1x64xf32> to vector<640x64xf32>
    %add3A_17 = arith.addf %mul3A_15, %add3A_16 : vector<640x64xf32>
    %get3A_18 = arith.constant 0 : index
    %get3A_19 = arith.constant 0 : index
    %get3A_20 = vector.load %arg3[%get3A_18, %get3A_19] : memref<640x64xf32, #tpu.memory_space<vmem>>, vector<640x64xf32>
    %get3A_21 = arith.constant 0 : index
    %get3A_22 = arith.constant 0 : index
    %get3A_23 = vector.load %arg4[%get3A_21, %get3A_22] : memref<640x64xf32, #tpu.memory_space<vmem>>, vector<640x64xf32>
    %add3A_24 = arith.addf %get3A_20, %get3A_23 : vector<640x64xf32>
    %get3A_25 = arith.constant 0 : index
    %get3A_26 = arith.constant 0 : index
    %get3A_27 = vector.load %arg6[%get3A_25, %get3A_26] : memref<640x64xf32, #tpu.memory_space<vmem>>, vector<640x64xf32>
    %add3A_28 = arith.addf %add3A_24, %get3A_27 : vector<640x64xf32>
    %mul3A_29 = vector.broadcast %get3A_1 : vector<640x1xf32> to vector<640x64xf32>
    %mul3A_30 = arith.mulf %mul3A_29, %add3A_28 : vector<640x64xf32>
    %slice3A_31 = vector.extract_strided_slice %get3A_4 {offsets = [0, 64], sizes = [1, 64], strides = [1, 1]} : vector<1x128xf32> to vector<1x64xf32>
    %add3A_32 = vector.broadcast %slice3A_31 : vector<1x64xf32> to vector<640x64xf32>
    %add3A_33 = arith.addf %mul3A_30, %add3A_32 : vector<640x64xf32>
    %concatenate3A = tpu.concatenate %add3A_17, %add3A_33 in 1 : vector<640x64xf32>, vector<640x64xf32> -> vector<640x128xf32>
    %swap3A = arith.constant 0 : index
    %swap3A_34 = arith.constant 0 : index
    %swap3A_35 = vector.load %arg9[%swap3A, %swap3A_34] : memref<640x128xf32, #tpu.memory_space<vmem>>, vector<640x128xf32>
    tpu.vector_store %arg9[%swap3A, %swap3A_34], %concatenate3A {strides = array<i32>} : memref<640x128xf32, #tpu.memory_space<vmem>>, vector<640x128xf32>,
    return
  }
  func.func @transform_0(%arg0: i32) -> (i32, i32) {
    %c0_i32 = arith.constant 0 : i32
    %c0_i32_0 = arith.constant 0 : i32
    return %arg0, %c0_i32 : i32, i32
  }
  func.func @transform_1(%arg0: i32) -> (i32, i32) {
    %c0_i32 = arith.constant 0 : i32
    %c0_i32_0 = arith.constant 0 : i32
    return %arg0, %c0_i32 : i32, i32
  }
  func.func @transform_2(%arg0: i32) -> (i32, i32) {
    %c0_i32 = arith.constant 0 : i32
    %c0_i32_0 = arith.constant 0 : i32
    return %arg0, %c0_i32 : i32, i32
  }
  func.func @transform_3(%arg0: i32) -> (i32, i32) {
    %c0_i32 = arith.constant 0 : i32
    %c0_i32_0 = arith.constant 0 : i32
    return %arg0, %c0_i32 : i32, i32
  }
  func.func @transform_4(%arg0: i32) -> (i32, i32) {
    %c0_i32 = arith.constant 0 : i32
    %c0_i32_0 = arith.constant 0 : i32
    return %arg0, %c0_i32 : i32, i32
  }
  func.func @transform_5(%arg0: i32) -> (i32, i32) {
    %c0_i32 = arith.constant 0 : i32
    %c0_i32_0 = arith.constant 0 : i32
    return %arg0, %c0_i32 : i32, i32
  }
  func.func @transform_6(%arg0: i32) -> (i32, i32) {
    %c0_i32 = arith.constant 0 : i32
    %c0_i32_0 = arith.constant 0 : i32
    return %arg0, %c0_i32 : i32, i32
  }
  func.func @transform_7(%arg0: i32) -> (i32, i32) {
    %c0_i32 = arith.constant 0 : i32
    %c0_i32_0 = arith.constant 0 : i32
    %c0_i32_1 = arith.constant 0 : i32
    return %c0_i32, %c0_i32_0 : i32, i32
  }
  func.func @transform_8(%arg0: i32) -> (i32, i32) {
    %c0_i32 = arith.constant 0 : i32
    %c0_i32_0 = arith.constant 0 : i32
    return %arg0, %c0_i32 : i32, i32
  }
}

</mosaic_0001>

<sc_bundles>
// kernel: kernel.12.cloned.1.call-start
scs
__scs_entry_jumppad:
0x0: {  	(pc) =	sbr.rel $0x88, $3  }
0x1: {  	(tag) =	ssettag $0x0;
	lr =	simm.s32 $0x1  }
0x2: {  	[smem:$0x3F9B] =	sst lr;
	_ =	strace $0xD0000000  }
0x3: {  	_ = 	snop  }
0x4: {  	_ = 	snop  }
0x5: {  	_ = 	snop  }
0x6: {  	_ = 	snop  }
0x7: {  	_ = 	snop  }
__scs_overlays_trampoline_lowered:
0x8: {  	[smem:$0x3FAA] =	sst s0  }
0x9: {  	[smem:$0x3FAB] =	sst s1  }
0xa: {  	[smem:$0x3FAC] =	sst s2  }
0xb: {  	[smem:$0x3FAD] =	sst s3  }
0xc: {  	[smem:$0x3FAE] =	sst s4  }
0xd: {  	[smem:$0x3FAF] =	sst s5  }
0xe: {  	[smem:$0x3FB0] =	sst s6  }
0xf: {  	[smem:$0x3FB1] =	sst s7  }
0x10: {  	[smem:$0x3FB2] =	sst s8  }
0x11: {  	[smem:$0x3FB3] =	sst s9;
	s0 =	simm.s32 @!p0 $0x0  }
0x12: {  	s1 =	sld [smem:$0x3F99];
	s0 =	simm.s32 @p0 $0x1  }
0x13: {  	[smem:$0x3FB4] =	sst s0;
	s0 =	simm.s32 @!p1 $0x0  }
0x14: {  	s2 =	sld [smem:$0x3F98];
	s0 =	simm.s32 @p1 $0x1  }
0x15: {  	[smem:$0x3FB5] =	sst s0;
	s0 =	simm.s32 @!p2 $0x0  }
0x16: {  	s3 =	sld [smem:$0x3FDB];
	s0 =	simm.s32 @p2 $0x1  }
0x17: {  	s4 =	simm.s32 $0x1BF5;
	[smem:$0x3FB7] =	sst s0  }
0x18: {  	s0 =	sld [smem:$0x3F9A];
	_ =	swait.ge [sflag:s4], $0x0  }
0x19: {  	s7 =	sld [smem:$0x3F9B]  }
0x1a: {  	s8 =	sadd.s32 $0xFFFFE003, lr  }
0x1b: {  	s9 =	sadd.s32 $0xFFFFFEF7, lr;
	s5 =	simm.s32 $0xFFFFFFFF;
	p2 =	slt.u32 s8, $0xFFFFF086  }
0x1c: {  	p1 =	slt.u32 s9, $0xF7A;
	s5 =	simm.s32 @!p2 $0x0  }
0x1d: {  	s5 =	simm.s32 @p1 $0x1;
	p0 =	seq.s32 s7, s2  }
0x1e: {  	s7 =	smul.u32 @!p0 $0xF7A, s2;
	p2 =	seq.s32 @!p0 s5, $0x0  }
0x1f: {  	s9 =	smul.u32 $0xF7A, s1;
	s8 =	simm.s32 @!p0 $0x1BF5;
	p2 =	por !p2, p0  }
0x20: {  	[sflag:s8] =	ssyncset.s32 @!p0 $0xFFFFF086;
	s6 =	sadd.s32 @!p0 s3, s7;
	s7 =	simm.s32 @!p0 $0x108  }
0x21: {  	s3 =	sadd.s32 s3, s9;
	s6 =	sadd.s32 @!p0 $0x88, s6;
	s7 =	simm.s32 @p2 $0x1082  }
0x22: {  	[simem:s7], [sflag:s8] =	dma.local @!p0 [hbm:s6], $0xF7A  }
0x23: {  	s9 =	sor.u32 $0xD0000000, s2;
	s6 =	simm.s32 $0x108;
	_ =	swait.ge @!p0 [sflag:s8], $0x0  }
0x24: {  	s3 =	sadd.s32 $0x88, s3;
	s6 =	simm.s32 @!p1 $0x1082;
	[sflag:s4] =	ssyncset.s32 $0xFFFFF086  }
0x25: {  	[simem:s6], [sflag:s4] =	dma.local [hbm:s3], $0xF7A  }
0x26: {  	[smem:$0x3F9B] =	sst s1;
	(tag) =	ssettag s2;
	_ =	strace s9  }
0x27: {  	s1 =	sld [smem:$0x3FAB]  }
0x28: {  	s2 =	sld [smem:$0x3FAC]  }
0x29: {  	s4 =	sld [smem:$0x3FAE]  }
0x2a: {  	p0 =	seq.s32 s5, $0x0;
	s5 =	sld [smem:$0x3FAF]  }
0x2b: {  	s6 =	sld [smem:$0x3FB0]  }
0x2c: {  	s7 =	sld [smem:$0x3FB1]  }
0x2d: {  	s3 =	simm.s32 $0x108;
	s8 =	sld [smem:$0x3FB2]  }
0x2e: {  	s3 =	simm.s32 @!p0 $0x1082;
	s9 =	sld [smem:$0x3FB3]  }
0x2f: {  	lr =	sadd.s32 s0, s3;
	s0 =	sld [smem:$0x3FAA]  }
0x30: {  	s3 =	sld [smem:$0x3FAD]  }
0x31: {  	[smem:$0x3FB6] =	sst s10  }
0x32: {  	s10 =	sld [smem:$0x3FB4];
	_ =	sdelay $0x3  }
0x33: {  	p0 =	seq.s32 s10, $0x1;
	s10 =	sld [smem:$0x3FB6];
	_ =	sdelay $0x3  }
0x34: {  	[smem:$0x3FB6] =	sst s10  }
0x35: {  	s10 =	sld [smem:$0x3FB5];
	_ =	sdelay $0x3  }
0x36: {  	p1 =	seq.s32 s10, $0x1;
	s10 =	sld [smem:$0x3FB6];
	_ =	sdelay $0x3  }
0x37: {  	[smem:$0x3FB6] =	sst s10  }
0x38: {  	s10 =	sld [smem:$0x3FB7]  }
0x39: {  	_ = 	snop;
	(pc) =	sbr.ind lr, $3  }
0x3a: {  	_ = 	snop  }
0x3b: {  	_ = 	snop  }
0x3c: {  	p2 =	seq.s32 s10, $0x1;
	s10 =	sld [smem:$0x3FB6]  }
0x3d: {  	_ =	shalt  }
0x3e: {  	_ =	shalt  }
0x3f: {  	_ =	shalt  }
0x40: {  	_ =	shalt  }
0x41: {  	_ =	shalt  }
0x42: {  	_ =	shalt  }
0x43: {  	_ =	shalt  }
0x44: {  	_ =	shalt  }
0x45: {  	_ =	shalt  }
0x46: {  	_ =	shalt  }
0x47: {  	_ =	shalt  }
0x48: {  	_ =	shalt  }
0x49: {  	_ =	shalt  }
0x4a: {  	_ =	shalt  }
0x4b: {  	_ =	shalt  }
0x4c: {  	_ =	shalt  }
0x4d: {  	_ =	shalt  }
0x4e: {  	_ =	shalt  }
0x4f: {  	_ =	shalt  }
0x50: {  	_ =	shalt  }
0x51: {  	_ =	shalt  }
0x52: {  	_ =	shalt  }
0x53: {  	_ =	shalt  }
0x54: {  	_ =	shalt  }
0x55: {  	_ =	shalt  }
0x56: {  	_ =	shalt  }
0x57: {  	_ =	shalt  }
0x58: {  	_ =	shalt  }
0x59: {  	_ =	shalt  }
0x5a: {  	_ =	shalt  }
0x5b: {  	_ =	shalt  }
0x5c: {  	_ =	shalt  }
0x5d: {  	_ =	shalt  }
0x5e: {  	_ =	shalt  }
0x5f: {  	_ =	shalt  }
0x60: {  	_ =	shalt  }
0x61: {  	_ =	shalt  }
0x62: {  	_ =	shalt  }
0x63: {  	_ =	shalt  }
0x64: {  	_ =	shalt  }
0x65: {  	_ =	shalt  }
0x66: {  	_ =	shalt  }
0x67: {  	_ =	shalt  }
0x68: {  	_ =	shalt  }
0x69: {  	_ =	shalt  }
0x6a: {  	_ =	shalt  }
0x6b: {  	_ =	shalt  }
0x6c: {  	_ =	shalt  }
0x6d: {  	_ =	shalt  }
0x6e: {  	_ =	shalt  }
0x6f: {  	_ =	shalt  }
0x70: {  	_ =	shalt  }
0x71: {  	_ =	shalt  }
0x72: {  	_ =	shalt  }
0x73: {  	_ =	shalt  }
0x74: {  	_ =	shalt  }
0x75: {  	_ =	shalt  }
0x76: {  	_ =	shalt  }
0x77: {  	_ =	shalt  }
0x78: {  	_ =	shalt  }
0x79: {  	_ =	shalt  }
0x7a: {  	_ =	shalt  }
0x7b: {  	_ =	shalt  }
0x7c: {  	_ =	shalt  }
0x7d: {  	_ =	shalt  }
0x7e: {  	_ =	shalt  }
0x7f: {  	_ =	shalt  }
0x80: {  	_ =	shalt  }
0x81: {  	_ =	shalt  }
0x82: {  	_ =	shalt  }
0x83: {  	_ =	shalt  }
0x84: {  	_ =	shalt  }
0x85: {  	_ =	shalt  }
0x86: {  	_ =	shalt  }
0x87: {  	_ =	shalt  }
.Lfunc_end0:
.L_simem_size_0:
called_computation.1_lowered:
.L_overlay_start_0:
0x88: {  	s2 =	sld [smem:$0x3FD9]  }
0x89: {  	s3 =	sld [smem:$0x3FFE];
	_ =	sdelay $0x1  }
0x8a: {  	s1 =	srdreg.scid  }
0x8b: {  	s0 =	sand.u32 $0x1, s1  }
0x8c: {  	s17 =	sshll.u32 s0, $0xA;
	s2 =	sadd.s32 s3, s2  }
0x8d: {  	s2 =	sadd.s32 s2, s17  }
0x8e: {  	[smem:$0x3FC2] =	sst s2  }
0x8f: {  	_ = 	snop  }
0x90: {  	s2 =	sld [smem:$0x3FD0];
	(tm) =	ssettm $0x1  }
0x91: {  	s18 =	sld [smem:$0x3FFB];
	_ =	sdelay $0x3  }
0x92: {  	_ =	strace s18  }
0x93: {  	s3 =	sld [smem:$0x3FFC];
	_ =	sdelay $0x3  }
0x94: {  	_ =	strace s3  }
0x95: {  	s3 =	sld [smem:$0x3FFD];
	_ =	sdelay $0x3  }
0x96: {  	_ =	strace s3  }
0x97: {  	_ =	strace $0x8FFFFFFF  }
0x98: {  	s19 =	sld [smem:$0x3FDB];
	_ =	sdelay $0x1  }
0x99: {  	s4 =	simm.s32 $_scs_section_size  }
0x9a: {  	s5 =	simm.s32 $_size__tile_overlayer_lowered;
	s6 =	simm.s32 $_tile_overlayer_lowered  }
0x9b: {  	s22 =	simm.s32 $0x1BFF;
	s21 =	sshll.u32 s6, $0x1;
	s3 =	sadd.s32 s4, s19  }
0x9c: {  	s7 =	simm.s32 $0x0;
	s20 =	sshll.u32 s5, $0x1;
	s5 =	sadd.s32 s21, s3  }
0x9d: {  	[timem:s7], [sflag:s22] =	dma.local [hbm:s5], s20  }
0x9e: {  	_ =	swait.ge [sflag:s22], s20  }
0x9f: {  	s4 =	ssub.s32 $0x0, s20;
	[sflag:s22] =	ssyncset.done $0x0  }
0xa0: {  	[sflag:s22] =	ssyncadd.s32 s4;
	_ =	sdelay $0x1  }
0xa1: {  	s23 =	simm.s32 $0x1B8B  }
0xa2: {  	_ =	swait.ge [sflag:s23], $0x1  }
0xa3: {  	[sflag:s23] =	ssyncset.done $0x0  }
0xa4: {  	s25 =	simm.s32 $0x1B8E;
	s24 =	sld [smem:$0x3FFE];
	[sflag:s23] =	ssyncadd.s32 $0xFFFFFFFF  }
0xa5: {  	s26 =	simm.s32 $execute0_lowered;
	[smem:$0x3FD2] =	sst s25  }
0xa6: {  	s5 =	sshll.u32 s26, $0x1;
	_ =	strace $0x80000049;
	[dreg:$0x1] =	wrdreg $0xFFFFFFFF  }
0xa7: {  	s28 =	simm.s32 $_size_execute0_lowered;
	s3 =	sadd.s32 s3, s5;
	[dreg:$0x0] =	wrdreg $0x0  }
0xa8: {  	s5 =	sshll.u32 s28, $0x1;
	[dreg:$0x2] =	wrdreg s3  }
0xa9: {  	[dreg:$0x3] =	wrdreg s5  }
0xaa: {  	[dreg:$0x4] =	wrdreg $0xC0  }
0xab: {  	_ =	task [dreg:s7], $0x5FFFF  }
0xac: {  	[dreg:$0x1] =	wrdreg $0xFFFFFFFF  }
0xad: {  	[dreg:$0x0] =	wrdreg $0x60  }
0xae: {  	[dreg:$0x2] =	wrdreg s2  }
0xaf: {  	[dreg:$0x3] =	wrdreg s24  }
0xb0: {  	[dreg:$0x4] =	wrdreg $0x8F000  }
0xb1: {  	[dreg:$0x5] =	wrdreg $0x9  }
0xb2: {  	_ =	task.clear_ibuf [dreg:s7], $0x6FFFF;
	_ =	strace $0x90000049  }
0xb3: {  	s29 =	simm.s32 $0x9;
	_ =	strace $0x8000004B  }
0xb4: {  	_ =	swait.ge [sflag:s29], $0x1  }
0xb5: {  	[sflag:s29] =	ssyncadd.s32 $0xFFFFFFFF  }
0xb6: {  	_ =	strace $0x9000004B  }
0xb7: {  	_ =	sfence  }
0xb8: {  	s30 =	sld [smem:$0x0];
	_ =	sdelay $0x2  }
0xb9: {  	s31 =	sshll.u32 s1, $0xD;
	s1 =	sshrl.u32 s1, $0x2  }
0xba: {  	s3 =	sand.u32 $0x4000, s31;
	s1 =	sadd.s32 s1, s30  }
0xbb: {  	s0 =	sor.u32 s3, s0;
	s1 =	sshll.u32 s1, $0x11  }
0xbc: {  	s0 =	sor.u32 s1, s0  }
0xbd: {  	s0 =	sadd.s32 $0x8F2B, s0  }
0xbe: {  	[sflag:s0] =	ssyncadd.remote.s32 $0x1  }
0xbf: {  	_ =	sfence.sel $0xFFFF  }
0xc0: {  	[dreg:$0x0] =	wrdreg $0xFFFFFFFF;
	(pc) =	sbr.abs _section_cstart, $3  }
0xc1: {  	[dreg:$0x1] =	wrdreg $0xFFFFFFFF  }
0xc2: {  	_ =	task.clear_ibuf [dreg:s7], $0x2FFFF;
	_ =	strace $0x9FFFFFFF  }
0xc3: {  	(tm) =	ssettm $0x7FFFFFFF  }
tec
execute0_lowered:
.L_overlay_start_1:
0x0: {  	(tag) =	ssettag $0x1  }
0x1: {  	s1 =	rddreg [dreg:$0x0]  }
0x2: {  	s5 =	rddreg [dreg:$0x1]  }
0x3: {  	s3 =	rddreg [dreg:$0x2];
	s4 =	srdreg.scid  }
0x4: {  	s0 =	rddreg [dreg:$0x3];
	s2 =	stileid.u32  }
0x5: {  	s14 =	simm.s32 $0x3;
	s15 =	simm.s32 $0x2780;
	s16 =	simm.s32 $0x4F00  }
0x6: {  	s17 =	simm.s32 $0x80;
	s18 =	simm.s32 $0x1;
	s19 =	simm.s32 $0x6F00  }
0x7: {  	s20 =	simm.s32 $0x2;
	s21 =	simm.s32 $0x4E80;
	s23 =	simm.s32 $0x0  }
0x8: {  	s6 =	sand.u32 $0x1, s4;
	s4 =	simm.s32 $0x0;
	s8 =	smul.u32 $0xA000, s2  }
0x9: {  	s10 =	smul.u32 $0x28000, s2;
	s22 =	sshll.u32 s2, $0x6;
	s7 =	sshll.u32 s6, $0x4  }
0xa: {  	[smem:$0x7FF] =	sst s4;
	s9 =	smul.u32 $0xA0000, s6;
	s6 =	ssub.s32 $0x2, s6  }
0xb: {  	s22 =	sor.u32 $0x1C03, s22;
	s7 =	sor.u32 s2, s7;
	_ =	strace $0x8000004A  }
0xc: {  	s11 =	sshrl.u32 s6, $0x1;
	s30 =	sshrl.u32 s10, $0x2;
	s7 =	smul.u32 $0x4F0, s7  }
0xd: {  	s9 =	sadd.s32 s8, s9;
	s13 =	ssub.s32 s6, s11;
	s31 =	sadd.s32 s30, s3  }
0xe: {  	s9 =	sshrl.u32 s9, $0x3;
	s10 =	sadd.s32 $0x6000, s31;
	s11 =	sadd.s32 $0x8000, s31  }
0xf: {  	s13 =	smax.u32 s13, $0x1;
	s7 =	sadd.s32 s7, s5;
	s12 =	sadd.s32 s9, s5  }
0x10: {  	s9 =	sadd.s32 $0x4000, s31;
	s5 =	sadd.s32 $0xC600, s7;
	s6 =	sadd.s32 $0x2800, s7  }
0x11: {  	v0 =	vimm.f32 $0.0e+00;
	s7 =	sadd.s32 s8, s3;
	s8 =	sadd.s32 $0x2000, s31;
	s12 =	sadd.s32 $0x66400, s12  }
.LBB2_1:
0x12: {  	[tilespmem:s4], [sflag:$0x3] =	stream.linear.gather [hbm4b:s5+s4], $0x2780, $0x38;
	[tilespmem:$0x12F00] =	vst v63  }
0x13: {  	_ =	swait.ge [sflag:s14], $0x2780  }
0x14: {  	[sflag:s14] =	ssyncset.done $0x0  }
0x15: {  	[sflag:s14] =	ssyncadd.s32 $0xFFFFD880  }
0x16: {  	[tilespmem:s15], [sflag:$0x3] =	stream.linear.gather [hbm4b:s6+s4], $0x2780, $0x38;
	[tilespmem:$0x12F00] =	vst v63  }
0x17: {  	_ =	swait.ge [sflag:s14], $0x2780  }
0x18: {  	[sflag:s14] =	ssyncset.done $0x0  }
0x19: {  	s25 =	simm.s32 $0x100;
	s24 =	simm.s32 $0x0;
	[sflag:s14] =	ssyncadd.s32 $0xFFFFD880  }
.LBB2_2:
0x1a: {  	p0 =	sne.s32 s25, $0x7F00;
	[tilespmem:s24+$0x4F30] =	vst v0;
	s26 =	smov.u32 s25;
	s25 =	sadd.s32 $0x100, s25  }
.Ltmp0:
0x1b: {  	[tilespmem:s24+$0x4F20] =	vst v0;
	(pc) =	sbr.rel @p0 .LBB2_2-.Ltmp0, $3  }
0x1c: {  	[tilespmem:s24+$0x4F00] =	vst v0  }
0x1d: {  	[tilespmem:s24+$0x4F10] =	vst v0;
	_ =	sdelay $0x1  }
0x1e: {  	s24 =	sshra.s32 s26, $0x2  }
0x1f: {  	[tilespmem:s24+$0x4F30] =	vst v0  }
0x20: {  	[tilespmem:s24+$0x4F20] =	vst v0  }
0x21: {  	[tilespmem:s24+$0x4F00] =	vst v0  }
0x22: {  	[tilespmem:s24+$0x4F10] =	vst v0  }
0x23: {  	[spmem:s7] =	stream.linear.scatter [tilespmem:s16], [sflag:$0x3], $0x2000, $0x38;
	[tilespmem:$0x12F00] =	vst v63  }
0x24: {  	_ =	swait.ge [sflag:s14], $0x2000  }
0x25: {  	[sflag:s14] =	ssyncset.done $0x0  }
0x26: {  	[sflag:s14] =	ssyncadd.s32 $0xFFFFE000  }
0x27: {  	[spmem:s8] =	stream.linear.scatter [tilespmem:s16], [sflag:$0x3], $0x2000, $0x38;
	[tilespmem:$0x12F00] =	vst v63  }
0x28: {  	_ =	swait.ge [sflag:s14], $0x2000  }
0x29: {  	[sflag:s14] =	ssyncset.done $0x0  }
0x2a: {  	[sflag:s14] =	ssyncadd.s32 $0xFFFFE000  }
0x2b: {  	[spmem:s9] =	stream.linear.scatter [tilespmem:s16], [sflag:$0x3], $0x2000, $0x38;
	[tilespmem:$0x12F00] =	vst v63  }
0x2c: {  	_ =	swait.ge [sflag:s14], $0x2000  }
0x2d: {  	[sflag:s14] =	ssyncset.done $0x0  }
0x2e: {  	[sflag:s14] =	ssyncadd.s32 $0xFFFFE000  }
0x2f: {  	[spmem:s10] =	stream.linear.scatter [tilespmem:s16], [sflag:$0x3], $0x2000, $0x38;
	[tilespmem:$0x12F00] =	vst v63  }
0x30: {  	_ =	swait.ge [sflag:s14], $0x2000  }
0x31: {  	[sflag:s14] =	ssyncset.done $0x0  }
0x32: {  	[sflag:s14] =	ssyncadd.s32 $0xFFFFE000  }
0x33: {  	[spmem:s11] =	stream.linear.scatter [tilespmem:s16], [sflag:$0x3], $0x2000, $0x38;
	[tilespmem:$0x12F00] =	vst v63  }
0x34: {  	_ =	swait.ge [sflag:s14], $0x2000  }
0x35: {  	[sflag:s14] =	ssyncset.done $0x0  }
0x36: {  	[sflag:s14] =	ssyncadd.s32 $0xFFFFE000  }
0x37: {  	s26 =	simm.s32 $0x0;
	[bflag:$0x0] =	sbarrier.arrive $0xFFFF  }
0x38: {  	[tilespmem:s16], [sflag:$0x1] =	stream.indirect.gather [hbm4b:s1+s17], $0x40, s26, s17, $0xb8;
	[tilespmem:$0x12F00] =	vst v63  }
0x39: {  	_ =	swait.ge [sflag:s18], $0x2000  }
0x3a: {  	[sflag:s18] =	ssyncset.done $0x0  }
0x3b: {  	s28 =	simm.s32 $0x80;
	[sflag:s18] =	ssyncadd.s32 $0xFFFFE000  }
0x3c: {  	[tilespmem:s19], [sflag:$0x2] =	stream.indirect.gather [hbm4b:s1+s17], $0x40, s28, s17, $0xb8;
	[tilespmem:$0x12F00] =	vst v63  }
0x3d: {  	s29 =	simm.s32 $0x2780  }
0x3e: {  	[spmem:s3] =	stream.indirect.scatter.add.f32 [tilespmem:s16], [sflag:$0x3], $0x40, s29, s17, $0xb8;
	[tilespmem:$0x12F00] =	vst v63  }
0x3f: {  	_ =	swait.ge [sflag:s14], $0x2000  }
0x40: {  	[sflag:s14] =	ssyncset.done $0x0  }
0x41: {  	[sflag:s14] =	ssyncadd.s32 $0xFFFFE000  }
0x42: {  	_ =	swait.ge [sflag:s20], $0x2000  }
0x43: {  	[sflag:s20] =	ssyncset.done $0x0  }
0x44: {  	s30 =	simm.s32 $0x100;
	[sflag:s20] =	ssyncadd.s32 $0xFFFFE000  }
0x45: {  	[tilespmem:s16], [sflag:$0x1] =	stream.indirect.gather [hbm4b:s1+s17], $0x40, s30, s17, $0xb8;
	[tilespmem:$0x12F00] =	vst v63  }
0x46: {  	s31 =	simm.s32 $0x2800  }
0x47: {  	[spmem:s3] =	stream.indirect.scatter.add.f32 [tilespmem:s19], [sflag:$0x3], $0x40, s31, s17, $0xb8;
	[tilespmem:$0x12F00] =	vst v63  }
0x48: {  	_ =	swait.ge [sflag:s14], $0x2000  }
0x49: {  	s24 =	simm.s32 $0x400;
	[sflag:s14] =	ssyncset.done $0x0  }
.LBB2_4:
0x4a: {  	p0 =	sne.s32 s24, $0x9800  }
0x4b: {  	[sflag:s14] =	ssyncadd.s32 $0xFFFFE000;
	s25 =	smov.u32 s24;
	s24 =	sadd.s32 $0x400, s24  }
0x4c: {  	_ = 	snop  }
0x4d: {  	_ =	swait.ge [sflag:s18], $0x2000  }
0x4e: {  	s25 =	sshra.s32 s25, $0x2;
	[sflag:s18] =	ssyncset.done $0x0  }
0x4f: {  	s26 =	sadd.s32 $0x80, s25;
	[sflag:s18] =	ssyncadd.s32 $0xFFFFE000  }
0x50: {  	[tilespmem:s19], [sflag:$0x2] =	stream.indirect.gather [hbm4b:s1+s17], $0x40, s26, s17, $0xb8;
	[tilespmem:$0x12F00] =	vst v63  }
0x51: {  	s26 =	sadd.s32 $0x2780, s25  }
0x52: {  	[spmem:s3] =	stream.indirect.scatter.add.f32 [tilespmem:s16], [sflag:$0x3], $0x40, s26, s17, $0xb8;
	[tilespmem:$0x12F00] =	vst v63  }
0x53: {  	_ =	swait.ge [sflag:s14], $0x2000  }
0x54: {  	[sflag:s14] =	ssyncset.done $0x0  }
0x55: {  	[sflag:s14] =	ssyncadd.s32 $0xFFFFE000  }
0x56: {  	_ =	swait.ge [sflag:s20], $0x2000  }
0x57: {  	[sflag:s20] =	ssyncset.done $0x0  }
0x58: {  	s26 =	sadd.s32 $0x100, s25;
	[sflag:s20] =	ssyncadd.s32 $0xFFFFE000  }
0x59: {  	[tilespmem:s16], [sflag:$0x1] =	stream.indirect.gather [hbm4b:s1+s17], $0x40, s26, s17, $0xb8;
	[tilespmem:$0x12F00] =	vst v63  }
.Ltmp1:
0x5a: {  	_ = 	snop;
	(pc) =	sbr.rel @p0 .LBB2_4-.Ltmp1, $4  }
0x5b: {  	s25 =	sadd.s32 $0x2800, s25  }
0x5c: {  	[spmem:s3] =	stream.indirect.scatter.add.f32 [tilespmem:s19], [sflag:$0x3], $0x40, s25, s17, $0xb8;
	[tilespmem:$0x12F00] =	vst v63  }
0x5d: {  	_ =	swait.ge [sflag:s14], $0x2000  }
0x5e: {  	[sflag:s14] =	ssyncset.done $0x0  }
0x5f: {  	[sflag:s14] =	ssyncadd.s32 $0xFFFFE000  }
0x60: {  	_ =	swait.ge [sflag:s18], $0x2000  }
0x61: {  	[sflag:s18] =	ssyncset.done $0x0  }
0x62: {  	[sflag:s18] =	ssyncadd.s32 $0xFFFFE000  }
0x63: {  	[spmem:s3] =	stream.indirect.scatter.add.f32 [tilespmem:s16], [sflag:$0x3], $0x40, s21, s17, $0xb8;
	[tilespmem:$0x12F00] =	vst v63  }
0x64: {  	_ =	swait.ge [sflag:s14], $0x2000  }
0x65: {  	s23 =	sadd.s32 $0x1, s23;
	[sflag:s14] =	ssyncset.done $0x0  }
0x66: {  	p0 =	sne.s32 s23, s13;
	[sflag:s14] =	ssyncadd.s32 $0xFFFFE000  }
.Ltmp2:
0x67: {  	s24 =	sshrl.u32 s7, $0x3;
	[bflag:$0x0] =	sbarrier.arrive $0xFFFF;
	(pc) =	sbr.rel @p0 .LBB2_1-.Ltmp2, $4  }
0x68: {  	[hbm:s12], [sflag:s22] =	dma.local [spmem:s24], $0x1400  }
0x69: {  	_ =	swait.ge [sflag:s14], $0x1400  }
0x6a: {  	[sflag:s14] =	ssyncset.done $0x0  }
0x6b: {  	[sflag:s14] =	ssyncadd.s32 $0xFFFFEC00  }
0x6c: {  	_ =	sfence.sel $0x180000  }
0x6d: {  	[bflag:$0x0] =	sbarrier.arrive $0xFFFF  }
0x6e: {  	p0 =	sne.s32 s2, $0x0;
	_ =	strace $0x9000004A  }
0x6f: {  	s0 =	sadd.s32 @!p0 $0x100000, s0;
	[bflag:$0x2] =	sbarrier.arrive $0xFFFF  }
0x70: {  	[sflag:s0] =	ssyncadd.tile.s32 @!p0 $0x1;
	_ =	shalt  }
.Lfunc_end2:
_tile_overlayer_lowered:
.L_overlay_start_2:
0x71: {  	(tag) =	ssettag $0x2  }
0x72: {  	s0 =	rddreg [dreg:$0x0];
	s2 =	stileid.u32  }
0x73: {  	s1 =	rddreg [dreg:$0x1];
	p0 =	sne.s32 s2, $0x0  }
0x74: {  	s3 =	rddreg [dreg:$0x2];
	[bflag:$0x3] =	sbarrier.arrive $0xFFFF;
	s2 =	simm.s32 @!p0 $0x1C03  }
0x75: {  	[timem:s3], [sflag:s2] =	dma.local @!p0 [hbm:s0], s1  }
0x76: {  	s0 =	simm.s32 @!p0 $0x3  }
0x77: {  	_ =	swait.ge @!p0 [sflag:s0], s1  }
0x78: {  	s1 =	ssub.s32 @!p0 $0x0, s1;
	[sflag:s0] =	ssyncset.done @!p0 $0x0  }
0x79: {  	[sflag:s0] =	ssyncadd.s32 @!p0 s1  }
0x7a: {  	[bflag:$0x3] =	sbarrier.arrive $0xFFFF  }
0x7b: {  	_ =	shalt  }

// kernel: kernel.15.cloned.1.call-start
scs
__scs_entry_jumppad:
0x0: {  	(pc) =	sbr.rel $0x88, $3  }
0x1: {  	(tag) =	ssettag $0x0;
	lr =	simm.s32 $0x1  }
0x2: {  	[smem:$0x3F9B] =	sst lr;
	_ =	strace $0xD0000000  }
0x3: {  	_ = 	snop  }
0x4: {  	_ = 	snop  }
0x5: {  	_ = 	snop  }
0x6: {  	_ = 	snop  }
0x7: {  	_ = 	snop  }
__scs_overlays_trampoline_lowered:
0x8: {  	[smem:$0x3FAA] =	sst s0  }
0x9: {  	[smem:$0x3FAB] =	sst s1  }
0xa: {  	[smem:$0x3FAC] =	sst s2  }
0xb: {  	[smem:$0x3FAD] =	sst s3  }
0xc: {  	[smem:$0x3FAE] =	sst s4  }
0xd: {  	[smem:$0x3FAF] =	sst s5  }
0xe: {  	[smem:$0x3FB0] =	sst s6  }
0xf: {  	[smem:$0x3FB1] =	sst s7  }
0x10: {  	[smem:$0x3FB2] =	sst s8  }
0x11: {  	[smem:$0x3FB3] =	sst s9;
	s0 =	simm.s32 @!p0 $0x0  }
0x12: {  	s1 =	sld [smem:$0x3F99];
	s0 =	simm.s32 @p0 $0x1  }
0x13: {  	[smem:$0x3FB4] =	sst s0;
	s0 =	simm.s32 @!p1 $0x0  }
0x14: {  	s2 =	sld [smem:$0x3F98];
	s0 =	simm.s32 @p1 $0x1  }
0x15: {  	[smem:$0x3FB5] =	sst s0;
	s0 =	simm.s32 @!p2 $0x0  }
0x16: {  	s3 =	sld [smem:$0x3FDB];
	s0 =	simm.s32 @p2 $0x1  }
0x17: {  	s4 =	simm.s32 $0x1BF5;
	[smem:$0x3FB7] =	sst s0  }
0x18: {  	s0 =	sld [smem:$0x3F9A];
	_ =	swait.ge [sflag:s4], $0x0  }
0x19: {  	s7 =	sld [smem:$0x3F9B]  }
0x1a: {  	s8 =	sadd.s32 $0xFFFFE003, lr  }
0x1b: {  	s9 =	sadd.s32 $0xFFFFFEF7, lr;
	s5 =	simm.s32 $0xFFFFFFFF;
	p2 =	slt.u32 s8, $0xFFFFF086  }
0x1c: {  	p1 =	slt.u32 s9, $0xF7A;
	s5 =	simm.s32 @!p2 $0x0  }
0x1d: {  	s5 =	simm.s32 @p1 $0x1;
	p0 =	seq.s32 s7, s2  }
0x1e: {  	s7 =	smul.u32 @!p0 $0xF7A, s2;
	p2 =	seq.s32 @!p0 s5, $0x0  }
0x1f: {  	s9 =	smul.u32 $0xF7A, s1;
	s8 =	simm.s32 @!p0 $0x1BF5;
	p2 =	por !p2, p0  }
0x20: {  	[sflag:s8] =	ssyncset.s32 @!p0 $0xFFFFF086;
	s6 =	sadd.s32 @!p0 s3, s7;
	s7 =	simm.s32 @!p0 $0x108  }
0x21: {  	s3 =	sadd.s32 s3, s9;
	s6 =	sadd.s32 @!p0 $0x88, s6;
	s7 =	simm.s32 @p2 $0x1082  }
0x22: {  	[simem:s7], [sflag:s8] =	dma.local @!p0 [hbm:s6], $0xF7A  }
0x23: {  	s9 =	sor.u32 $0xD0000000, s2;
	s6 =	simm.s32 $0x108;
	_ =	swait.ge @!p0 [sflag:s8], $0x0  }
0x24: {  	s3 =	sadd.s32 $0x88, s3;
	s6 =	simm.s32 @!p1 $0x1082;
	[sflag:s4] =	ssyncset.s32 $0xFFFFF086  }
0x25: {  	[simem:s6], [sflag:s4] =	dma.local [hbm:s3], $0xF7A  }
0x26: {  	[smem:$0x3F9B] =	sst s1;
	(tag) =	ssettag s2;
	_ =	strace s9  }
0x27: {  	s1 =	sld [smem:$0x3FAB]  }
0x28: {  	s2 =	sld [smem:$0x3FAC]  }
0x29: {  	s4 =	sld [smem:$0x3FAE]  }
0x2a: {  	p0 =	seq.s32 s5, $0x0;
	s5 =	sld [smem:$0x3FAF]  }
0x2b: {  	s6 =	sld [smem:$0x3FB0]  }
0x2c: {  	s7 =	sld [smem:$0x3FB1]  }
0x2d: {  	s3 =	simm.s32 $0x108;
	s8 =	sld [smem:$0x3FB2]  }
0x2e: {  	s3 =	simm.s32 @!p0 $0x1082;
	s9 =	sld [smem:$0x3FB3]  }
0x2f: {  	lr =	sadd.s32 s0, s3;
	s0 =	sld [smem:$0x3FAA]  }
0x30: {  	s3 =	sld [smem:$0x3FAD]  }
0x31: {  	[smem:$0x3FB6] =	sst s10  }
0x32: {  	s10 =	sld [smem:$0x3FB4];
	_ =	sdelay $0x3  }
0x33: {  	p0 =	seq.s32 s10, $0x1;
	s10 =	sld [smem:$0x3FB6];
	_ =	sdelay $0x3  }
0x34: {  	[smem:$0x3FB6] =	sst s10  }
0x35: {  	s10 =	sld [smem:$0x3FB5];
	_ =	sdelay $0x3  }
0x36: {  	p1 =	seq.s32 s10, $0x1;
	s10 =	sld [smem:$0x3FB6];
	_ =	sdelay $0x3  }
0x37: {  	[smem:$0x3FB6] =	sst s10  }
0x38: {  	s10 =	sld [smem:$0x3FB7]  }
0x39: {  	_ = 	snop;
	(pc) =	sbr.ind lr, $3  }
0x3a: {  	_ = 	snop  }
0x3b: {  	_ = 	snop  }
0x3c: {  	p2 =	seq.s32 s10, $0x1;
	s10 =	sld [smem:$0x3FB6]  }
0x3d: {  	_ =	shalt  }
0x3e: {  	_ =	shalt  }
0x3f: {  	_ =	shalt  }
0x40: {  	_ =	shalt  }
0x41: {  	_ =	shalt  }
0x42: {  	_ =	shalt  }
0x43: {  	_ =	shalt  }
0x44: {  	_ =	shalt  }
0x45: {  	_ =	shalt  }
0x46: {  	_ =	shalt  }
0x47: {  	_ =	shalt  }
0x48: {  	_ =	shalt  }
0x49: {  	_ =	shalt  }
0x4a: {  	_ =	shalt  }
0x4b: {  	_ =	shalt  }
0x4c: {  	_ =	shalt  }
0x4d: {  	_ =	shalt  }
0x4e: {  	_ =	shalt  }
0x4f: {  	_ =	shalt  }
0x50: {  	_ =	shalt  }
0x51: {  	_ =	shalt  }
0x52: {  	_ =	shalt  }
0x53: {  	_ =	shalt  }
0x54: {  	_ =	shalt  }
0x55: {  	_ =	shalt  }
0x56: {  	_ =	shalt  }
0x57: {  	_ =	shalt  }
0x58: {  	_ =	shalt  }
0x59: {  	_ =	shalt  }
0x5a: {  	_ =	shalt  }
0x5b: {  	_ =	shalt  }
0x5c: {  	_ =	shalt  }
0x5d: {  	_ =	shalt  }
0x5e: {  	_ =	shalt  }
0x5f: {  	_ =	shalt  }
0x60: {  	_ =	shalt  }
0x61: {  	_ =	shalt  }
0x62: {  	_ =	shalt  }
0x63: {  	_ =	shalt  }
0x64: {  	_ =	shalt  }
0x65: {  	_ =	shalt  }
0x66: {  	_ =	shalt  }
0x67: {  	_ =	shalt  }
0x68: {  	_ =	shalt  }
0x69: {  	_ =	shalt  }
0x6a: {  	_ =	shalt  }
0x6b: {  	_ =	shalt  }
0x6c: {  	_ =	shalt  }
0x6d: {  	_ =	shalt  }
0x6e: {  	_ =	shalt  }
0x6f: {  	_ =	shalt  }
0x70: {  	_ =	shalt  }
0x71: {  	_ =	shalt  }
0x72: {  	_ =	shalt  }
0x73: {  	_ =	shalt  }
0x74: {  	_ =	shalt  }
0x75: {  	_ =	shalt  }
0x76: {  	_ =	shalt  }
0x77: {  	_ =	shalt  }
0x78: {  	_ =	shalt  }
0x79: {  	_ =	shalt  }
0x7a: {  	_ =	shalt  }
0x7b: {  	_ =	shalt  }
0x7c: {  	_ =	shalt  }
0x7d: {  	_ =	shalt  }
0x7e: {  	_ =	shalt  }
0x7f: {  	_ =	shalt  }
0x80: {  	_ =	shalt  }
0x81: {  	_ =	shalt  }
0x82: {  	_ =	shalt  }
0x83: {  	_ =	shalt  }
0x84: {  	_ =	shalt  }
0x85: {  	_ =	shalt  }
0x86: {  	_ =	shalt  }
0x87: {  	_ =	shalt  }
.Lfunc_end0:
.L_simem_size_0:
called_computation.2_lowered:
.L_overlay_start_0:
0x88: {  	s2 =	sld [smem:$0x3FD9]  }
0x89: {  	s3 =	sld [smem:$0x3FFE];
	_ =	sdelay $0x1  }
0x8a: {  	s1 =	srdreg.scid  }
0x8b: {  	s0 =	sand.u32 $0x1, s1  }
0x8c: {  	s17 =	sshll.u32 s0, $0xA;
	s2 =	sadd.s32 s3, s2  }
0x8d: {  	s2 =	sadd.s32 s2, s17  }
0x8e: {  	[smem:$0x3FC2] =	sst s2  }
0x8f: {  	_ = 	snop  }
0x90: {  	(tm) =	ssettm $0x1  }
0x91: {  	s18 =	sld [smem:$0x3FFB];
	_ =	sdelay $0x3  }
0x92: {  	_ =	strace s18  }
0x93: {  	s2 =	sld [smem:$0x3FFC];
	_ =	sdelay $0x3  }
0x94: {  	_ =	strace s2  }
0x95: {  	s2 =	sld [smem:$0x3FFD];
	_ =	sdelay $0x3  }
0x96: {  	_ =	strace s2  }
0x97: {  	_ =	strace $0x8FFFFFFF  }
0x98: {  	s19 =	sld [smem:$0x3FDB];
	_ =	sdelay $0x1  }
0x99: {  	s20 =	simm.s32 $_scs_section_size  }
0x9a: {  	s4 =	simm.s32 $_size__tile_overlayer_lowered;
	s5 =	simm.s32 $_tile_overlayer_lowered  }
0x9b: {  	s6 =	simm.s32 $0x1BFF;
	s21 =	sshll.u32 s5, $0x1;
	s3 =	sadd.s32 s20, s19  }
0x9c: {  	s22 =	simm.s32 $0x0;
	s4 =	sshll.u32 s4, $0x1;
	s5 =	sadd.s32 s21, s3  }
0x9d: {  	[timem:s22], [sflag:s6] =	dma.local [hbm:s5], s4  }
0x9e: {  	_ =	swait.ge [sflag:s6], s4  }
0x9f: {  	s4 =	ssub.s32 $0x0, s4;
	[sflag:s6] =	ssyncset.done $0x0  }
0xa0: {  	[sflag:s6] =	ssyncadd.s32 s4;
	_ =	sdelay $0x1  }
0xa1: {  	s23 =	simm.s32 $0x1B8B  }
0xa2: {  	_ =	swait.ge [sflag:s23], $0x1  }
0xa3: {  	[sflag:s23] =	ssyncset.done $0x0  }
0xa4: {  	[sflag:s23] =	ssyncadd.s32 $0xFFFFFFFF  }
0xa5: {  	s4 =	sld [smem:$0x0]  }
0xa6: {  	s5 =	sand.u32 $0xFFFFFFFE, s1  }
0xa7: {  	p0 =	sne.s32 s1, s5  }
0xa8: {  	s5 =	sshll.u32 @p0 s5, $0xE  }
0xa9: {  	s5 =	sadd.s32 @p0 $0x11B8D, s5;
	s6 =	sshll.u32 @p0 s4, $0x11  }
0xaa: {  	s5 =	sor.u32 @p0 s6, s5  }
0xab: {  	[sflag:s5] =	ssyncadd.remote.s32 @p0 $0x1;
	_ =	sdelay $0x1  }
0xac: {  	s5 =	simm.s32 @p0 $0x1B8D  }
0xad: {  	_ =	swait.eq @p0 [sflag:s5], $0x1  }
0xae: {  	[sflag:s5] =	ssyncadd.s32 @p0 $0xFFFFFFFF  }
0xaf: {  	s6 =	sshll.u32 @!p0 s1, $0xE  }
0xb0: {  	s6 =	sor.u32 @!p0 $0x4000, s6;
	s5 =	simm.s32 @!p0 $0x1B8D  }
0xb1: {  	s4 =	sshll.u32 @!p0 s4, $0x11;
	s6 =	sadd.s32 @!p0 $0x11B8D, s6;
	_ =	swait.eq @!p0 [sflag:s5], $0x1  }
0xb2: {  	s4 =	sor.u32 @!p0 s4, s6;
	[sflag:s5] =	ssyncadd.s32 @!p0 $0xFFFFFFFF  }
0xb3: {  	s25 =	simm.s32 $0x1B8E;
	s24 =	sld [smem:$0x3FFE];
	[sflag:s4] =	ssyncadd.remote.s32 @!p0 $0x1  }
0xb4: {  	s26 =	simm.s32 $execute0_lowered;
	[smem:$0x3FD2] =	sst s25  }
0xb5: {  	s5 =	sshll.u32 s26, $0x1;
	_ =	strace $0x8000004F;
	[dreg:$0x1] =	wrdreg $0xFFFFFFFF  }
0xb6: {  	s28 =	simm.s32 $_size_execute0_lowered;
	s3 =	sadd.s32 s3, s5;
	[dreg:$0x0] =	wrdreg $0x0  }
0xb7: {  	s5 =	sshll.u32 s28, $0x1;
	[dreg:$0x2] =	wrdreg s3  }
0xb8: {  	[dreg:$0x3] =	wrdreg s5  }
0xb9: {  	[dreg:$0x4] =	wrdreg $0xC0  }
0xba: {  	_ =	task [dreg:s22], $0x5FFFF  }
0xbb: {  	[dreg:$0x1] =	wrdreg $0xFFFFFFFF  }
0xbc: {  	[dreg:$0x0] =	wrdreg $0x60  }
0xbd: {  	[dreg:$0x2] =	wrdreg s24  }
0xbe: {  	[dreg:$0x3] =	wrdreg $0x8F000  }
0xbf: {  	[dreg:$0x4] =	wrdreg $0x9  }
0xc0: {  	_ =	task.clear_ibuf [dreg:s22], $0x5FFFF;
	_ =	strace $0x9000004F  }
0xc1: {  	s29 =	simm.s32 $0x9;
	_ =	strace $0x80000051  }
0xc2: {  	_ =	swait.ge [sflag:s29], $0x1  }
0xc3: {  	[sflag:s29] =	ssyncadd.s32 $0xFFFFFFFF  }
0xc4: {  	_ =	strace $0x90000051  }
0xc5: {  	_ =	sfence  }
0xc6: {  	s30 =	sld [smem:$0x0];
	_ =	sdelay $0x2  }
0xc7: {  	s31 =	sshll.u32 s1, $0xD;
	s1 =	sshrl.u32 s1, $0x2  }
0xc8: {  	s4 =	sand.u32 $0x4000, s31;
	s1 =	sadd.s32 s1, s30  }
0xc9: {  	s0 =	sor.u32 s4, s0;
	s1 =	sshll.u32 s1, $0x11  }
0xca: {  	s0 =	sor.u32 s1, s0  }
0xcb: {  	s0 =	sadd.s32 $0x8F2B, s0  }
0xcc: {  	[sflag:s0] =	ssyncadd.remote.s32 $0x1  }
0xcd: {  	_ =	sfence.sel $0xFFFF  }
0xce: {  	[dreg:$0x0] =	wrdreg $0xFFFFFFFF;
	(pc) =	sbr.abs _section_cstart, $3  }
0xcf: {  	[dreg:$0x1] =	wrdreg $0xFFFFFFFF  }
0xd0: {  	_ =	task.clear_ibuf [dreg:s22], $0x2FFFF;
	_ =	strace $0x9FFFFFFF  }
0xd1: {  	(tm) =	ssettm $0x7FFFFFFF  }
tec
execute0_lowered:
.L_overlay_start_1:
0x0: {  	(tag) =	ssettag $0x1  }
0x1: {  	s5 =	rddreg [dreg:$0x0]  }
0x2: {  	s2 =	rddreg [dreg:$0x1];
	s3 =	srdreg.scid  }
0x3: {  	s0 =	rddreg [dreg:$0x2];
	s1 =	stileid.u32;
	s14 =	simm.s32 $0x3  }
0x4: {  	s15 =	simm.s32 $0x2780;
	s16 =	simm.s32 $0x4F00;
	s17 =	simm.s32 $0x80  }
0x5: {  	s18 =	simm.s32 $0x1;
	s19 =	simm.s32 $0x6F00;
	s20 =	simm.s32 $0x2  }
0x6: {  	s21 =	simm.s32 $0x4E80;
	s23 =	simm.s32 $0x0;
	s7 =	smul.u32 $0xA000, s1  }
0x7: {  	s6 =	sand.u32 $0x1, s3;
	s3 =	simm.s32 $0x0;
	s10 =	smul.u32 $0x28000, s1  }
0x8: {  	s22 =	sshll.u32 s1, $0x6;
	s4 =	sshll.u32 s6, $0x4;
	[smem:$0x7FF] =	sst s3  }
0x9: {  	s9 =	smul.u32 $0xA0000, s6;
	s6 =	ssub.s32 $0x2, s6;
	s22 =	sor.u32 $0x1C03, s22  }
0xa: {  	s8 =	sor.u32 s1, s4;
	_ =	strace $0x80000050;
	s4 =	sadd.s32 $0xB6400, s5  }
0xb: {  	s11 =	sshrl.u32 s6, $0x1;
	s30 =	sshrl.u32 s10, $0x2;
	s8 =	smul.u32 $0x4F0, s8  }
0xc: {  	s9 =	sadd.s32 s7, s9;
	s13 =	ssub.s32 s6, s11;
	s31 =	sadd.s32 s30, s2  }
0xd: {  	s7 =	sadd.s32 s7, s2;
	s9 =	sshrl.u32 s9, $0x3;
	s10 =	sadd.s32 $0x6000, s31  }
0xe: {  	s11 =	sadd.s32 $0x8000, s31;
	s13 =	smax.u32 s13, $0x1;
	s8 =	sadd.s32 s8, s5  }
0xf: {  	s12 =	sadd.s32 s9, s5;
	s9 =	sadd.s32 $0x4000, s31;
	s5 =	sadd.s32 $0xC600, s8  }
0x10: {  	v0 =	vimm.f32 $0.0e+00;
	s6 =	sadd.s32 $0x2800, s8;
	s8 =	sadd.s32 $0x2000, s31;
	s12 =	sadd.s32 $0xCA400, s12  }
.LBB2_1:
0x11: {  	[tilespmem:s3], [sflag:$0x3] =	stream.linear.gather [hbm4b:s5+s3], $0x2780, $0x38;
	[tilespmem:$0x12F00] =	vst v63  }
0x12: {  	_ =	swait.ge [sflag:s14], $0x2780  }
0x13: {  	[sflag:s14] =	ssyncset.done $0x0  }
0x14: {  	[sflag:s14] =	ssyncadd.s32 $0xFFFFD880  }
0x15: {  	[tilespmem:s15], [sflag:$0x3] =	stream.linear.gather [hbm4b:s6+s3], $0x2780, $0x38;
	[tilespmem:$0x12F00] =	vst v63  }
0x16: {  	_ =	swait.ge [sflag:s14], $0x2780  }
0x17: {  	[sflag:s14] =	ssyncset.done $0x0  }
0x18: {  	s25 =	simm.s32 $0x100;
	s24 =	simm.s32 $0x0;
	[sflag:s14] =	ssyncadd.s32 $0xFFFFD880  }
.LBB2_2:
0x19: {  	p0 =	sne.s32 s25, $0x7F00;
	[tilespmem:s24+$0x4F30] =	vst v0;
	s26 =	smov.u32 s25;
	s25 =	sadd.s32 $0x100, s25  }
.Ltmp0:
0x1a: {  	[tilespmem:s24+$0x4F20] =	vst v0;
	(pc) =	sbr.rel @p0 .LBB2_2-.Ltmp0, $3  }
0x1b: {  	[tilespmem:s24+$0x4F00] =	vst v0  }
0x1c: {  	[tilespmem:s24+$0x4F10] =	vst v0;
	_ =	sdelay $0x1  }
0x1d: {  	s24 =	sshra.s32 s26, $0x2  }
0x1e: {  	[tilespmem:s24+$0x4F30] =	vst v0  }
0x1f: {  	[tilespmem:s24+$0x4F20] =	vst v0  }
0x20: {  	[tilespmem:s24+$0x4F00] =	vst v0  }
0x21: {  	[tilespmem:s24+$0x4F10] =	vst v0  }
0x22: {  	[spmem:s7] =	stream.linear.scatter [tilespmem:s16], [sflag:$0x3], $0x2000, $0x38;
	[tilespmem:$0x12F00] =	vst v63  }
0x23: {  	_ =	swait.ge [sflag:s14], $0x2000  }
0x24: {  	[sflag:s14] =	ssyncset.done $0x0  }
0x25: {  	[sflag:s14] =	ssyncadd.s32 $0xFFFFE000  }
0x26: {  	[spmem:s8] =	stream.linear.scatter [tilespmem:s16], [sflag:$0x3], $0x2000, $0x38;
	[tilespmem:$0x12F00] =	vst v63  }
0x27: {  	_ =	swait.ge [sflag:s14], $0x2000  }
0x28: {  	[sflag:s14] =	ssyncset.done $0x0  }
0x29: {  	[sflag:s14] =	ssyncadd.s32 $0xFFFFE000  }
0x2a: {  	[spmem:s9] =	stream.linear.scatter [tilespmem:s16], [sflag:$0x3], $0x2000, $0x38;
	[tilespmem:$0x12F00] =	vst v63  }
0x2b: {  	_ =	swait.ge [sflag:s14], $0x2000  }
0x2c: {  	[sflag:s14] =	ssyncset.done $0x0  }
0x2d: {  	[sflag:s14] =	ssyncadd.s32 $0xFFFFE000  }
0x2e: {  	[spmem:s10] =	stream.linear.scatter [tilespmem:s16], [sflag:$0x3], $0x2000, $0x38;
	[tilespmem:$0x12F00] =	vst v63  }
0x2f: {  	_ =	swait.ge [sflag:s14], $0x2000  }
0x30: {  	[sflag:s14] =	ssyncset.done $0x0  }
0x31: {  	[sflag:s14] =	ssyncadd.s32 $0xFFFFE000  }
0x32: {  	[spmem:s11] =	stream.linear.scatter [tilespmem:s16], [sflag:$0x3], $0x2000, $0x38;
	[tilespmem:$0x12F00] =	vst v63  }
0x33: {  	_ =	swait.ge [sflag:s14], $0x2000  }
0x34: {  	[sflag:s14] =	ssyncset.done $0x0  }
0x35: {  	[sflag:s14] =	ssyncadd.s32 $0xFFFFE000  }
0x36: {  	s26 =	simm.s32 $0x0;
	[bflag:$0x0] =	sbarrier.arrive $0xFFFF  }
0x37: {  	[tilespmem:s16], [sflag:$0x1] =	stream.indirect.gather [hbm4b:s4+s17], $0x40, s26, s17, $0xb8;
	[tilespmem:$0x12F00] =	vst v63  }
0x38: {  	_ =	swait.ge [sflag:s18], $0x2000  }
0x39: {  	[sflag:s18] =	ssyncset.done $0x0  }
0x3a: {  	s28 =	simm.s32 $0x80;
	[sflag:s18] =	ssyncadd.s32 $0xFFFFE000  }
0x3b: {  	[tilespmem:s19], [sflag:$0x2] =	stream.indirect.gather [hbm4b:s4+s17], $0x40, s28, s17, $0xb8;
	[tilespmem:$0x12F00] =	vst v63  }
0x3c: {  	s29 =	simm.s32 $0x2780  }
0x3d: {  	[spmem:s2] =	stream.indirect.scatter.add.f32 [tilespmem:s16], [sflag:$0x3], $0x40, s29, s17, $0xb8;
	[tilespmem:$0x12F00] =	vst v63  }
0x3e: {  	_ =	swait.ge [sflag:s14], $0x2000  }
0x3f: {  	[sflag:s14] =	ssyncset.done $0x0  }
0x40: {  	[sflag:s14] =	ssyncadd.s32 $0xFFFFE000  }
0x41: {  	_ =	swait.ge [sflag:s20], $0x2000  }
0x42: {  	[sflag:s20] =	ssyncset.done $0x0  }
0x43: {  	s30 =	simm.s32 $0x100;
	[sflag:s20] =	ssyncadd.s32 $0xFFFFE000  }
0x44: {  	[tilespmem:s16], [sflag:$0x1] =	stream.indirect.gather [hbm4b:s4+s17], $0x40, s30, s17, $0xb8;
	[tilespmem:$0x12F00] =	vst v63  }
0x45: {  	s31 =	simm.s32 $0x2800  }
0x46: {  	[spmem:s2] =	stream.indirect.scatter.add.f32 [tilespmem:s19], [sflag:$0x3], $0x40, s31, s17, $0xb8;
	[tilespmem:$0x12F00] =	vst v63  }
0x47: {  	_ =	swait.ge [sflag:s14], $0x2000  }
0x48: {  	s24 =	simm.s32 $0x400;
	[sflag:s14] =	ssyncset.done $0x0  }
.LBB2_4:
0x49: {  	p0 =	sne.s32 s24, $0x9800  }
0x4a: {  	[sflag:s14] =	ssyncadd.s32 $0xFFFFE000;
	s25 =	smov.u32 s24;
	s24 =	sadd.s32 $0x400, s24  }
0x4b: {  	_ = 	snop  }
0x4c: {  	_ =	swait.ge [sflag:s18], $0x2000  }
0x4d: {  	s25 =	sshra.s32 s25, $0x2;
	[sflag:s18] =	ssyncset.done $0x0  }
0x4e: {  	s26 =	sadd.s32 $0x80, s25;
	[sflag:s18] =	ssyncadd.s32 $0xFFFFE000  }
0x4f: {  	[tilespmem:s19], [sflag:$0x2] =	stream.indirect.gather [hbm4b:s4+s17], $0x40, s26, s17, $0xb8;
	[tilespmem:$0x12F00] =	vst v63  }
0x50: {  	s26 =	sadd.s32 $0x2780, s25  }
0x51: {  	[spmem:s2] =	stream.indirect.scatter.add.f32 [tilespmem:s16], [sflag:$0x3], $0x40, s26, s17, $0xb8;
	[tilespmem:$0x12F00] =	vst v63  }
0x52: {  	_ =	swait.ge [sflag:s14], $0x2000  }
0x53: {  	[sflag:s14] =	ssyncset.done $0x0  }
0x54: {  	[sflag:s14] =	ssyncadd.s32 $0xFFFFE000  }
0x55: {  	_ =	swait.ge [sflag:s20], $0x2000  }
0x56: {  	[sflag:s20] =	ssyncset.done $0x0  }
0x57: {  	s26 =	sadd.s32 $0x100, s25;
	[sflag:s20] =	ssyncadd.s32 $0xFFFFE000  }
0x58: {  	[tilespmem:s16], [sflag:$0x1] =	stream.indirect.gather [hbm4b:s4+s17], $0x40, s26, s17, $0xb8;
	[tilespmem:$0x12F00] =	vst v63  }
.Ltmp1:
0x59: {  	_ = 	snop;
	(pc) =	sbr.rel @p0 .LBB2_4-.Ltmp1, $4  }
0x5a: {  	s25 =	sadd.s32 $0x2800, s25  }
0x5b: {  	[spmem:s2] =	stream.indirect.scatter.add.f32 [tilespmem:s19], [sflag:$0x3], $0x40, s25, s17, $0xb8;
	[tilespmem:$0x12F00] =	vst v63  }
0x5c: {  	_ =	swait.ge [sflag:s14], $0x2000  }
0x5d: {  	[sflag:s14] =	ssyncset.done $0x0  }
0x5e: {  	[sflag:s14] =	ssyncadd.s32 $0xFFFFE000  }
0x5f: {  	_ =	swait.ge [sflag:s18], $0x2000  }
0x60: {  	[sflag:s18] =	ssyncset.done $0x0  }
0x61: {  	[sflag:s18] =	ssyncadd.s32 $0xFFFFE000  }
0x62: {  	[spmem:s2] =	stream.indirect.scatter.add.f32 [tilespmem:s16], [sflag:$0x3], $0x40, s21, s17, $0xb8;
	[tilespmem:$0x12F00] =	vst v63  }
0x63: {  	_ =	swait.ge [sflag:s14], $0x2000  }
0x64: {  	s23 =	sadd.s32 $0x1, s23;
	[sflag:s14] =	ssyncset.done $0x0  }
0x65: {  	p0 =	sne.s32 s23, s13;
	[sflag:s14] =	ssyncadd.s32 $0xFFFFE000  }
.Ltmp2:
0x66: {  	s24 =	sshrl.u32 s7, $0x3;
	[bflag:$0x0] =	sbarrier.arrive $0xFFFF;
	(pc) =	sbr.rel @p0 .LBB2_1-.Ltmp2, $4  }
0x67: {  	[hbm:s12], [sflag:s22] =	dma.local [spmem:s24], $0x1400  }
0x68: {  	_ =	swait.ge [sflag:s14], $0x1400  }
0x69: {  	[sflag:s14] =	ssyncset.done $0x0  }
0x6a: {  	[sflag:s14] =	ssyncadd.s32 $0xFFFFEC00  }
0x6b: {  	_ =	sfence.sel $0x180000  }
0x6c: {  	[bflag:$0x0] =	sbarrier.arrive $0xFFFF  }
0x6d: {  	p0 =	sne.s32 s1, $0x0;
	_ =	strace $0x90000050  }
0x6e: {  	s0 =	sadd.s32 @!p0 $0x100000, s0;
	[bflag:$0x2] =	sbarrier.arrive $0xFFFF  }
0x6f: {  	[sflag:s0] =	ssyncadd.tile.s32 @!p0 $0x1;
	_ =	shalt  }
.Lfunc_end2:
_tile_overlayer_lowered:
.L_overlay_start_2:
0x70: {  	(tag) =	ssettag $0x2  }
0x71: {  	s0 =	rddreg [dreg:$0x0];
	s2 =	stileid.u32  }
0x72: {  	s1 =	rddreg [dreg:$0x1];
	p0 =	sne.s32 s2, $0x0  }
0x73: {  	s3 =	rddreg [dreg:$0x2];
	[bflag:$0x3] =	sbarrier.arrive $0xFFFF;
	s2 =	simm.s32 @!p0 $0x1C03  }
0x74: {  	[timem:s3], [sflag:s2] =	dma.local @!p0 [hbm:s0], s1  }
0x75: {  	s0 =	simm.s32 @!p0 $0x3  }
0x76: {  	_ =	swait.ge @!p0 [sflag:s0], s1  }
0x77: {  	s1 =	ssub.s32 @!p0 $0x0, s1;
	[sflag:s0] =	ssyncset.done @!p0 $0x0  }
0x78: {  	[sflag:s0] =	ssyncadd.s32 @!p0 s1  }
0x79: {  	[bflag:$0x3] =	sbarrier.arrive $0xFFFF  }
0x7a: {  	_ =	shalt  }

// kernel: kernel.18.cloned.1.call-start
scs
__scs_entry_jumppad:
0x0: {  	(pc) =	sbr.rel $0x88, $3  }
0x1: {  	(tag) =	ssettag $0x0;
	lr =	simm.s32 $0x1  }
0x2: {  	[smem:$0x3F9B] =	sst lr;
	_ =	strace $0xD0000000  }
0x3: {  	_ = 	snop  }
0x4: {  	_ = 	snop  }
0x5: {  	_ = 	snop  }
0x6: {  	_ = 	snop  }
0x7: {  	_ = 	snop  }
__scs_overlays_trampoline_lowered:
0x8: {  	[smem:$0x3FAA] =	sst s0  }
0x9: {  	[smem:$0x3FAB] =	sst s1  }
0xa: {  	[smem:$0x3FAC] =	sst s2  }
0xb: {  	[smem:$0x3FAD] =	sst s3  }
0xc: {  	[smem:$0x3FAE] =	sst s4  }
0xd: {  	[smem:$0x3FAF] =	sst s5  }
0xe: {  	[smem:$0x3FB0] =	sst s6  }
0xf: {  	[smem:$0x3FB1] =	sst s7  }
0x10: {  	[smem:$0x3FB2] =	sst s8  }
0x11: {  	[smem:$0x3FB3] =	sst s9;
	s0 =	simm.s32 @!p0 $0x0  }
0x12: {  	s1 =	sld [smem:$0x3F99];
	s0 =	simm.s32 @p0 $0x1  }
0x13: {  	[smem:$0x3FB4] =	sst s0;
	s0 =	simm.s32 @!p1 $0x0  }
0x14: {  	s2 =	sld [smem:$0x3F98];
	s0 =	simm.s32 @p1 $0x1  }
0x15: {  	[smem:$0x3FB5] =	sst s0;
	s0 =	simm.s32 @!p2 $0x0  }
0x16: {  	s3 =	sld [smem:$0x3FDB];
	s0 =	simm.s32 @p2 $0x1  }
0x17: {  	s4 =	simm.s32 $0x1BF5;
	[smem:$0x3FB7] =	sst s0  }
0x18: {  	s0 =	sld [smem:$0x3F9A];
	_ =	swait.ge [sflag:s4], $0x0  }
0x19: {  	s7 =	sld [smem:$0x3F9B]  }
0x1a: {  	s8 =	sadd.s32 $0xFFFFE003, lr  }
0x1b: {  	s9 =	sadd.s32 $0xFFFFFEF7, lr;
	s5 =	simm.s32 $0xFFFFFFFF;
	p2 =	slt.u32 s8, $0xFFFFF086  }
0x1c: {  	p1 =	slt.u32 s9, $0xF7A;
	s5 =	simm.s32 @!p2 $0x0  }
0x1d: {  	s5 =	simm.s32 @p1 $0x1;
	p0 =	seq.s32 s7, s2  }
0x1e: {  	s7 =	smul.u32 @!p0 $0xF7A, s2;
	p2 =	seq.s32 @!p0 s5, $0x0  }
0x1f: {  	s9 =	smul.u32 $0xF7A, s1;
	s8 =	simm.s32 @!p0 $0x1BF5;
	p2 =	por !p2, p0  }
0x20: {  	[sflag:s8] =	ssyncset.s32 @!p0 $0xFFFFF086;
	s6 =	sadd.s32 @!p0 s3, s7;
	s7 =	simm.s32 @!p0 $0x108  }
0x21: {  	s3 =	sadd.s32 s3, s9;
	s6 =	sadd.s32 @!p0 $0x88, s6;
	s7 =	simm.s32 @p2 $0x1082  }
0x22: {  	[simem:s7], [sflag:s8] =	dma.local @!p0 [hbm:s6], $0xF7A  }
0x23: {  	s9 =	sor.u32 $0xD0000000, s2;
	s6 =	simm.s32 $0x108;
	_ =	swait.ge @!p0 [sflag:s8], $0x0  }
0x24: {  	s3 =	sadd.s32 $0x88, s3;
	s6 =	simm.s32 @!p1 $0x1082;
	[sflag:s4] =	ssyncset.s32 $0xFFFFF086  }
0x25: {  	[simem:s6], [sflag:s4] =	dma.local [hbm:s3], $0xF7A  }
0x26: {  	[smem:$0x3F9B] =	sst s1;
	(tag) =	ssettag s2;
	_ =	strace s9  }
0x27: {  	s1 =	sld [smem:$0x3FAB]  }
0x28: {  	s2 =	sld [smem:$0x3FAC]  }
0x29: {  	s4 =	sld [smem:$0x3FAE]  }
0x2a: {  	p0 =	seq.s32 s5, $0x0;
	s5 =	sld [smem:$0x3FAF]  }
0x2b: {  	s6 =	sld [smem:$0x3FB0]  }
0x2c: {  	s7 =	sld [smem:$0x3FB1]  }
0x2d: {  	s3 =	simm.s32 $0x108;
	s8 =	sld [smem:$0x3FB2]  }
0x2e: {  	s3 =	simm.s32 @!p0 $0x1082;
	s9 =	sld [smem:$0x3FB3]  }
0x2f: {  	lr =	sadd.s32 s0, s3;
	s0 =	sld [smem:$0x3FAA]  }
0x30: {  	s3 =	sld [smem:$0x3FAD]  }
0x31: {  	[smem:$0x3FB6] =	sst s10  }
0x32: {  	s10 =	sld [smem:$0x3FB4];
	_ =	sdelay $0x3  }
0x33: {  	p0 =	seq.s32 s10, $0x1;
	s10 =	sld [smem:$0x3FB6];
	_ =	sdelay $0x3  }
0x34: {  	[smem:$0x3FB6] =	sst s10  }
0x35: {  	s10 =	sld [smem:$0x3FB5];
	_ =	sdelay $0x3  }
0x36: {  	p1 =	seq.s32 s10, $0x1;
	s10 =	sld [smem:$0x3FB6];
	_ =	sdelay $0x3  }
0x37: {  	[smem:$0x3FB6] =	sst s10  }
0x38: {  	s10 =	sld [smem:$0x3FB7]  }
0x39: {  	_ = 	snop;
	(pc) =	sbr.ind lr, $3  }
0x3a: {  	_ = 	snop  }
0x3b: {  	_ = 	snop  }
0x3c: {  	p2 =	seq.s32 s10, $0x1;
	s10 =	sld [smem:$0x3FB6]  }
0x3d: {  	_ =	shalt  }
0x3e: {  	_ =	shalt  }
0x3f: {  	_ =	shalt  }
0x40: {  	_ =	shalt  }
0x41: {  	_ =	shalt  }
0x42: {  	_ =	shalt  }
0x43: {  	_ =	shalt  }
0x44: {  	_ =	shalt  }
0x45: {  	_ =	shalt  }
0x46: {  	_ =	shalt  }
0x47: {  	_ =	shalt  }
0x48: {  	_ =	shalt  }
0x49: {  	_ =	shalt  }
0x4a: {  	_ =	shalt  }
0x4b: {  	_ =	shalt  }
0x4c: {  	_ =	shalt  }
0x4d: {  	_ =	shalt  }
0x4e: {  	_ =	shalt  }
0x4f: {  	_ =	shalt  }
0x50: {  	_ =	shalt  }
0x51: {  	_ =	shalt  }
0x52: {  	_ =	shalt  }
0x53: {  	_ =	shalt  }
0x54: {  	_ =	shalt  }
0x55: {  	_ =	shalt  }
0x56: {  	_ =	shalt  }
0x57: {  	_ =	shalt  }
0x58: {  	_ =	shalt  }
0x59: {  	_ =	shalt  }
0x5a: {  	_ =	shalt  }
0x5b: {  	_ =	shalt  }
0x5c: {  	_ =	shalt  }
0x5d: {  	_ =	shalt  }
0x5e: {  	_ =	shalt  }
0x5f: {  	_ =	shalt  }
0x60: {  	_ =	shalt  }
0x61: {  	_ =	shalt  }
0x62: {  	_ =	shalt  }
0x63: {  	_ =	shalt  }
0x64: {  	_ =	shalt  }
0x65: {  	_ =	shalt  }
0x66: {  	_ =	shalt  }
0x67: {  	_ =	shalt  }
0x68: {  	_ =	shalt  }
0x69: {  	_ =	shalt  }
0x6a: {  	_ =	shalt  }
0x6b: {  	_ =	shalt  }
0x6c: {  	_ =	shalt  }
0x6d: {  	_ =	shalt  }
0x6e: {  	_ =	shalt  }
0x6f: {  	_ =	shalt  }
0x70: {  	_ =	shalt  }
0x71: {  	_ =	shalt  }
0x72: {  	_ =	shalt  }
0x73: {  	_ =	shalt  }
0x74: {  	_ =	shalt  }
0x75: {  	_ =	shalt  }
0x76: {  	_ =	shalt  }
0x77: {  	_ =	shalt  }
0x78: {  	_ =	shalt  }
0x79: {  	_ =	shalt  }
0x7a: {  	_ =	shalt  }
0x7b: {  	_ =	shalt  }
0x7c: {  	_ =	shalt  }
0x7d: {  	_ =	shalt  }
0x7e: {  	_ =	shalt  }
0x7f: {  	_ =	shalt  }
0x80: {  	_ =	shalt  }
0x81: {  	_ =	shalt  }
0x82: {  	_ =	shalt  }
0x83: {  	_ =	shalt  }
0x84: {  	_ =	shalt  }
0x85: {  	_ =	shalt  }
0x86: {  	_ =	shalt  }
0x87: {  	_ =	shalt  }
.Lfunc_end0:
.L_simem_size_0:
called_computation.3_lowered:
.L_overlay_start_0:
0x88: {  	s2 =	sld [smem:$0x3FD9]  }
0x89: {  	s3 =	sld [smem:$0x3FFE];
	_ =	sdelay $0x1  }
0x8a: {  	s1 =	srdreg.scid  }
0x8b: {  	s0 =	sand.u32 $0x1, s1  }
0x8c: {  	s17 =	sshll.u32 s0, $0xA;
	s2 =	sadd.s32 s3, s2  }
0x8d: {  	s2 =	sadd.s32 s2, s17  }
0x8e: {  	[smem:$0x3FC2] =	sst s2  }
0x8f: {  	_ = 	snop  }
0x90: {  	s2 =	sld [smem:$0x3FD0];
	(tm) =	ssettm $0x1  }
0x91: {  	s18 =	sld [smem:$0x3FFB];
	_ =	sdelay $0x3  }
0x92: {  	_ =	strace s18  }
0x93: {  	s3 =	sld [smem:$0x3FFC];
	_ =	sdelay $0x3  }
0x94: {  	_ =	strace s3  }
0x95: {  	s3 =	sld [smem:$0x3FFD];
	_ =	sdelay $0x3  }
0x96: {  	_ =	strace s3  }
0x97: {  	_ =	strace $0x8FFFFFFF  }
0x98: {  	s19 =	sld [smem:$0x3FDB];
	_ =	sdelay $0x1  }
0x99: {  	s4 =	simm.s32 $_scs_section_size  }
0x9a: {  	s5 =	simm.s32 $_size__tile_overlayer_lowered;
	s6 =	simm.s32 $_tile_overlayer_lowered  }
0x9b: {  	s22 =	simm.s32 $0x1BFF;
	s21 =	sshll.u32 s6, $0x1;
	s3 =	sadd.s32 s4, s19  }
0x9c: {  	s7 =	simm.s32 $0x0;
	s20 =	sshll.u32 s5, $0x1;
	s5 =	sadd.s32 s21, s3  }
0x9d: {  	[timem:s7], [sflag:s22] =	dma.local [hbm:s5], s20  }
0x9e: {  	_ =	swait.ge [sflag:s22], s20  }
0x9f: {  	s4 =	ssub.s32 $0x0, s20;
	[sflag:s22] =	ssyncset.done $0x0  }
0xa0: {  	[sflag:s22] =	ssyncadd.s32 s4;
	_ =	sdelay $0x1  }
0xa1: {  	s23 =	simm.s32 $0x1B8B  }
0xa2: {  	_ =	swait.ge [sflag:s23], $0x1  }
0xa3: {  	[sflag:s23] =	ssyncset.done $0x0  }
0xa4: {  	s25 =	simm.s32 $0x1B8E;
	s24 =	sld [smem:$0x3FFE];
	[sflag:s23] =	ssyncadd.s32 $0xFFFFFFFF  }
0xa5: {  	s26 =	simm.s32 $execute0_lowered;
	[smem:$0x3FD2] =	sst s25  }
0xa6: {  	s5 =	sshll.u32 s26, $0x1;
	_ =	strace $0x8000004C;
	[dreg:$0x1] =	wrdreg $0xFFFFFFFF  }
0xa7: {  	s28 =	simm.s32 $_size_execute0_lowered;
	s3 =	sadd.s32 s3, s5;
	[dreg:$0x0] =	wrdreg $0x0  }
0xa8: {  	s5 =	sshll.u32 s28, $0x1;
	[dreg:$0x2] =	wrdreg s3  }
0xa9: {  	[dreg:$0x3] =	wrdreg s5  }
0xaa: {  	[dreg:$0x4] =	wrdreg $0xC0  }
0xab: {  	_ =	task [dreg:s7], $0x5FFFF  }
0xac: {  	[dreg:$0x1] =	wrdreg $0xFFFFFFFF  }
0xad: {  	[dreg:$0x0] =	wrdreg $0x60  }
0xae: {  	[dreg:$0x2] =	wrdreg s2  }
0xaf: {  	[dreg:$0x3] =	wrdreg s24  }
0xb0: {  	[dreg:$0x4] =	wrdreg $0x8F000  }
0xb1: {  	[dreg:$0x5] =	wrdreg $0xA  }
0xb2: {  	_ =	task.clear_ibuf [dreg:s7], $0x6FFFF;
	_ =	strace $0x9000004C  }
0xb3: {  	s29 =	simm.s32 $0xA;
	_ =	strace $0x8000004E  }
0xb4: {  	_ =	swait.ge [sflag:s29], $0x1  }
0xb5: {  	[sflag:s29] =	ssyncadd.s32 $0xFFFFFFFF  }
0xb6: {  	_ =	strace $0x9000004E  }
0xb7: {  	_ =	sfence  }
0xb8: {  	s30 =	sld [smem:$0x0];
	_ =	sdelay $0x2  }
0xb9: {  	s31 =	sshll.u32 s1, $0xD;
	s1 =	sshrl.u32 s1, $0x2  }
0xba: {  	s3 =	sand.u32 $0x4000, s31;
	s1 =	sadd.s32 s1, s30  }
0xbb: {  	s0 =	sor.u32 s3, s0;
	s1 =	sshll.u32 s1, $0x11  }
0xbc: {  	s0 =	sor.u32 s1, s0  }
0xbd: {  	s0 =	sadd.s32 $0x8F2B, s0  }
0xbe: {  	[sflag:s0] =	ssyncadd.remote.s32 $0x1  }
0xbf: {  	_ =	sfence.sel $0xFFFF  }
0xc0: {  	[dreg:$0x0] =	wrdreg $0xFFFFFFFF;
	(pc) =	sbr.abs _section_cstart, $3  }
0xc1: {  	[dreg:$0x1] =	wrdreg $0xFFFFFFFF  }
0xc2: {  	_ =	task.clear_ibuf [dreg:s7], $0x2FFFF;
	_ =	strace $0x9FFFFFFF  }
0xc3: {  	(tm) =	ssettm $0x7FFFFFFF  }
tec
execute0_lowered:
.L_overlay_start_1:
0x0: {  	(tag) =	ssettag $0x1  }
0x1: {  	s1 =	rddreg [dreg:$0x0]  }
0x2: {  	s5 =	rddreg [dreg:$0x1]  }
0x3: {  	s3 =	rddreg [dreg:$0x2];
	s4 =	srdreg.scid  }
0x4: {  	s0 =	rddreg [dreg:$0x3];
	s2 =	stileid.u32  }
0x5: {  	s14 =	simm.s32 $0x3;
	s15 =	simm.s32 $0x2780;
	s16 =	simm.s32 $0x4F00  }
0x6: {  	s17 =	simm.s32 $0x80;
	s18 =	simm.s32 $0x1;
	s19 =	simm.s32 $0x6F00  }
0x7: {  	s20 =	simm.s32 $0x2;
	s21 =	simm.s32 $0x4E80;
	s23 =	simm.s32 $0x0  }
0x8: {  	s6 =	sand.u32 $0x1, s4;
	s4 =	simm.s32 $0x0;
	s8 =	smul.u32 $0xA000, s2  }
0x9: {  	s10 =	smul.u32 $0x28000, s2;
	s22 =	sshll.u32 s2, $0x6;
	s7 =	sshll.u32 s6, $0x4  }
0xa: {  	[smem:$0x7FF] =	sst s4;
	s9 =	smul.u32 $0xA0000, s6;
	s6 =	ssub.s32 $0x2, s6  }
0xb: {  	s22 =	sor.u32 $0x1C03, s22;
	s7 =	sor.u32 s2, s7;
	_ =	strace $0x8000004D  }
0xc: {  	s11 =	sshrl.u32 s6, $0x1;
	s30 =	sshrl.u32 s10, $0x2;
	s7 =	smul.u32 $0x4F0, s7  }
0xd: {  	s9 =	sadd.s32 s8, s9;
	s13 =	ssub.s32 s6, s11;
	s31 =	sadd.s32 s30, s3  }
0xe: {  	s9 =	sshrl.u32 s9, $0x3;
	s10 =	sadd.s32 $0x6000, s31;
	s11 =	sadd.s32 $0x8000, s31  }
0xf: {  	s13 =	smax.u32 s13, $0x1;
	s7 =	sadd.s32 s7, s5;
	s12 =	sadd.s32 s9, s5  }
0x10: {  	s9 =	sadd.s32 $0x4000, s31;
	s5 =	sadd.s32 $0xC600, s7;
	s6 =	sadd.s32 $0x2800, s7  }
0x11: {  	v0 =	vimm.f32 $0.0e+00;
	s7 =	sadd.s32 s8, s3;
	s8 =	sadd.s32 $0x2000, s31;
	s12 =	sadd.s32 $0x8E400, s12  }
.LBB2_1:
0x12: {  	[tilespmem:s4], [sflag:$0x3] =	stream.linear.gather [hbm4b:s5+s4], $0x2780, $0x38;
	[tilespmem:$0x12F00] =	vst v63  }
0x13: {  	_ =	swait.ge [sflag:s14], $0x2780  }
0x14: {  	[sflag:s14] =	ssyncset.done $0x0  }
0x15: {  	[sflag:s14] =	ssyncadd.s32 $0xFFFFD880  }
0x16: {  	[tilespmem:s15], [sflag:$0x3] =	stream.linear.gather [hbm4b:s6+s4], $0x2780, $0x38;
	[tilespmem:$0x12F00] =	vst v63  }
0x17: {  	_ =	swait.ge [sflag:s14], $0x2780  }
0x18: {  	[sflag:s14] =	ssyncset.done $0x0  }
0x19: {  	s25 =	simm.s32 $0x100;
	s24 =	simm.s32 $0x0;
	[sflag:s14] =	ssyncadd.s32 $0xFFFFD880  }
.LBB2_2:
0x1a: {  	p0 =	sne.s32 s25, $0x7F00;
	[tilespmem:s24+$0x4F30] =	vst v0;
	s26 =	smov.u32 s25;
	s25 =	sadd.s32 $0x100, s25  }
.Ltmp0:
0x1b: {  	[tilespmem:s24+$0x4F20] =	vst v0;
	(pc) =	sbr.rel @p0 .LBB2_2-.Ltmp0, $3  }
0x1c: {  	[tilespmem:s24+$0x4F00] =	vst v0  }
0x1d: {  	[tilespmem:s24+$0x4F10] =	vst v0;
	_ =	sdelay $0x1  }
0x1e: {  	s24 =	sshra.s32 s26, $0x2  }
0x1f: {  	[tilespmem:s24+$0x4F30] =	vst v0  }
0x20: {  	[tilespmem:s24+$0x4F20] =	vst v0  }
0x21: {  	[tilespmem:s24+$0x4F00] =	vst v0  }
0x22: {  	[tilespmem:s24+$0x4F10] =	vst v0  }
0x23: {  	[spmem:s7] =	stream.linear.scatter [tilespmem:s16], [sflag:$0x3], $0x2000, $0x38;
	[tilespmem:$0x12F00] =	vst v63  }
0x24: {  	_ =	swait.ge [sflag:s14], $0x2000  }
0x25: {  	[sflag:s14] =	ssyncset.done $0x0  }
0x26: {  	[sflag:s14] =	ssyncadd.s32 $0xFFFFE000  }
0x27: {  	[spmem:s8] =	stream.linear.scatter [tilespmem:s16], [sflag:$0x3], $0x2000, $0x38;
	[tilespmem:$0x12F00] =	vst v63  }
0x28: {  	_ =	swait.ge [sflag:s14], $0x2000  }
0x29: {  	[sflag:s14] =	ssyncset.done $0x0  }
0x2a: {  	[sflag:s14] =	ssyncadd.s32 $0xFFFFE000  }
0x2b: {  	[spmem:s9] =	stream.linear.scatter [tilespmem:s16], [sflag:$0x3], $0x2000, $0x38;
	[tilespmem:$0x12F00] =	vst v63  }
0x2c: {  	_ =	swait.ge [sflag:s14], $0x2000  }
0x2d: {  	[sflag:s14] =	ssyncset.done $0x0  }
0x2e: {  	[sflag:s14] =	ssyncadd.s32 $0xFFFFE000  }
0x2f: {  	[spmem:s10] =	stream.linear.scatter [tilespmem:s16], [sflag:$0x3], $0x2000, $0x38;
	[tilespmem:$0x12F00] =	vst v63  }
0x30: {  	_ =	swait.ge [sflag:s14], $0x2000  }
0x31: {  	[sflag:s14] =	ssyncset.done $0x0  }
0x32: {  	[sflag:s14] =	ssyncadd.s32 $0xFFFFE000  }
0x33: {  	[spmem:s11] =	stream.linear.scatter [tilespmem:s16], [sflag:$0x3], $0x2000, $0x38;
	[tilespmem:$0x12F00] =	vst v63  }
0x34: {  	_ =	swait.ge [sflag:s14], $0x2000  }
0x35: {  	[sflag:s14] =	ssyncset.done $0x0  }
0x36: {  	[sflag:s14] =	ssyncadd.s32 $0xFFFFE000  }
0x37: {  	s26 =	simm.s32 $0x0;
	[bflag:$0x0] =	sbarrier.arrive $0xFFFF  }
0x38: {  	[tilespmem:s16], [sflag:$0x1] =	stream.indirect.gather [hbm4b:s1+s17], $0x40, s26, s17, $0xb8;
	[tilespmem:$0x12F00] =	vst v63  }
0x39: {  	_ =	swait.ge [sflag:s18], $0x2000  }
0x3a: {  	[sflag:s18] =	ssyncset.done $0x0  }
0x3b: {  	s28 =	simm.s32 $0x80;
	[sflag:s18] =	ssyncadd.s32 $0xFFFFE000  }
0x3c: {  	[tilespmem:s19], [sflag:$0x2] =	stream.indirect.gather [hbm4b:s1+s17], $0x40, s28, s17, $0xb8;
	[tilespmem:$0x12F00] =	vst v63  }
0x3d: {  	s29 =	simm.s32 $0x2780  }
0x3e: {  	[spmem:s3] =	stream.indirect.scatter.add.f32 [tilespmem:s16], [sflag:$0x3], $0x40, s29, s17, $0xb8;
	[tilespmem:$0x12F00] =	vst v63  }
0x3f: {  	_ =	swait.ge [sflag:s14], $0x2000  }
0x40: {  	[sflag:s14] =	ssyncset.done $0x0  }
0x41: {  	[sflag:s14] =	ssyncadd.s32 $0xFFFFE000  }
0x42: {  	_ =	swait.ge [sflag:s20], $0x2000  }
0x43: {  	[sflag:s20] =	ssyncset.done $0x0  }
0x44: {  	s30 =	simm.s32 $0x100;
	[sflag:s20] =	ssyncadd.s32 $0xFFFFE000  }
0x45: {  	[tilespmem:s16], [sflag:$0x1] =	stream.indirect.gather [hbm4b:s1+s17], $0x40, s30, s17, $0xb8;
	[tilespmem:$0x12F00] =	vst v63  }
0x46: {  	s31 =	simm.s32 $0x2800  }
0x47: {  	[spmem:s3] =	stream.indirect.scatter.add.f32 [tilespmem:s19], [sflag:$0x3], $0x40, s31, s17, $0xb8;
	[tilespmem:$0x12F00] =	vst v63  }
0x48: {  	_ =	swait.ge [sflag:s14], $0x2000  }
0x49: {  	s24 =	simm.s32 $0x400;
	[sflag:s14] =	ssyncset.done $0x0  }
.LBB2_4:
0x4a: {  	p0 =	sne.s32 s24, $0x9800  }
0x4b: {  	[sflag:s14] =	ssyncadd.s32 $0xFFFFE000;
	s25 =	smov.u32 s24;
	s24 =	sadd.s32 $0x400, s24  }
0x4c: {  	_ = 	snop  }
0x4d: {  	_ =	swait.ge [sflag:s18], $0x2000  }
0x4e: {  	s25 =	sshra.s32 s25, $0x2;
	[sflag:s18] =	ssyncset.done $0x0  }
0x4f: {  	s26 =	sadd.s32 $0x80, s25;
	[sflag:s18] =	ssyncadd.s32 $0xFFFFE000  }
0x50: {  	[tilespmem:s19], [sflag:$0x2] =	stream.indirect.gather [hbm4b:s1+s17], $0x40, s26, s17, $0xb8;
	[tilespmem:$0x12F00] =	vst v63  }
0x51: {  	s26 =	sadd.s32 $0x2780, s25  }
0x52: {  	[spmem:s3] =	stream.indirect.scatter.add.f32 [tilespmem:s16], [sflag:$0x3], $0x40, s26, s17, $0xb8;
	[tilespmem:$0x12F00] =	vst v63  }
0x53: {  	_ =	swait.ge [sflag:s14], $0x2000  }
0x54: {  	[sflag:s14] =	ssyncset.done $0x0  }
0x55: {  	[sflag:s14] =	ssyncadd.s32 $0xFFFFE000  }
0x56: {  	_ =	swait.ge [sflag:s20], $0x2000  }
0x57: {  	[sflag:s20] =	ssyncset.done $0x0  }
0x58: {  	s26 =	sadd.s32 $0x100, s25;
	[sflag:s20] =	ssyncadd.s32 $0xFFFFE000  }
0x59: {  	[tilespmem:s16], [sflag:$0x1] =	stream.indirect.gather [hbm4b:s1+s17], $0x40, s26, s17, $0xb8;
	[tilespmem:$0x12F00] =	vst v63  }
.Ltmp1:
0x5a: {  	_ = 	snop;
	(pc) =	sbr.rel @p0 .LBB2_4-.Ltmp1, $4  }
0x5b: {  	s25 =	sadd.s32 $0x2800, s25  }
0x5c: {  	[spmem:s3] =	stream.indirect.scatter.add.f32 [tilespmem:s19], [sflag:$0x3], $0x40, s25, s17, $0xb8;
	[tilespmem:$0x12F00] =	vst v63  }
0x5d: {  	_ =	swait.ge [sflag:s14], $0x2000  }
0x5e: {  	[sflag:s14] =	ssyncset.done $0x0  }
0x5f: {  	[sflag:s14] =	ssyncadd.s32 $0xFFFFE000  }
0x60: {  	_ =	swait.ge [sflag:s18], $0x2000  }
0x61: {  	[sflag:s18] =	ssyncset.done $0x0  }
0x62: {  	[sflag:s18] =	ssyncadd.s32 $0xFFFFE000  }
0x63: {  	[spmem:s3] =	stream.indirect.scatter.add.f32 [tilespmem:s16], [sflag:$0x3], $0x40, s21, s17, $0xb8;
	[tilespmem:$0x12F00] =	vst v63  }
0x64: {  	_ =	swait.ge [sflag:s14], $0x2000  }
0x65: {  	s23 =	sadd.s32 $0x1, s23;
	[sflag:s14] =	ssyncset.done $0x0  }
0x66: {  	p0 =	sne.s32 s23, s13;
	[sflag:s14] =	ssyncadd.s32 $0xFFFFE000  }
.Ltmp2:
0x67: {  	s24 =	sshrl.u32 s7, $0x3;
	[bflag:$0x0] =	sbarrier.arrive $0xFFFF;
	(pc) =	sbr.rel @p0 .LBB2_1-.Ltmp2, $4  }
0x68: {  	[hbm:s12], [sflag:s22] =	dma.local [spmem:s24], $0x1400  }
0x69: {  	_ =	swait.ge [sflag:s14], $0x1400  }
0x6a: {  	[sflag:s14] =	ssyncset.done $0x0  }
0x6b: {  	[sflag:s14] =	ssyncadd.s32 $0xFFFFEC00  }
0x6c: {  	_ =	sfence.sel $0x180000  }
0x6d: {  	[bflag:$0x0] =	sbarrier.arrive $0xFFFF  }
0x6e: {  	p0 =	sne.s32 s2, $0x0;
	_ =	strace $0x9000004D  }
0x6f: {  	s0 =	sadd.s32 @!p0 $0x100000, s0;
	[bflag:$0x2] =	sbarrier.arrive $0xFFFF  }
0x70: {  	[sflag:s0] =	ssyncadd.tile.s32 @!p0 $0x1;
	_ =	shalt  }
.Lfunc_end2:
_tile_overlayer_lowered:
.L_overlay_start_2:
0x71: {  	(tag) =	ssettag $0x2  }
0x72: {  	s0 =	rddreg [dreg:$0x0];
	s2 =	stileid.u32  }
0x73: {  	s1 =	rddreg [dreg:$0x1];
	p0 =	sne.s32 s2, $0x0  }
0x74: {  	s3 =	rddreg [dreg:$0x2];
	[bflag:$0x3] =	sbarrier.arrive $0xFFFF;
	s2 =	simm.s32 @!p0 $0x1C03  }
0x75: {  	[timem:s3], [sflag:s2] =	dma.local @!p0 [hbm:s0], s1  }
0x76: {  	s0 =	simm.s32 @!p0 $0x3  }
0x77: {  	_ =	swait.ge @!p0 [sflag:s0], s1  }
0x78: {  	s1 =	ssub.s32 @!p0 $0x0, s1;
	[sflag:s0] =	ssyncset.done @!p0 $0x0  }
0x79: {  	[sflag:s0] =	ssyncadd.s32 @!p0 s1  }
0x7a: {  	[bflag:$0x3] =	sbarrier.arrive $0xFFFF  }
0x7b: {  	_ =	shalt  }

// kernel: kernel.9.cloned.1.call-start
scs
__scs_entry_jumppad:
0x0: {  	(pc) =	sbr.rel $0x88, $3  }
0x1: {  	(tag) =	ssettag $0x0;
	lr =	simm.s32 $0x1  }
0x2: {  	[smem:$0x3F9B] =	sst lr;
	_ =	strace $0xD0000000  }
0x3: {  	_ = 	snop  }
0x4: {  	_ = 	snop  }
0x5: {  	_ = 	snop  }
0x6: {  	_ = 	snop  }
0x7: {  	_ = 	snop  }
__scs_overlays_trampoline_lowered:
0x8: {  	[smem:$0x3FAA] =	sst s0  }
0x9: {  	[smem:$0x3FAB] =	sst s1  }
0xa: {  	[smem:$0x3FAC] =	sst s2  }
0xb: {  	[smem:$0x3FAD] =	sst s3  }
0xc: {  	[smem:$0x3FAE] =	sst s4  }
0xd: {  	[smem:$0x3FAF] =	sst s5  }
0xe: {  	[smem:$0x3FB0] =	sst s6  }
0xf: {  	[smem:$0x3FB1] =	sst s7  }
0x10: {  	[smem:$0x3FB2] =	sst s8  }
0x11: {  	[smem:$0x3FB3] =	sst s9;
	s0 =	simm.s32 @!p0 $0x0  }
0x12: {  	s1 =	sld [smem:$0x3F99];
	s0 =	simm.s32 @p0 $0x1  }
0x13: {  	[smem:$0x3FB4] =	sst s0;
	s0 =	simm.s32 @!p1 $0x0  }
0x14: {  	s2 =	sld [smem:$0x3F98];
	s0 =	simm.s32 @p1 $0x1  }
0x15: {  	[smem:$0x3FB5] =	sst s0;
	s0 =	simm.s32 @!p2 $0x0  }
0x16: {  	s3 =	sld [smem:$0x3FDB];
	s0 =	simm.s32 @p2 $0x1  }
0x17: {  	s4 =	simm.s32 $0x1BF5;
	[smem:$0x3FB7] =	sst s0  }
0x18: {  	s0 =	sld [smem:$0x3F9A];
	_ =	swait.ge [sflag:s4], $0x0  }
0x19: {  	s7 =	sld [smem:$0x3F9B]  }
0x1a: {  	s8 =	sadd.s32 $0xFFFFE003, lr  }
0x1b: {  	s9 =	sadd.s32 $0xFFFFFEF7, lr;
	s5 =	simm.s32 $0xFFFFFFFF;
	p2 =	slt.u32 s8, $0xFFFFF086  }
0x1c: {  	p1 =	slt.u32 s9, $0xF7A;
	s5 =	simm.s32 @!p2 $0x0  }
0x1d: {  	s5 =	simm.s32 @p1 $0x1;
	p0 =	seq.s32 s7, s2  }
0x1e: {  	s7 =	smul.u32 @!p0 $0xF7A, s2;
	p2 =	seq.s32 @!p0 s5, $0x0  }
0x1f: {  	s9 =	smul.u32 $0xF7A, s1;
	s8 =	simm.s32 @!p0 $0x1BF5;
	p2 =	por !p2, p0  }
0x20: {  	[sflag:s8] =	ssyncset.s32 @!p0 $0xFFFFF086;
	s6 =	sadd.s32 @!p0 s3, s7;
	s7 =	simm.s32 @!p0 $0x108  }
0x21: {  	s3 =	sadd.s32 s3, s9;
	s6 =	sadd.s32 @!p0 $0x88, s6;
	s7 =	simm.s32 @p2 $0x1082  }
0x22: {  	[simem:s7], [sflag:s8] =	dma.local @!p0 [hbm:s6], $0xF7A  }
0x23: {  	s9 =	sor.u32 $0xD0000000, s2;
	s6 =	simm.s32 $0x108;
	_ =	swait.ge @!p0 [sflag:s8], $0x0  }
0x24: {  	s3 =	sadd.s32 $0x88, s3;
	s6 =	simm.s32 @!p1 $0x1082;
	[sflag:s4] =	ssyncset.s32 $0xFFFFF086  }
0x25: {  	[simem:s6], [sflag:s4] =	dma.local [hbm:s3], $0xF7A  }
0x26: {  	[smem:$0x3F9B] =	sst s1;
	(tag) =	ssettag s2;
	_ =	strace s9  }
0x27: {  	s1 =	sld [smem:$0x3FAB]  }
0x28: {  	s2 =	sld [smem:$0x3FAC]  }
0x29: {  	s4 =	sld [smem:$0x3FAE]  }
0x2a: {  	p0 =	seq.s32 s5, $0x0;
	s5 =	sld [smem:$0x3FAF]  }
0x2b: {  	s6 =	sld [smem:$0x3FB0]  }
0x2c: {  	s7 =	sld [smem:$0x3FB1]  }
0x2d: {  	s3 =	simm.s32 $0x108;
	s8 =	sld [smem:$0x3FB2]  }
0x2e: {  	s3 =	simm.s32 @!p0 $0x1082;
	s9 =	sld [smem:$0x3FB3]  }
0x2f: {  	lr =	sadd.s32 s0, s3;
	s0 =	sld [smem:$0x3FAA]  }
0x30: {  	s3 =	sld [smem:$0x3FAD]  }
0x31: {  	[smem:$0x3FB6] =	sst s10  }
0x32: {  	s10 =	sld [smem:$0x3FB4];
	_ =	sdelay $0x3  }
0x33: {  	p0 =	seq.s32 s10, $0x1;
	s10 =	sld [smem:$0x3FB6];
	_ =	sdelay $0x3  }
0x34: {  	[smem:$0x3FB6] =	sst s10  }
0x35: {  	s10 =	sld [smem:$0x3FB5];
	_ =	sdelay $0x3  }
0x36: {  	p1 =	seq.s32 s10, $0x1;
	s10 =	sld [smem:$0x3FB6];
	_ =	sdelay $0x3  }
0x37: {  	[smem:$0x3FB6] =	sst s10  }
0x38: {  	s10 =	sld [smem:$0x3FB7]  }
0x39: {  	_ = 	snop;
	(pc) =	sbr.ind lr, $3  }
0x3a: {  	_ = 	snop  }
0x3b: {  	_ = 	snop  }
0x3c: {  	p2 =	seq.s32 s10, $0x1;
	s10 =	sld [smem:$0x3FB6]  }
0x3d: {  	_ =	shalt  }
0x3e: {  	_ =	shalt  }
0x3f: {  	_ =	shalt  }
0x40: {  	_ =	shalt  }
0x41: {  	_ =	shalt  }
0x42: {  	_ =	shalt  }
0x43: {  	_ =	shalt  }
0x44: {  	_ =	shalt  }
0x45: {  	_ =	shalt  }
0x46: {  	_ =	shalt  }
0x47: {  	_ =	shalt  }
0x48: {  	_ =	shalt  }
0x49: {  	_ =	shalt  }
0x4a: {  	_ =	shalt  }
0x4b: {  	_ =	shalt  }
0x4c: {  	_ =	shalt  }
0x4d: {  	_ =	shalt  }
0x4e: {  	_ =	shalt  }
0x4f: {  	_ =	shalt  }
0x50: {  	_ =	shalt  }
0x51: {  	_ =	shalt  }
0x52: {  	_ =	shalt  }
0x53: {  	_ =	shalt  }
0x54: {  	_ =	shalt  }
0x55: {  	_ =	shalt  }
0x56: {  	_ =	shalt  }
0x57: {  	_ =	shalt  }
0x58: {  	_ =	shalt  }
0x59: {  	_ =	shalt  }
0x5a: {  	_ =	shalt  }
0x5b: {  	_ =	shalt  }
0x5c: {  	_ =	shalt  }
0x5d: {  	_ =	shalt  }
0x5e: {  	_ =	shalt  }
0x5f: {  	_ =	shalt  }
0x60: {  	_ =	shalt  }
0x61: {  	_ =	shalt  }
0x62: {  	_ =	shalt  }
0x63: {  	_ =	shalt  }
0x64: {  	_ =	shalt  }
0x65: {  	_ =	shalt  }
0x66: {  	_ =	shalt  }
0x67: {  	_ =	shalt  }
0x68: {  	_ =	shalt  }
0x69: {  	_ =	shalt  }
0x6a: {  	_ =	shalt  }
0x6b: {  	_ =	shalt  }
0x6c: {  	_ =	shalt  }
0x6d: {  	_ =	shalt  }
0x6e: {  	_ =	shalt  }
0x6f: {  	_ =	shalt  }
0x70: {  	_ =	shalt  }
0x71: {  	_ =	shalt  }
0x72: {  	_ =	shalt  }
0x73: {  	_ =	shalt  }
0x74: {  	_ =	shalt  }
0x75: {  	_ =	shalt  }
0x76: {  	_ =	shalt  }
0x77: {  	_ =	shalt  }
0x78: {  	_ =	shalt  }
0x79: {  	_ =	shalt  }
0x7a: {  	_ =	shalt  }
0x7b: {  	_ =	shalt  }
0x7c: {  	_ =	shalt  }
0x7d: {  	_ =	shalt  }
0x7e: {  	_ =	shalt  }
0x7f: {  	_ =	shalt  }
0x80: {  	_ =	shalt  }
0x81: {  	_ =	shalt  }
0x82: {  	_ =	shalt  }
0x83: {  	_ =	shalt  }
0x84: {  	_ =	shalt  }
0x85: {  	_ =	shalt  }
0x86: {  	_ =	shalt  }
0x87: {  	_ =	shalt  }
.Lfunc_end0:
.L_simem_size_0:
called_computation_lowered:
.L_overlay_start_0:
0x88: {  	s2 =	sld [smem:$0x3FD9]  }
0x89: {  	s3 =	sld [smem:$0x3FFE];
	_ =	sdelay $0x1  }
0x8a: {  	s1 =	srdreg.scid  }
0x8b: {  	s0 =	sand.u32 $0x1, s1  }
0x8c: {  	s17 =	sshll.u32 s0, $0xA;
	s2 =	sadd.s32 s3, s2  }
0x8d: {  	s2 =	sadd.s32 s2, s17  }
0x8e: {  	[smem:$0x3FC2] =	sst s2  }
0x8f: {  	_ = 	snop  }
0x90: {  	s2 =	sld [smem:$0x3FD0];
	(tm) =	ssettm $0x1  }
0x91: {  	s18 =	sld [smem:$0x3FFB];
	_ =	sdelay $0x3  }
0x92: {  	_ =	strace s18  }
0x93: {  	s3 =	sld [smem:$0x3FFC];
	_ =	sdelay $0x3  }
0x94: {  	_ =	strace s3  }
0x95: {  	s3 =	sld [smem:$0x3FFD];
	_ =	sdelay $0x3  }
0x96: {  	_ =	strace s3  }
0x97: {  	_ =	strace $0x8FFFFFFF  }
0x98: {  	s19 =	sld [smem:$0x3FDB];
	_ =	sdelay $0x1  }
0x99: {  	s4 =	simm.s32 $_scs_section_size  }
0x9a: {  	s5 =	simm.s32 $_size__tile_overlayer_lowered;
	s6 =	simm.s32 $_tile_overlayer_lowered  }
0x9b: {  	s22 =	simm.s32 $0x1BFF;
	s21 =	sshll.u32 s6, $0x1;
	s3 =	sadd.s32 s4, s19  }
0x9c: {  	s7 =	simm.s32 $0x0;
	s20 =	sshll.u32 s5, $0x1;
	s5 =	sadd.s32 s21, s3  }
0x9d: {  	[timem:s7], [sflag:s22] =	dma.local [hbm:s5], s20  }
0x9e: {  	_ =	swait.ge [sflag:s22], s20  }
0x9f: {  	s4 =	ssub.s32 $0x0, s20;
	[sflag:s22] =	ssyncset.done $0x0  }
0xa0: {  	[sflag:s22] =	ssyncadd.s32 s4;
	_ =	sdelay $0x1  }
0xa1: {  	s23 =	simm.s32 $0x1B8B  }
0xa2: {  	_ =	swait.ge [sflag:s23], $0x1  }
0xa3: {  	[sflag:s23] =	ssyncset.done $0x0  }
0xa4: {  	s25 =	simm.s32 $0x1B8E;
	s24 =	sld [smem:$0x3FFE];
	[sflag:s23] =	ssyncadd.s32 $0xFFFFFFFF  }
0xa5: {  	s26 =	simm.s32 $execute0_lowered;
	[smem:$0x3FD2] =	sst s25  }
0xa6: {  	s5 =	sshll.u32 s26, $0x1;
	_ =	strace $0x80000046;
	[dreg:$0x1] =	wrdreg $0xFFFFFFFF  }
0xa7: {  	s28 =	simm.s32 $_size_execute0_lowered;
	s3 =	sadd.s32 s3, s5;
	[dreg:$0x0] =	wrdreg $0x0  }
0xa8: {  	s5 =	sshll.u32 s28, $0x1;
	[dreg:$0x2] =	wrdreg s3  }
0xa9: {  	[dreg:$0x3] =	wrdreg s5  }
0xaa: {  	[dreg:$0x4] =	wrdreg $0xC0  }
0xab: {  	_ =	task [dreg:s7], $0x5FFFF  }
0xac: {  	[dreg:$0x1] =	wrdreg $0xFFFFFFFF  }
0xad: {  	[dreg:$0x0] =	wrdreg $0x60  }
0xae: {  	[dreg:$0x2] =	wrdreg s24  }
0xaf: {  	[dreg:$0x3] =	wrdreg s2  }
0xb0: {  	[dreg:$0x4] =	wrdreg $0x2A800  }
0xb1: {  	[dreg:$0x5] =	wrdreg $0x9  }
0xb2: {  	_ =	task.clear_ibuf [dreg:s7], $0x6FFFF;
	_ =	strace $0x90000046  }
0xb3: {  	s29 =	simm.s32 $0x9;
	_ =	strace $0x80000048  }
0xb4: {  	_ =	swait.ge [sflag:s29], $0x1  }
0xb5: {  	[sflag:s29] =	ssyncadd.s32 $0xFFFFFFFF  }
0xb6: {  	_ =	strace $0x90000048  }
0xb7: {  	_ =	sfence  }
0xb8: {  	s30 =	sld [smem:$0x0];
	_ =	sdelay $0x2  }
0xb9: {  	s31 =	sshll.u32 s1, $0xD;
	s1 =	sshrl.u32 s1, $0x2  }
0xba: {  	s3 =	sand.u32 $0x4000, s31;
	s1 =	sadd.s32 s1, s30  }
0xbb: {  	s0 =	sor.u32 s3, s0;
	s1 =	sshll.u32 s1, $0x11  }
0xbc: {  	s0 =	sor.u32 s1, s0  }
0xbd: {  	s0 =	sadd.s32 $0x8F2B, s0  }
0xbe: {  	[sflag:s0] =	ssyncadd.remote.s32 $0x1  }
0xbf: {  	_ =	sfence.sel $0xFFFF  }
0xc0: {  	[dreg:$0x0] =	wrdreg $0xFFFFFFFF;
	(pc) =	sbr.abs _section_cstart, $3  }
0xc1: {  	[dreg:$0x1] =	wrdreg $0xFFFFFFFF  }
0xc2: {  	_ =	task.clear_ibuf [dreg:s7], $0x2FFFF;
	_ =	strace $0x9FFFFFFF  }
0xc3: {  	(tm) =	ssettm $0x7FFFFFFF  }
tec
execute0_lowered:
.L_overlay_start_1:
0x0: {  	(tag) =	ssettag $0x1  }
0x1: {  	s4 =	rddreg [dreg:$0x0]  }
0x2: {  	s6 =	rddreg [dreg:$0x1];
	s0 =	srdreg.scid  }
0x3: {  	s2 =	rddreg [dreg:$0x2];
	s1 =	stileid.u32;
	s3 =	simm.s32 $0x0  }
0x4: {  	s11 =	simm.s32 $0x2780;
	s5 =	sand.u32 $0x1, s0;
	s0 =	rddreg [dreg:$0x3]  }
0x5: {  	s14 =	simm.s32 $0x0;
	s8 =	smul.u32 $0x280, s1;
	[smem:$0x7FF] =	sst s3  }
0x6: {  	s12 =	sshll.u32 s1, $0x6;
	s7 =	sshll.u32 s5, $0x4;
	s9 =	smul.u32 $0x2800, s5  }
0x7: {  	s5 =	ssub.s32 $0x2, s5;
	_ =	strace $0x80000047;
	s7 =	sor.u32 s1, s7  }
0x8: {  	s12 =	sor.u32 $0x1C01, s12;
	s10 =	sshrl.u32 s5, $0x1;
	s7 =	smul.u32 $0x4F0, s7  }
0x9: {  	s9 =	sadd.s32 s8, s9;
	s31 =	ssub.s32 s5, s10;
	s5 =	sadd.s32 s8, s2  }
0xa: {  	s8 =	simm.s32 $0x1;
	s10 =	simm.s32 $0x80;
	s9 =	sshrl.u32 s9, $0x3  }
0xb: {  	s13 =	sshrl.u32 s5, $0x3;
	s4 =	sadd.s32 s7, s4;
	s6 =	sadd.s32 s6, s9  }
0xc: {  	v0 =	vimm.f32 $1.000000000e+00;
	v1 =	vimm.f32 $0.0e+00;
	s7 =	smax.u32 s31, $0x1;
	s9 =	simm.s32 $0x2800;
	s4 =	sadd.s32 $0x2800, s4  }
.LBB2_1:
0xd: {  	[tilespmem:s3], [sflag:$0x1] =	stream.linear.gather [hbm4b:s4+s3], $0x2780, $0x38;
	[tilespmem:$0x2D00] =	vst v63  }
0xe: {  	_ =	swait.ge [sflag:s8], $0x2780  }
0xf: {  	[sflag:s8] =	ssyncset.done $0x0  }
0x10: {  	[sflag:s8] =	ssyncadd.s32 $0xFFFFD880  }
0x11: {  	[tilespmem:$0x2780] =	vst v0  }
0x12: {  	[tilespmem:$0x2790] =	vst v0  }
0x13: {  	[tilespmem:$0x27A0] =	vst v0  }
0x14: {  	[tilespmem:$0x27B0] =	vst v0  }
0x15: {  	[tilespmem:$0x27C0] =	vst v0  }
0x16: {  	[tilespmem:$0x27D0] =	vst v0  }
0x17: {  	[tilespmem:$0x27E0] =	vst v0  }
0x18: {  	[tilespmem:$0x27F0] =	vst v0  }
0x19: {  	[tilespmem:$0x2800] =	vst v1  }
0x1a: {  	[tilespmem:$0x2810] =	vst v1  }
0x1b: {  	[tilespmem:$0x2820] =	vst v1  }
0x1c: {  	[tilespmem:$0x2830] =	vst v1  }
0x1d: {  	[tilespmem:$0x2840] =	vst v1  }
0x1e: {  	[tilespmem:$0x2850] =	vst v1  }
0x1f: {  	[tilespmem:$0x2860] =	vst v1  }
0x20: {  	[tilespmem:$0x2870] =	vst v1  }
0x21: {  	[tilespmem:$0x2880] =	vst v1  }
0x22: {  	[tilespmem:$0x2890] =	vst v1  }
0x23: {  	[tilespmem:$0x28A0] =	vst v1  }
0x24: {  	[tilespmem:$0x28B0] =	vst v1  }
0x25: {  	[tilespmem:$0x28C0] =	vst v1  }
0x26: {  	[tilespmem:$0x28D0] =	vst v1  }
0x27: {  	[tilespmem:$0x28E0] =	vst v1  }
0x28: {  	[tilespmem:$0x28F0] =	vst v1  }
0x29: {  	[tilespmem:$0x2900] =	vst v1  }
0x2a: {  	[tilespmem:$0x2910] =	vst v1  }
0x2b: {  	[tilespmem:$0x2920] =	vst v1  }
0x2c: {  	[tilespmem:$0x2930] =	vst v1  }
0x2d: {  	[tilespmem:$0x2940] =	vst v1  }
0x2e: {  	[tilespmem:$0x2950] =	vst v1  }
0x2f: {  	[tilespmem:$0x2960] =	vst v1  }
0x30: {  	[tilespmem:$0x2970] =	vst v1  }
0x31: {  	[tilespmem:$0x2980] =	vst v1  }
0x32: {  	[tilespmem:$0x2990] =	vst v1  }
0x33: {  	[tilespmem:$0x29A0] =	vst v1  }
0x34: {  	[tilespmem:$0x29B0] =	vst v1  }
0x35: {  	[tilespmem:$0x29C0] =	vst v1  }
0x36: {  	[tilespmem:$0x29D0] =	vst v1  }
0x37: {  	[tilespmem:$0x29E0] =	vst v1  }
0x38: {  	[tilespmem:$0x29F0] =	vst v1  }
0x39: {  	[tilespmem:$0x2A00] =	vst v1  }
0x3a: {  	[tilespmem:$0x2A10] =	vst v1  }
0x3b: {  	[tilespmem:$0x2A20] =	vst v1  }
0x3c: {  	[tilespmem:$0x2A30] =	vst v1  }
0x3d: {  	[tilespmem:$0x2A40] =	vst v1  }
0x3e: {  	[tilespmem:$0x2A50] =	vst v1  }
0x3f: {  	[tilespmem:$0x2A60] =	vst v1  }
0x40: {  	[tilespmem:$0x2A70] =	vst v1  }
0x41: {  	[spmem:s5] =	stream.linear.scatter [tilespmem:s9], [sflag:$0x1], $0x280, $0x38;
	[tilespmem:$0x2D00] =	vst v63  }
0x42: {  	_ =	swait.ge [sflag:s8], $0x280  }
0x43: {  	[sflag:s8] =	ssyncset.done $0x0  }
0x44: {  	[sflag:s8] =	ssyncadd.s32 $0xFFFFFD80  }
0x45: {  	s15 =	simm.s32 $0x0;
	[bflag:$0x0] =	sbarrier.arrive $0xFFFF  }
0x46: {  	[spmem:s2] =	stream.indirect.scatter.add.f32 [tilespmem:s11], [sflag:$0x1], $0x1, s15, s10, $0xb8;
	[tilespmem:$0x2D00] =	vst v63  }
0x47: {  	_ =	swait.ge [sflag:s8], $0x80  }
0x48: {  	s15 =	simm.s32 $0x200;
	[sflag:s8] =	ssyncset.done $0x0  }
.LBB2_2:
0x49: {  	s16 =	sshra.s32 s15, $0x2;
	[sflag:s8] =	ssyncadd.s32 $0xFFFFFF80;
	p0 =	sne.s32 s15, $0x9C00  }
0x4a: {  	[spmem:s2] =	stream.indirect.scatter.add.f32 [tilespmem:s11], [sflag:$0x1], $0x1, s16, s10, $0xb8;
	[tilespmem:$0x2D00] =	vst v63  }
.Ltmp0:
0x4b: {  	_ = 	snop;
	(pc) =	sbr.rel @p0 .LBB2_2-.Ltmp0, $4  }
0x4c: {  	_ = 	snop  }
0x4d: {  	s15 =	sadd.s32 $0x200, s15  }
0x4e: {  	_ =	swait.ge [sflag:s8], $0x80  }
0x4f: {  	[sflag:s8] =	ssyncset.done $0x0  }
0x50: {  	s14 =	sadd.s32 $0x1, s14  }
0x51: {  	[sflag:s8] =	ssyncadd.s32 $0xFFFFFF80;
	p0 =	sne.s32 s14, s7  }
.Ltmp1:
0x52: {  	[bflag:$0x0] =	sbarrier.arrive $0xFFFF;
	(pc) =	sbr.rel @p0 .LBB2_1-.Ltmp1, $4  }
0x53: {  	[hbm:s6], [sflag:s12] =	dma.local [spmem:s13], $0x50  }
0x54: {  	_ =	swait.ge [sflag:s8], $0x50  }
0x55: {  	[sflag:s8] =	ssyncset.done $0x0  }
0x56: {  	[sflag:s8] =	ssyncadd.s32 $0xFFFFFFB0  }
0x57: {  	_ =	sfence.sel $0x180000  }
0x58: {  	[bflag:$0x0] =	sbarrier.arrive $0xFFFF  }
0x59: {  	p0 =	sne.s32 s1, $0x0;
	_ =	strace $0x90000047  }
0x5a: {  	s0 =	sadd.s32 @!p0 $0x100000, s0;
	[bflag:$0x2] =	sbarrier.arrive $0xFFFF  }
0x5b: {  	[sflag:s0] =	ssyncadd.tile.s32 @!p0 $0x1;
	_ =	shalt  }
.Lfunc_end2:
_tile_overlayer_lowered:
.L_overlay_start_2:
0x5c: {  	(tag) =	ssettag $0x2  }
0x5d: {  	s0 =	rddreg [dreg:$0x0];
	s2 =	stileid.u32  }
0x5e: {  	s1 =	rddreg [dreg:$0x1];
	p0 =	sne.s32 s2, $0x0  }
0x5f: {  	s3 =	rddreg [dreg:$0x2];
	[bflag:$0x3] =	sbarrier.arrive $0xFFFF;
	s2 =	simm.s32 @!p0 $0x1C01  }
0x60: {  	[timem:s3], [sflag:s2] =	dma.local @!p0 [hbm:s0], s1  }
0x61: {  	s0 =	simm.s32 @!p0 $0x1  }
0x62: {  	_ =	swait.ge @!p0 [sflag:s0], s1  }
0x63: {  	s1 =	ssub.s32 @!p0 $0x0, s1;
	[sflag:s0] =	ssyncset.done @!p0 $0x0  }
0x64: {  	[sflag:s0] =	ssyncadd.s32 @!p0 s1  }
0x65: {  	[bflag:$0x3] =	sbarrier.arrive $0xFFFF  }
0x66: {  	_ =	shalt  }

</sc_bundles>
